<compile_context>
chip_gen: v7x
topology: tpu7x:2x2x1
jax: 0.10.2.dev20260603
libtpu: 0.0.44.dev20260713+nightly
codegen_flags: <defaults>
</compile_context>

<pallas_src>
import functools

import jax
import jax.numpy as jnp
import numpy as np
from jax.experimental import pallas as pl
from jax.experimental.pallas import tpu as pltpu
from jax.experimental.pallas import tpu_sc as plsc

S, B, H = 2048, 1, 768
NH, DH = 12, 64
E, K, F = 8, 2, 1024
EPS = 1e-06
BT = 256


def _qkv_rope_kernel(hs_ref, ln1_ref, wqkv_ref, cos_ref, sin_ref,
                     q_ref, k_ref, v_ref):
    x = hs_ref[...]
    var = jnp.mean(x * x, axis=-1, keepdims=True)
    xn = x * jax.lax.rsqrt(var + EPS) * ln1_ref[...]
    qkv = jnp.dot(xn, wqkv_ref[...], preferred_element_type=jnp.float32)
    cos = cos_ref[...]
    sin = sin_ref[...]
    q_parts, k_parts, v_parts = [], [], []
    for h in range(NH):
        base = h * 3 * DH
        qh = qkv[:, base:base + DH]
        kh = qkv[:, base + DH:base + 2 * DH]
        vh = qkv[:, base + 2 * DH:base + 3 * DH]
        half = DH // 2
        qrot = jnp.concatenate([-qh[:, half:], qh[:, :half]], axis=1)
        krot = jnp.concatenate([-kh[:, half:], kh[:, :half]], axis=1)
        q_parts.append(qh * cos + qrot * sin)
        k_parts.append(kh * cos + krot * sin)
        v_parts.append(vh)
    q_ref[...] = jnp.concatenate(q_parts, axis=1)
    k_ref[...] = jnp.concatenate(k_parts, axis=1)
    v_ref[...] = jnp.concatenate(v_parts, axis=1)


BA = 512


def _attn_kernel(q_ref, k_ref, v_ref, ctx_ref, acc_ref, l_ref):
    qi = pl.program_id(0)
    kb = pl.program_id(1)
    scale = 1.0 / (DH ** 0.5)

    @pl.when(kb == 0)
    def _():
        acc_ref[...] = jnp.zeros((BA, H), jnp.float32)
        l_ref[...] = jnp.zeros((BA, 128), jnp.float32)

    @pl.when(kb <= qi)
    def _():
        row = jax.lax.broadcasted_iota(jnp.int32, (BA, BA), 0)
        col = jax.lax.broadcasted_iota(jnp.int32, (BA, BA), 1)
        not_diag = kb < qi
        keep = not_diag | (col <= row)
        for h in range(NH):
            sl = slice(h * DH, (h + 1) * DH)
            qh = q_ref[:, sl] * scale
            s = jax.lax.dot_general(qh, k_ref[:, sl], (((1,), (1,)), ((), ())),
                                    preferred_element_type=jnp.float32)
            p = jnp.where(keep, jnp.exp(s), 0.0)
            l_ref[:, h:h + 1] = l_ref[:, h:h + 1] + jnp.sum(p, axis=-1,
                                                            keepdims=True)
            acc_ref[:, sl] = acc_ref[:, sl] + jnp.dot(
                p, v_ref[:, sl], preferred_element_type=jnp.float32)

    @pl.when(kb == qi)
    def _():
        parts = []
        for h in range(NH):
            sl = slice(h * DH, (h + 1) * DH)
            parts.append(acc_ref[:, sl] / l_ref[:, h:h + 1])
        ctx_ref[...] = jnp.concatenate(parts, axis=1)


def _proj_router_kernel(ctx_ref, resid_ref, wo_ref, ln2_ref, wr_ref,
                        attn_out_ref, h2_ref, i1_ref, i2_ref,
                        p1_ref, p2_ref, cnt_ref):
    attn_out = jnp.dot(ctx_ref[...], wo_ref[...],
                       preferred_element_type=jnp.float32) + resid_ref[...]
    attn_out_ref[...] = attn_out
    var = jnp.mean(attn_out * attn_out, axis=-1, keepdims=True)
    h2 = attn_out * jax.lax.rsqrt(var + EPS) * ln2_ref[...]
    h2_ref[...] = h2
    logits = jnp.dot(h2, wr_ref[...], preferred_element_type=jnp.float32)
    eio = jax.lax.broadcasted_iota(jnp.int32, (BT, E), 1)
    m1 = jnp.max(logits, axis=-1, keepdims=True)
    i1 = jnp.min(jnp.where(logits == m1, eio, E), axis=-1, keepdims=True)
    l2 = jnp.where(eio == i1, -jnp.inf, logits)
    m2 = jnp.max(l2, axis=-1, keepdims=True)
    i2 = jnp.min(jnp.where(l2 == m2, eio, E), axis=-1, keepdims=True)
    z = jnp.exp(m2 - m1)
    p1 = 1.0 / (1.0 + z)
    p2 = 1.0 - p1
    i1_ref[...] = i1
    i2_ref[...] = i2
    p1_ref[...] = p1
    p2_ref[...] = p2
    c = pl.program_id(0)
    m1 = (i1 == eio).astype(jnp.float32)
    m2 = (i2 == eio).astype(jnp.float32)
    colsum = jnp.sum(m1 + m2, axis=0, keepdims=True)
    prev = jnp.where(c == 0, jnp.zeros((1, E), jnp.float32), cnt_ref[...])
    cnt_ref[...] = prev + colsum



BTM = 256
NPAD = S * K + E * BTM
NBLK = NPAD // BTM
NBPAD = 128
CH = 256
NC_CH = S // CH


def _masks(i1_ref, i2_ref):
    f32 = jnp.float32
    eio = jax.lax.broadcasted_iota(jnp.int32, (CH, E), 1)
    m1 = (i1_ref[...] == eio).astype(f32)
    m2 = (i2_ref[...] == eio).astype(f32)
    return m1, m2


def _pos_kernel(i1_ref, i2_ref, counts_ref, pos1_ref, pos2_ref, binfo_ref,
                st_ref):
    f32 = jnp.float32
    c = pl.program_id(0)
    m1, m2 = _masks(i1_ref, i2_ref)
    msum = m1 + m2

    @pl.when(c == 0)
    def _():
        counts = counts_ref[...]
        padded = jnp.ceil(counts / BTM) * BTM
        rio = jax.lax.broadcasted_iota(jnp.int32, (E, E), 0)
        cio = jax.lax.broadcasted_iota(jnp.int32, (E, E), 1)
        tri = (rio < cio).astype(f32)
        offs = jnp.dot(padded, tri, preferred_element_type=f32)
        st_ref[0:1, :] = offs
        st_ref[1:2, :] = jnp.zeros((1, E), f32)
        eye = (rio == cio).astype(f32)
        offs_t = jax.lax.dot_general(eye, offs, (((1,), (1,)), ((), ())),
                                     preferred_element_type=f32)
        bio = jax.lax.broadcasted_iota(
            jnp.int32, (E, NBPAD), 1).astype(f32) * BTM
        x = (offs_t <= bio).astype(f32)
        cnt_row = jnp.dot(jnp.ones((1, E), f32), x,
                          preferred_element_type=f32)
        bstart = jax.lax.broadcasted_iota(
            jnp.int32, (1, NBPAD), 1).astype(f32) * BTM
        total = jnp.sum(padded)
        binfo_ref[...] = jnp.where(bstart < total, cnt_row - 1.0,
                                   float(E)).astype(jnp.int32)

    base = st_ref[0:1, :] + st_ref[1:2, :]
    rio = jax.lax.broadcasted_iota(jnp.int32, (CH, CH), 0)
    cio = jax.lax.broadcasted_iota(jnp.int32, (CH, CH), 1)
    tril = (rio > cio).astype(f32)
    ex0 = jnp.dot(tril, msum, preferred_element_type=f32)
    pos1_ref[...] = jnp.sum(m1 * (base + ex0), axis=1,
                            keepdims=True).astype(jnp.int32)
    pos2_ref[...] = jnp.sum(m2 * (base + ex0), axis=1,
                            keepdims=True).astype(jnp.int32)
    st_ref[1:2, :] = st_ref[1:2, :] + jnp.sum(msum, axis=0, keepdims=True)


def _moe_mm_kernel(be_ref, xs_ref, w1_ref, w2_ref, ys_ref):
    b = pl.program_id(0)

    @pl.when(be_ref[b] < E)
    def _():
        a = jnp.dot(xs_ref[...], w1_ref[0], preferred_element_type=jnp.float32)
        g = jax.nn.gelu(a)
        ys_ref[...] = jnp.dot(g, w2_ref[0], preferred_element_type=jnp.float32)


def _combine_kernel(res_ref, r1_ref, r2_ref, p1_ref, p2_ref, out_ref):
    out_ref[...] = (res_ref[...] + p1_ref[...] * r1_ref[...]
                    + p2_ref[...] * r2_ref[...])


NW = 32
TOKW = S // NW


@functools.cache
def _get_sc_kernels():
    mesh = plsc.VectorSubcoreMesh(core_axis_name="c", subcore_axis_name="s")

    @functools.partial(
        pl.kernel,
        out_type=jax.ShapeDtypeStruct((NPAD, H), jnp.float32),
        mesh=mesh,
        scratch_types=[pltpu.VMEM((TOKW,), jnp.int32),
                       pltpu.VMEM((TOKW,), jnp.int32),
                       pltpu.VMEM((TOKW, H), jnp.float32),
                       pltpu.SemaphoreType.DMA],
    )
    def sc_dispatch(h2_hbm, pos1_hbm, pos2_hbm, xs_hbm, idx1_v, idx2_v,
                    rows_v, sem):
        wid = jax.lax.axis_index("s") * 2 + jax.lax.axis_index("c")
        base = wid * TOKW
        pltpu.sync_copy(h2_hbm.at[pl.ds(base, TOKW)], rows_v)
        pltpu.sync_copy(pos1_hbm.at[pl.ds(base, TOKW)], idx1_v)
        pltpu.sync_copy(pos2_hbm.at[pl.ds(base, TOKW)], idx2_v)
        c1 = pltpu.async_copy(rows_v, xs_hbm.at[idx1_v], sem)
        c2 = pltpu.async_copy(rows_v, xs_hbm.at[idx2_v], sem)
        c1.wait()
        c2.wait()

    @functools.partial(
        pl.kernel,
        out_type=[jax.ShapeDtypeStruct((S, H), jnp.float32),
                  jax.ShapeDtypeStruct((S, H), jnp.float32)],
        mesh=mesh,
        scratch_types=[pltpu.VMEM((TOKW,), jnp.int32),
                       pltpu.VMEM((TOKW,), jnp.int32),
                       pltpu.VMEM((TOKW, H), jnp.float32),
                       pltpu.VMEM((TOKW, H), jnp.float32),
                       pltpu.SemaphoreType.DMA],
    )
    def sc_unpermute(ys_hbm, pos1_hbm, pos2_hbm, r1_hbm, r2_hbm,
                     idx1_v, idx2_v, rows1_v, rows2_v, sem):
        wid = jax.lax.axis_index("s") * 2 + jax.lax.axis_index("c")
        base = wid * TOKW
        pltpu.sync_copy(pos1_hbm.at[pl.ds(base, TOKW)], idx1_v)
        pltpu.sync_copy(pos2_hbm.at[pl.ds(base, TOKW)], idx2_v)
        g1 = pltpu.async_copy(ys_hbm.at[idx1_v], rows1_v, sem)
        g2 = pltpu.async_copy(ys_hbm.at[idx2_v], rows2_v, sem)
        g1.wait()
        g2.wait()
        pltpu.sync_copy(rows1_v, r1_hbm.at[pl.ds(base, TOKW)])
        pltpu.sync_copy(rows2_v, r2_hbm.at[pl.ds(base, TOKW)])

    return sc_dispatch, sc_unpermute


def kernel(hidden_states, ln1_w, ln2_w, w_qkv, w_o, router_w, w1, w2):
    hs = hidden_states.reshape(S, H)
    ln1 = ln1_w.reshape(1, H)
    ln2 = ln2_w.reshape(1, H)

    inv_freq = 1.0 / (10000.0 ** (np.arange(0, DH, 2, dtype=np.float32) / DH))
    t = np.arange(S, dtype=np.float32)
    freqs = np.outer(t, inv_freq)
    emb = np.concatenate([freqs, freqs], axis=-1)
    cos = jnp.asarray(np.cos(emb), dtype=jnp.float32)
    sin = jnp.asarray(np.sin(emb), dtype=jnp.float32)

    nT = S // BT
    f32 = jnp.float32

    q, k, v = pl.pallas_call(
        _qkv_rope_kernel,
        grid=(nT,),
        in_specs=[
            pl.BlockSpec((BT, H), lambda i: (i, 0)),
            pl.BlockSpec((1, H), lambda i: (0, 0)),
            pl.BlockSpec((H, 3 * H), lambda i: (0, 0)),
            pl.BlockSpec((BT, DH), lambda i: (i, 0)),
            pl.BlockSpec((BT, DH), lambda i: (i, 0)),
        ],
        out_specs=[pl.BlockSpec((BT, H), lambda i: (i, 0))] * 3,
        out_shape=[jax.ShapeDtypeStruct((S, H), f32)] * 3,
    )(hs, ln1, w_qkv, cos, sin)

    nA = S // BA
    ctx = pl.pallas_call(
        _attn_kernel,
        grid=(nA, nA),
        in_specs=[
            pl.BlockSpec((BA, H), lambda i, j: (i, 0)),
            pl.BlockSpec((BA, H), lambda i, j: (jnp.minimum(j, i), 0)),
            pl.BlockSpec((BA, H), lambda i, j: (jnp.minimum(j, i), 0)),
        ],
        out_specs=pl.BlockSpec((BA, H), lambda i, j: (i, 0)),
        out_shape=jax.ShapeDtypeStruct((S, H), f32),
        scratch_shapes=[
            pltpu.VMEM((BA, H), f32),
            pltpu.VMEM((BA, 128), f32),
        ],
    )(q, k, v)

    attn_out, h2, i1, i2, p1, p2, counts = pl.pallas_call(
        _proj_router_kernel,
        grid=(nT,),
        in_specs=[
            pl.BlockSpec((BT, H), lambda i: (i, 0)),
            pl.BlockSpec((BT, H), lambda i: (i, 0)),
            pl.BlockSpec((H, H), lambda i: (0, 0)),
            pl.BlockSpec((1, H), lambda i: (0, 0)),
            pl.BlockSpec((H, E), lambda i: (0, 0)),
        ],
        out_specs=[
            pl.BlockSpec((BT, H), lambda i: (i, 0)),
            pl.BlockSpec((BT, H), lambda i: (i, 0)),
            pl.BlockSpec((BT, 1), lambda i: (i, 0)),
            pl.BlockSpec((BT, 1), lambda i: (i, 0)),
            pl.BlockSpec((BT, 1), lambda i: (i, 0)),
            pl.BlockSpec((BT, 1), lambda i: (i, 0)),
            pl.BlockSpec((1, E), lambda i: (0, 0)),
        ],
        out_shape=[
            jax.ShapeDtypeStruct((S, H), f32),
            jax.ShapeDtypeStruct((S, H), f32),
            jax.ShapeDtypeStruct((S, 1), jnp.int32),
            jax.ShapeDtypeStruct((S, 1), jnp.int32),
            jax.ShapeDtypeStruct((S, 1), f32),
            jax.ShapeDtypeStruct((S, 1), f32),
            jax.ShapeDtypeStruct((1, E), f32),
        ],
    )(ctx, hs, w_o, ln2, router_w)

    pos1, pos2, binfo = pl.pallas_call(
        _pos_kernel,
        grid=(NC_CH,),
        in_specs=[
            pl.BlockSpec((CH, 1), lambda c: (c, 0)),
            pl.BlockSpec((CH, 1), lambda c: (c, 0)),
            pl.BlockSpec((1, E), lambda c: (0, 0)),
        ],
        out_specs=[
            pl.BlockSpec((CH, 1), lambda c: (c, 0)),
            pl.BlockSpec((CH, 1), lambda c: (c, 0)),
            pl.BlockSpec((1, NBPAD), lambda c: (0, 0)),
        ],
        out_shape=[
            jax.ShapeDtypeStruct((S, 1), jnp.int32),
            jax.ShapeDtypeStruct((S, 1), jnp.int32),
            jax.ShapeDtypeStruct((1, NBPAD), jnp.int32),
        ],
        scratch_shapes=[
            pltpu.VMEM((2, E), f32),
        ],
    )(i1, i2, counts)

    pos1f = pos1.reshape(S)
    pos2f = pos2.reshape(S)
    sc_dispatch, sc_unpermute = _get_sc_kernels()
    xs = sc_dispatch(h2, pos1f, pos2f)

    ys = pl.pallas_call(
        _moe_mm_kernel,
        grid_spec=pltpu.PrefetchScalarGridSpec(
            num_scalar_prefetch=1,
            grid=(NBLK,),
            in_specs=[
                pl.BlockSpec((BTM, H), lambda b, be: (b, 0)),
                pl.BlockSpec((1, H, F),
                             lambda b, be: (jnp.minimum(be[b], E - 1), 0, 0)),
                pl.BlockSpec((1, F, H),
                             lambda b, be: (jnp.minimum(be[b], E - 1), 0, 0)),
            ],
            out_specs=pl.BlockSpec((BTM, H), lambda b, be: (b, 0)),
        ),
        out_shape=jax.ShapeDtypeStruct((NPAD, H), f32),
    )(binfo.reshape(NBPAD), xs, w1, w2)

    r1, r2 = sc_unpermute(ys, pos1f, pos2f)

    out = pl.pallas_call(
        _combine_kernel,
        grid=(nT,),
        in_specs=[pl.BlockSpec((BT, H), lambda i: (i, 0))] * 3
        + [pl.BlockSpec((BT, 1), lambda i: (i, 0))] * 2,
        out_specs=pl.BlockSpec((BT, H), lambda i: (i, 0)),
        out_shape=jax.ShapeDtypeStruct((S, H), f32),
    )(attn_out, r1, r2, p1, p2)

    return out.reshape(S, B, H)

# --- scband reference (transcript-rebuilt; emitter-appended) ---
"""Pipeline reference for scband-mo-elayer-tp-6846177870127 (READ-ONLY COPY).

The authoritative reference and input builder live on the scoring server;
editing this copy changes nothing except your own understanding.
"""

import jax, jax.numpy as jnp
import numpy as np

S, B, H = 2048, 1, 768
NH, DH = 12, 64
E, K, F = 8, 2, 1024
EPS = 1e-06


def _rmsnorm(x, w):
    var = jnp.mean(x * x, axis=-1, keepdims=True)
    return x * jax.lax.rsqrt(var + EPS) * w


def _rope_tables(seq_len, dh):
    inv_freq = 1.0 / (10000.0 ** (jnp.arange(0, dh, 2, dtype=jnp.float32) / dh))
    t = jnp.arange(seq_len, dtype=jnp.float32)
    freqs = jnp.outer(t, inv_freq)
    emb = jnp.concatenate([freqs, freqs], axis=-1)
    return jnp.cos(emb), jnp.sin(emb)


def _rotate_half(x):
    x1, x2 = jnp.split(x, 2, axis=-1)
    return jnp.concatenate([-x2, x1], axis=-1)


def setup_inputs(seed: int = 0) -> dict:
    key = jax.random.key(seed)
    ks = jax.random.split(key, 8)
    return {
        "hidden_states": jax.random.normal(ks[0], (S, B, H), dtype=jnp.float32),
        "ln1_w": jnp.ones((H,), jnp.float32),
        "ln2_w": jnp.ones((H,), jnp.float32),
        "w_qkv": (jax.random.normal(ks[1], (H, 3 * H)) * 0.02).astype(jnp.float32),
        "w_o": (jax.random.normal(ks[2], (H, H)) * 0.02).astype(jnp.float32),
        "router_w": (jax.random.normal(ks[3], (H, E)) * 0.02).astype(jnp.float32),
        "w1": (jax.random.normal(ks[4], (E, H, F)) * 0.02).astype(jnp.float32),
        "w2": (jax.random.normal(ks[5], (E, F, H)) * 0.02).astype(jnp.float32),
    }


def reference(hidden_states, ln1_w, ln2_w, w_qkv, w_o, router_w, w1, w2):
    # --- MoEAttention_tp ---
    resid = hidden_states
    x = _rmsnorm(hidden_states, ln1_w)
    qkv = (x @ w_qkv).reshape(S, B, NH, 3 * DH)
    q, k, v = jnp.split(qkv, 3, axis=-1)
    cos, sin = _rope_tables(S, DH)
    cos = cos[:, None, None, :]
    sin = sin[:, None, None, :]
    q = q * cos + _rotate_half(q) * sin
    k = k * cos + _rotate_half(k) * sin
    scores = jnp.einsum('sbhd,tbhd->bhst', q, k) / np.sqrt(DH).astype(np.float32)
    causal = jnp.tril(jnp.ones((S, S), dtype=bool))
    scores = jnp.where(causal[None, None, :, :], scores, jnp.float32(-1e9))
    attn = jax.nn.softmax(scores, axis=-1)
    ctx = jnp.einsum('bhst,tbhd->sbhd', attn, v).reshape(S, B, H)
    attn_out = ctx @ w_o + resid
    mlp_residual = attn_out
    h = _rmsnorm(attn_out, ln2_w)
    # --- MoERouter (TopKRouter: top-k then softmax over selected logits) ---
    hf = h.reshape(S * B, H)
    logits = hf @ router_w
    top_vals, top_idx = jax.lax.top_k(logits, K)
    top_probs = jax.nn.softmax(top_vals, axis=-1)
    T = S * B
    probs = jnp.zeros((T, E), jnp.float32).at[jnp.arange(T)[:, None], top_idx].set(top_probs)
    # --- MoEMLP_tp: dispatch via routing map, per-expert MLP, weighted combine ---
    out = jnp.zeros((T, H), jnp.float32)
    for e in range(E):
        y = jax.nn.gelu(hf @ w1[e]) @ w2[e]
        out = out + probs[:, e:e + 1] * y
    return out.reshape(S, B, H) + mlp_residual

if __name__ == "__main__":
    import jax
    _d = setup_inputs()
    print(jax.jit(kernel)(*tuple(_d.values())))

</pallas_src>

<mosaic_0001>
#map = affine_map<(d0, d1) -> (0, 0)>
#map1 = affine_map<(d0, d1) -> (0)>
module attributes {stable_mosaic.version = 14 : i64} {
  func.func @sc_unpermute(%arg0: i32, %arg1: i32, %arg2: memref<6144x768xf32, #tpu.memory_space<hbm>>, %arg3: memref<2048xi32, #tpu.memory_space<hbm>>, %arg4: memref<2048xi32, #tpu.memory_space<hbm>>, %arg5: memref<2048x768xf32, #tpu.memory_space<hbm>>, %arg6: memref<2048x768xf32, #tpu.memory_space<hbm>>, %arg7: memref<64xi32, #tpu.memory_space<vmem>>, %arg8: memref<64xi32, #tpu.memory_space<vmem>>, %arg9: memref<64x768xf32, #tpu.memory_space<vmem>>, %arg10: memref<64x768xf32, #tpu.memory_space<vmem>>, %arg11: memref<!tpu.dma_semaphore, #tpu.memory_space<semaphore_mem>>) attributes {dimension_semantics = [#tpu.dimension_semantics<core_parallel>, #tpu.dimension_semantics<subcore_parallel>], iteration_bounds = array<i64: 2, 16>, scalar_prefetch = 0 : i64, scratch_operands = 5 : i64, tpu.core_type = #tpu.core_type<sc_vector_subcore>, window_params = [{transform_indices = #map}, {transform_indices = #map1}, {transform_indices = #map1}, {transform_indices = #map}, {transform_indices = #map}]} {
    %mul3A = arith.constant 2 : i32
    %mul3A_0 = arith.muli %arg1, %mul3A : i32
    %add3A = arith.addi %mul3A_0, %arg0 : i32
    %mul3A_1 = arith.constant 64 : i32
    %mul3A_2 = arith.muli %add3A, %mul3A_1 : i32
    "tpu.region"() ({
      %run_scoped3A = tpu.sem_alloc : memref<!tpu.dma_semaphore, #tpu.memory_space<semaphore_mem>>
      %dma_start3A_13 = tpu.memref_slice %arg3[%mul3A_2] : memref<2048xi32, #tpu.memory_space<hbm>> -> memref<64xi32, #tpu.memory_space<hbm>>
      %dma_start3A_14 = tpu.memref_slice %arg3[%mul3A_2] : memref<2048xi32, #tpu.memory_space<hbm>> -> memref<64xi32, #tpu.memory_space<hbm>>
      tpu.enqueue_dma source(%dma_start3A_14 : memref<64xi32, #tpu.memory_space<hbm>>) target(%arg7 : memref<64xi32, #tpu.memory_space<vmem>>) target_semaphore(%run_scoped3A : memref<!tpu.dma_semaphore, #tpu.memory_space<semaphore_mem>>)
      %dma_wait3A_15 = tpu.memref_slice %arg3[%mul3A_2] : memref<2048xi32, #tpu.memory_space<hbm>> -> memref<64xi32, #tpu.memory_space<hbm>>
      %dma_wait3A_16 = tpu.memref_slice %arg3[%mul3A_2] : memref<2048xi32, #tpu.memory_space<hbm>> -> memref<64xi32, #tpu.memory_space<hbm>>
      tpu.wait_dma2 semaphore(%run_scoped3A : memref<!tpu.dma_semaphore, #tpu.memory_space<semaphore_mem>>) src(%dma_wait3A_16 : memref<64xi32, #tpu.memory_space<hbm>>) dst(%arg7 : memref<64xi32, #tpu.memory_space<vmem>>)
      tpu.yield
    }) : () -> ()
    "tpu.region"() ({
      %run_scoped3A = tpu.sem_alloc : memref<!tpu.dma_semaphore, #tpu.memory_space<semaphore_mem>>
      %dma_start3A_13 = tpu.memref_slice %arg4[%mul3A_2] : memref<2048xi32, #tpu.memory_space<hbm>> -> memref<64xi32, #tpu.memory_space<hbm>>
      %dma_start3A_14 = tpu.memref_slice %arg4[%mul3A_2] : memref<2048xi32, #tpu.memory_space<hbm>> -> memref<64xi32, #tpu.memory_space<hbm>>
      tpu.enqueue_dma source(%dma_start3A_14 : memref<64xi32, #tpu.memory_space<hbm>>) target(%arg8 : memref<64xi32, #tpu.memory_space<vmem>>) target_semaphore(%run_scoped3A : memref<!tpu.dma_semaphore, #tpu.memory_space<semaphore_mem>>)
      %dma_wait3A_15 = tpu.memref_slice %arg4[%mul3A_2] : memref<2048xi32, #tpu.memory_space<hbm>> -> memref<64xi32, #tpu.memory_space<hbm>>
      %dma_wait3A_16 = tpu.memref_slice %arg4[%mul3A_2] : memref<2048xi32, #tpu.memory_space<hbm>> -> memref<64xi32, #tpu.memory_space<hbm>>
      tpu.wait_dma2 semaphore(%run_scoped3A : memref<!tpu.dma_semaphore, #tpu.memory_space<semaphore_mem>>) src(%dma_wait3A_16 : memref<64xi32, #tpu.memory_space<hbm>>) dst(%arg8 : memref<64xi32, #tpu.memory_space<vmem>>)
      tpu.yield
    }) : () -> ()
    %dma_start3A = arith.constant 0 : i32
    %dma_start3A_3 = arith.constant 0 : i32
    %dma_start3A_4 = tpu.memref_slice %arg2[%dma_start3A, %dma_start3A_3] : memref<6144x768xf32, #tpu.memory_space<hbm>> -> memref<6144x768xf32, #tpu.memory_space<hbm>>
    tpu.enqueue_indirect_dma source(%dma_start3A_4 : memref<6144x768xf32, #tpu.memory_space<hbm>>) target(%arg9 : memref<64x768xf32, #tpu.memory_space<vmem>>) offsets(%arg7 : memref<64xi32, #tpu.memory_space<vmem>>) semaphore(%arg11 : memref<!tpu.dma_semaphore, #tpu.memory_space<semaphore_mem>>)
    %dma_start3A_5 = arith.constant 0 : i32
    %dma_start3A_6 = arith.constant 0 : i32
    %dma_start3A_7 = tpu.memref_slice %arg2[%dma_start3A_5, %dma_start3A_6] : memref<6144x768xf32, #tpu.memory_space<hbm>> -> memref<6144x768xf32, #tpu.memory_space<hbm>>
    tpu.enqueue_indirect_dma source(%dma_start3A_7 : memref<6144x768xf32, #tpu.memory_space<hbm>>) target(%arg10 : memref<64x768xf32, #tpu.memory_space<vmem>>) offsets(%arg8 : memref<64xi32, #tpu.memory_space<vmem>>) semaphore(%arg11 : memref<!tpu.dma_semaphore, #tpu.memory_space<semaphore_mem>>)
    %dma_wait3A = arith.constant 0 : i32
    %dma_wait3A_8 = arith.constant 0 : i32
    %dma_wait3A_9 = tpu.memref_slice %arg2[%dma_wait3A, %dma_wait3A_8] : memref<6144x768xf32, #tpu.memory_space<hbm>> -> memref<6144x768xf32, #tpu.memory_space<hbm>>
    tpu.wait_indirect_dma semaphore(%arg11 : memref<!tpu.dma_semaphore, #tpu.memory_space<semaphore_mem>>) src(%dma_wait3A_9 : memref<6144x768xf32, #tpu.memory_space<hbm>>) dst(%arg9 : memref<64x768xf32, #tpu.memory_space<vmem>>)
    %dma_wait3A_10 = arith.constant 0 : i32
    %dma_wait3A_11 = arith.constant 0 : i32
    %dma_wait3A_12 = tpu.memref_slice %arg2[%dma_wait3A_10, %dma_wait3A_11] : memref<6144x768xf32, #tpu.memory_space<hbm>> -> memref<6144x768xf32, #tpu.memory_space<hbm>>
    tpu.wait_indirect_dma semaphore(%arg11 : memref<!tpu.dma_semaphore, #tpu.memory_space<semaphore_mem>>) src(%dma_wait3A_12 : memref<6144x768xf32, #tpu.memory_space<hbm>>) dst(%arg10 : memref<64x768xf32, #tpu.memory_space<vmem>>)
    "tpu.region"() ({
      %run_scoped3A = tpu.sem_alloc : memref<!tpu.dma_semaphore, #tpu.memory_space<semaphore_mem>>
      %dma_start3A_13 = arith.constant 0 : i32
      %dma_start3A_14 = tpu.memref_slice %arg5[%mul3A_2, %dma_start3A_13] : memref<2048x768xf32, #tpu.memory_space<hbm>> -> memref<64x768xf32, #tpu.memory_space<hbm>>
      %dma_start3A_15 = arith.constant 0 : i32
      %dma_start3A_16 = tpu.memref_slice %arg5[%mul3A_2, %dma_start3A_15] : memref<2048x768xf32, #tpu.memory_space<hbm>> -> memref<64x768xf32, #tpu.memory_space<hbm>>
      tpu.enqueue_dma source(%arg9 : memref<64x768xf32, #tpu.memory_space<vmem>>) target(%dma_start3A_16 : memref<64x768xf32, #tpu.memory_space<hbm>>) target_semaphore(%run_scoped3A : memref<!tpu.dma_semaphore, #tpu.memory_space<semaphore_mem>>)
      %dma_wait3A_17 = arith.constant 0 : i32
      %dma_wait3A_18 = tpu.memref_slice %arg5[%mul3A_2, %dma_wait3A_17] : memref<2048x768xf32, #tpu.memory_space<hbm>> -> memref<64x768xf32, #tpu.memory_space<hbm>>
      %dma_wait3A_19 = arith.constant 0 : i32
      %dma_wait3A_20 = tpu.memref_slice %arg5[%mul3A_2, %dma_wait3A_19] : memref<2048x768xf32, #tpu.memory_space<hbm>> -> memref<64x768xf32, #tpu.memory_space<hbm>>
      tpu.wait_dma2 semaphore(%run_scoped3A : memref<!tpu.dma_semaphore, #tpu.memory_space<semaphore_mem>>) src(%arg9 : memref<64x768xf32, #tpu.memory_space<vmem>>) dst(%dma_wait3A_20 : memref<64x768xf32, #tpu.memory_space<hbm>>)
      tpu.yield
    }) : () -> ()
    "tpu.region"() ({
      %run_scoped3A = tpu.sem_alloc : memref<!tpu.dma_semaphore, #tpu.memory_space<semaphore_mem>>
      %dma_start3A_13 = arith.constant 0 : i32
      %dma_start3A_14 = tpu.memref_slice %arg6[%mul3A_2, %dma_start3A_13] : memref<2048x768xf32, #tpu.memory_space<hbm>> -> memref<64x768xf32, #tpu.memory_space<hbm>>
      %dma_start3A_15 = arith.constant 0 : i32
      %dma_start3A_16 = tpu.memref_slice %arg6[%mul3A_2, %dma_start3A_15] : memref<2048x768xf32, #tpu.memory_space<hbm>> -> memref<64x768xf32, #tpu.memory_space<hbm>>
      tpu.enqueue_dma source(%arg10 : memref<64x768xf32, #tpu.memory_space<vmem>>) target(%dma_start3A_16 : memref<64x768xf32, #tpu.memory_space<hbm>>) target_semaphore(%run_scoped3A : memref<!tpu.dma_semaphore, #tpu.memory_space<semaphore_mem>>)
      %dma_wait3A_17 = arith.constant 0 : i32
      %dma_wait3A_18 = tpu.memref_slice %arg6[%mul3A_2, %dma_wait3A_17] : memref<2048x768xf32, #tpu.memory_space<hbm>> -> memref<64x768xf32, #tpu.memory_space<hbm>>
      %dma_wait3A_19 = arith.constant 0 : i32
      %dma_wait3A_20 = tpu.memref_slice %arg6[%mul3A_2, %dma_wait3A_19] : memref<2048x768xf32, #tpu.memory_space<hbm>> -> memref<64x768xf32, #tpu.memory_space<hbm>>
      tpu.wait_dma2 semaphore(%run_scoped3A : memref<!tpu.dma_semaphore, #tpu.memory_space<semaphore_mem>>) src(%arg10 : memref<64x768xf32, #tpu.memory_space<vmem>>) dst(%dma_wait3A_20 : memref<64x768xf32, #tpu.memory_space<hbm>>)
      tpu.yield
    }) : () -> ()
    return
  }
}

#map = affine_map<(d0, d1) -> (0, 0)>
#map1 = affine_map<(d0, d1) -> (0)>
module attributes {stable_mosaic.version = 14 : i64} {
  func.func @sc_dispatch(%arg0: i32, %arg1: i32, %arg2: memref<2048x768xf32, #tpu.memory_space<hbm>>, %arg3: memref<2048xi32, #tpu.memory_space<hbm>>, %arg4: memref<2048xi32, #tpu.memory_space<hbm>>, %arg5: memref<6144x768xf32, #tpu.memory_space<hbm>>, %arg6: memref<64xi32, #tpu.memory_space<vmem>>, %arg7: memref<64xi32, #tpu.memory_space<vmem>>, %arg8: memref<64x768xf32, #tpu.memory_space<vmem>>, %arg9: memref<!tpu.dma_semaphore, #tpu.memory_space<semaphore_mem>>) attributes {dimension_semantics = [#tpu.dimension_semantics<core_parallel>, #tpu.dimension_semantics<subcore_parallel>], iteration_bounds = array<i64: 2, 16>, scalar_prefetch = 0 : i64, scratch_operands = 4 : i64, tpu.core_type = #tpu.core_type<sc_vector_subcore>, window_params = [{transform_indices = #map}, {transform_indices = #map1}, {transform_indices = #map1}, {transform_indices = #map}]} {
    %mul3A = arith.constant 2 : i32
    %mul3A_0 = arith.muli %arg1, %mul3A : i32
    %add3A = arith.addi %mul3A_0, %arg0 : i32
    %mul3A_1 = arith.constant 64 : i32
    %mul3A_2 = arith.muli %add3A, %mul3A_1 : i32
    "tpu.region"() ({
      %run_scoped3A = tpu.sem_alloc : memref<!tpu.dma_semaphore, #tpu.memory_space<semaphore_mem>>
      %dma_start3A_13 = arith.constant 0 : i32
      %dma_start3A_14 = tpu.memref_slice %arg2[%mul3A_2, %dma_start3A_13] : memref<2048x768xf32, #tpu.memory_space<hbm>> -> memref<64x768xf32, #tpu.memory_space<hbm>>
      %dma_start3A_15 = arith.constant 0 : i32
      %dma_start3A_16 = tpu.memref_slice %arg2[%mul3A_2, %dma_start3A_15] : memref<2048x768xf32, #tpu.memory_space<hbm>> -> memref<64x768xf32, #tpu.memory_space<hbm>>
      tpu.enqueue_dma source(%dma_start3A_16 : memref<64x768xf32, #tpu.memory_space<hbm>>) target(%arg8 : memref<64x768xf32, #tpu.memory_space<vmem>>) target_semaphore(%run_scoped3A : memref<!tpu.dma_semaphore, #tpu.memory_space<semaphore_mem>>)
      %dma_wait3A_17 = arith.constant 0 : i32
      %dma_wait3A_18 = tpu.memref_slice %arg2[%mul3A_2, %dma_wait3A_17] : memref<2048x768xf32, #tpu.memory_space<hbm>> -> memref<64x768xf32, #tpu.memory_space<hbm>>
      %dma_wait3A_19 = arith.constant 0 : i32
      %dma_wait3A_20 = tpu.memref_slice %arg2[%mul3A_2, %dma_wait3A_19] : memref<2048x768xf32, #tpu.memory_space<hbm>> -> memref<64x768xf32, #tpu.memory_space<hbm>>
      tpu.wait_dma2 semaphore(%run_scoped3A : memref<!tpu.dma_semaphore, #tpu.memory_space<semaphore_mem>>) src(%dma_wait3A_20 : memref<64x768xf32, #tpu.memory_space<hbm>>) dst(%arg8 : memref<64x768xf32, #tpu.memory_space<vmem>>)
      tpu.yield
    }) : () -> ()
    "tpu.region"() ({
      %run_scoped3A = tpu.sem_alloc : memref<!tpu.dma_semaphore, #tpu.memory_space<semaphore_mem>>
      %dma_start3A_13 = tpu.memref_slice %arg3[%mul3A_2] : memref<2048xi32, #tpu.memory_space<hbm>> -> memref<64xi32, #tpu.memory_space<hbm>>
      %dma_start3A_14 = tpu.memref_slice %arg3[%mul3A_2] : memref<2048xi32, #tpu.memory_space<hbm>> -> memref<64xi32, #tpu.memory_space<hbm>>
      tpu.enqueue_dma source(%dma_start3A_14 : memref<64xi32, #tpu.memory_space<hbm>>) target(%arg6 : memref<64xi32, #tpu.memory_space<vmem>>) target_semaphore(%run_scoped3A : memref<!tpu.dma_semaphore, #tpu.memory_space<semaphore_mem>>)
      %dma_wait3A_15 = tpu.memref_slice %arg3[%mul3A_2] : memref<2048xi32, #tpu.memory_space<hbm>> -> memref<64xi32, #tpu.memory_space<hbm>>
      %dma_wait3A_16 = tpu.memref_slice %arg3[%mul3A_2] : memref<2048xi32, #tpu.memory_space<hbm>> -> memref<64xi32, #tpu.memory_space<hbm>>
      tpu.wait_dma2 semaphore(%run_scoped3A : memref<!tpu.dma_semaphore, #tpu.memory_space<semaphore_mem>>) src(%dma_wait3A_16 : memref<64xi32, #tpu.memory_space<hbm>>) dst(%arg6 : memref<64xi32, #tpu.memory_space<vmem>>)
      tpu.yield
    }) : () -> ()
    "tpu.region"() ({
      %run_scoped3A = tpu.sem_alloc : memref<!tpu.dma_semaphore, #tpu.memory_space<semaphore_mem>>
      %dma_start3A_13 = tpu.memref_slice %arg4[%mul3A_2] : memref<2048xi32, #tpu.memory_space<hbm>> -> memref<64xi32, #tpu.memory_space<hbm>>
      %dma_start3A_14 = tpu.memref_slice %arg4[%mul3A_2] : memref<2048xi32, #tpu.memory_space<hbm>> -> memref<64xi32, #tpu.memory_space<hbm>>
      tpu.enqueue_dma source(%dma_start3A_14 : memref<64xi32, #tpu.memory_space<hbm>>) target(%arg7 : memref<64xi32, #tpu.memory_space<vmem>>) target_semaphore(%run_scoped3A : memref<!tpu.dma_semaphore, #tpu.memory_space<semaphore_mem>>)
      %dma_wait3A_15 = tpu.memref_slice %arg4[%mul3A_2] : memref<2048xi32, #tpu.memory_space<hbm>> -> memref<64xi32, #tpu.memory_space<hbm>>
      %dma_wait3A_16 = tpu.memref_slice %arg4[%mul3A_2] : memref<2048xi32, #tpu.memory_space<hbm>> -> memref<64xi32, #tpu.memory_space<hbm>>
      tpu.wait_dma2 semaphore(%run_scoped3A : memref<!tpu.dma_semaphore, #tpu.memory_space<semaphore_mem>>) src(%dma_wait3A_16 : memref<64xi32, #tpu.memory_space<hbm>>) dst(%arg7 : memref<64xi32, #tpu.memory_space<vmem>>)
      tpu.yield
    }) : () -> ()
    %dma_start3A = arith.constant 0 : i32
    %dma_start3A_3 = arith.constant 0 : i32
    %dma_start3A_4 = tpu.memref_slice %arg5[%dma_start3A, %dma_start3A_3] : memref<6144x768xf32, #tpu.memory_space<hbm>> -> memref<6144x768xf32, #tpu.memory_space<hbm>>
    tpu.enqueue_indirect_dma source(%arg8 : memref<64x768xf32, #tpu.memory_space<vmem>>) target(%dma_start3A_4 : memref<6144x768xf32, #tpu.memory_space<hbm>>) offsets(%arg6 : memref<64xi32, #tpu.memory_space<vmem>>) semaphore(%arg9 : memref<!tpu.dma_semaphore, #tpu.memory_space<semaphore_mem>>)
    %dma_start3A_5 = arith.constant 0 : i32
    %dma_start3A_6 = arith.constant 0 : i32
    %dma_start3A_7 = tpu.memref_slice %arg5[%dma_start3A_5, %dma_start3A_6] : memref<6144x768xf32, #tpu.memory_space<hbm>> -> memref<6144x768xf32, #tpu.memory_space<hbm>>
    tpu.enqueue_indirect_dma source(%arg8 : memref<64x768xf32, #tpu.memory_space<vmem>>) target(%dma_start3A_7 : memref<6144x768xf32, #tpu.memory_space<hbm>>) offsets(%arg7 : memref<64xi32, #tpu.memory_space<vmem>>) semaphore(%arg9 : memref<!tpu.dma_semaphore, #tpu.memory_space<semaphore_mem>>)
    %dma_wait3A = arith.constant 0 : i32
    %dma_wait3A_8 = arith.constant 0 : i32
    %dma_wait3A_9 = tpu.memref_slice %arg5[%dma_wait3A, %dma_wait3A_8] : memref<6144x768xf32, #tpu.memory_space<hbm>> -> memref<6144x768xf32, #tpu.memory_space<hbm>>
    tpu.wait_indirect_dma semaphore(%arg9 : memref<!tpu.dma_semaphore, #tpu.memory_space<semaphore_mem>>) src(%arg8 : memref<64x768xf32, #tpu.memory_space<vmem>>) dst(%dma_wait3A_9 : memref<6144x768xf32, #tpu.memory_space<hbm>>)
    %dma_wait3A_10 = arith.constant 0 : i32
    %dma_wait3A_11 = arith.constant 0 : i32
    %dma_wait3A_12 = tpu.memref_slice %arg5[%dma_wait3A_10, %dma_wait3A_11] : memref<6144x768xf32, #tpu.memory_space<hbm>> -> memref<6144x768xf32, #tpu.memory_space<hbm>>
    tpu.wait_indirect_dma semaphore(%arg9 : memref<!tpu.dma_semaphore, #tpu.memory_space<semaphore_mem>>) src(%arg8 : memref<64x768xf32, #tpu.memory_space<vmem>>) dst(%dma_wait3A_12 : memref<6144x768xf32, #tpu.memory_space<hbm>>)
    return
  }
}

module attributes {stable_mosaic.version = 14 : i64} {
  func.func @_attn_kernel(%arg0: i32, %arg1: i32, %arg2: memref<512x768xf32, #tpu.memory_space<vmem>>, %arg3: memref<512x768xf32, #tpu.memory_space<vmem>>, %arg4: memref<512x768xf32, #tpu.memory_space<vmem>>, %arg5: memref<512x768xf32, #tpu.memory_space<vmem>>, %arg6: memref<512x768xf32, #tpu.memory_space<vmem>>, %arg7: memref<512x128xf32, #tpu.memory_space<vmem>>) attributes {dimension_semantics = [#tpu.dimension_semantics<arbitrary>, #tpu.dimension_semantics<arbitrary>], iteration_bounds = array<i64: 4, 4>, scalar_prefetch = 0 : i64, scratch_operands = 2 : i64, tpu.core_type = #tpu.core_type<tc>, window_params = [{transform_indices = @transform_0, window_bounds = array<i64: 512, 768>}, {transform_indices = @transform_1, window_bounds = array<i64: 512, 768>}, {transform_indices = @transform_2, window_bounds = array<i64: 512, 768>}, {transform_indices = @transform_3, window_bounds = array<i64: 512, 768>}]} {
    %eq3A = arith.constant 0 : i32
    %eq3A_0 = arith.cmpi eq, %arg1, %eq3A : i32
    %convert_element_type3A = arith.extui %eq3A_0 : i1 to i32
    %cond3A = arith.constant 0 : i32
    %cond3A_1 = arith.cmpi ne, %convert_element_type3A, %cond3A : i32
    scf.if %cond3A_1 {
      %broadcast_in_dim3A = arith.constant 0.000000e+00 : f32
      %broadcast_in_dim3A_9 = vector.broadcast %broadcast_in_dim3A : f32 to vector<512x768xf32>
      %swap3A = arith.constant 0 : index
      %swap3A_10 = arith.constant 0 : index
      %swap3A_11 = vector.load %arg6[%swap3A, %swap3A_10] : memref<512x768xf32, #tpu.memory_space<vmem>>, vector<512x768xf32>
      tpu.vector_store %arg6[%swap3A, %swap3A_10], %broadcast_in_dim3A_9 {strides = array<i32>} : memref<512x768xf32, #tpu.memory_space<vmem>>, vector<512x768xf32>,
      %broadcast_in_dim3A_12 = arith.constant 0.000000e+00 : f32
      %broadcast_in_dim3A_13 = vector.broadcast %broadcast_in_dim3A_12 : f32 to vector<512x128xf32>
      %swap3A_14 = arith.constant 0 : index
      %swap3A_15 = arith.constant 0 : index
      %swap3A_16 = vector.load %arg7[%swap3A_14, %swap3A_15] : memref<512x128xf32, #tpu.memory_space<vmem>>, vector<512x128xf32>
      tpu.vector_store %arg7[%swap3A_14, %swap3A_15], %broadcast_in_dim3A_13 {strides = array<i32>} : memref<512x128xf32, #tpu.memory_space<vmem>>, vector<512x128xf32>,
    } else {
    }
    %le3A = arith.cmpi sle, %arg1, %arg0 : i32
    %convert_element_type3A_2 = arith.extui %le3A : i1 to i32
    %cond3A_3 = arith.constant 0 : i32
    %cond3A_4 = arith.cmpi ne, %convert_element_type3A_2, %cond3A_3 : i32
    scf.if %cond3A_4 {
      %iota3A = tpu.iota {dimensions = array<i32: 0>} : vector<512x512xi32>
      %iota3A_9 = tpu.iota {dimensions = array<i32: 1>} : vector<512x512xi32>
      %lt3A = arith.cmpi slt, %arg1, %arg0 : i32
      %le3A_10 = arith.cmpi sle, %iota3A_9, %iota3A : vector<512x512xi32>
      %or3A = vector.broadcast %lt3A : i1 to vector<512x512xi1>
      %or3A_11 = arith.ori %or3A, %le3A_10 : vector<512x512xi1>
      %get3A = arith.constant 0 : index
      %get3A_12 = arith.constant 0 : index
      %get3A_13 = vector.load %arg2[%get3A, %get3A_12] : memref<512x768xf32, #tpu.memory_space<vmem>>, vector<512x64xf32>
      %mul3A = arith.constant 1.250000e-01 : f32
      %mul3A_14 = vector.broadcast %mul3A : f32 to vector<512x64xf32>
      %mul3A_15 = arith.mulf %get3A_13, %mul3A_14 : vector<512x64xf32>
      %get3A_16 = arith.constant 0 : index
      %get3A_17 = arith.constant 0 : index
      %get3A_18 = vector.load %arg3[%get3A_16, %get3A_17] : memref<512x768xf32, #tpu.memory_space<vmem>>, vector<512x64xf32>
      %dot_general3A = arith.constant dense<0.000000e+00> : vector<512x512xf32>
      %dot_general3A_19 = tpu.matmul %mul3A_15, %get3A_18, %dot_general3A {dimension_numbers = #tpu.dot_dimension_numbers<[1], [1], [0], [0], [0, 0, 1, 0], [], []>, transpose_lhs_hint = false} : vector<512x64xf32>, vector<512x64xf32>, vector<512x512xf32> -> vector<512x512xf32>
      %exp3A = math.exp %dot_general3A_19 : vector<512x512xf32>
      %jit3A = arith.constant 0.000000e+00 : f32
      %broadcast_in_dim3A = vector.broadcast %jit3A : f32 to vector<512x512xf32>
      %select_n3A = arith.select %or3A_11, %exp3A, %broadcast_in_dim3A : vector<512x512xi1>, vector<512x512xf32>
      %get3A_20 = arith.constant 0 : index
      %get3A_21 = arith.constant 0 : index
      %get3A_22 = vector.load %arg7[%get3A_20, %get3A_21] : memref<512x128xf32, #tpu.memory_space<vmem>>, vector<512x1xf32>
      %reduce_sum3A = arith.constant dense<0.000000e+00> : vector<512xf32>
      %reduce_sum3A_23 = vector.multi_reduction <add>, %select_n3A, %reduce_sum3A [1] : vector<512x512xf32> to vector<512xf32>
      %broadcast_in_dim3A_24 = vector.shape_cast %reduce_sum3A_23 : vector<512xf32> to vector<512x1xf32>
      %add3A = arith.addf %get3A_22, %broadcast_in_dim3A_24 : vector<512x1xf32>
      %swap3A = arith.constant 0 : index
      %swap3A_25 = arith.constant 0 : index
      %swap3A_26 = vector.load %arg7[%swap3A, %swap3A_25] : memref<512x128xf32, #tpu.memory_space<vmem>>, vector<512x1xf32>
      tpu.vector_store %arg7[%swap3A, %swap3A_25], %add3A {strides = array<i32>} : memref<512x128xf32, #tpu.memory_space<vmem>>, vector<512x1xf32>,
      %get3A_27 = arith.constant 0 : index
      %get3A_28 = arith.constant 0 : index
      %get3A_29 = vector.load %arg6[%get3A_27, %get3A_28] : memref<512x768xf32, #tpu.memory_space<vmem>>, vector<512x64xf32>
      %get3A_30 = arith.constant 0 : index
      %get3A_31 = arith.constant 0 : index
      %get3A_32 = vector.load %arg4[%get3A_30, %get3A_31] : memref<512x768xf32, #tpu.memory_space<vmem>>, vector<512x64xf32>
      %dot_general3A_33 = arith.constant dense<0.000000e+00> : vector<512x64xf32>
      %dot_general3A_34 = tpu.matmul %select_n3A, %get3A_32, %dot_general3A_33 {dimension_numbers = #tpu.dot_dimension_numbers<[1], [0], [0], [1], [0, 0, 1, 1], [], []>, transpose_lhs_hint = false} : vector<512x512xf32>, vector<512x64xf32>, vector<512x64xf32> -> vector<512x64xf32>
      %add3A_35 = arith.addf %get3A_29, %dot_general3A_34 : vector<512x64xf32>
      %swap3A_36 = arith.constant 0 : index
      %swap3A_37 = arith.constant 0 : index
      %swap3A_38 = vector.load %arg6[%swap3A_36, %swap3A_37] : memref<512x768xf32, #tpu.memory_space<vmem>>, vector<512x64xf32>
      tpu.vector_store %arg6[%swap3A_36, %swap3A_37], %add3A_35 {strides = array<i32>} : memref<512x768xf32, #tpu.memory_space<vmem>>, vector<512x64xf32>,
      %get3A_39 = arith.constant 0 : index
      %get3A_40 = arith.constant 64 : index
      %get3A_41 = vector.load %arg2[%get3A_39, %get3A_40] : memref<512x768xf32, #tpu.memory_space<vmem>>, vector<512x64xf32>
      %mul3A_42 = arith.constant 1.250000e-01 : f32
      %mul3A_43 = vector.broadcast %mul3A_42 : f32 to vector<512x64xf32>
      %mul3A_44 = arith.mulf %get3A_41, %mul3A_43 : vector<512x64xf32>
      %get3A_45 = arith.constant 0 : index
      %get3A_46 = arith.constant 64 : index
      %get3A_47 = vector.load %arg3[%get3A_45, %get3A_46] : memref<512x768xf32, #tpu.memory_space<vmem>>, vector<512x64xf32>
      %dot_general3A_48 = arith.constant dense<0.000000e+00> : vector<512x512xf32>
      %dot_general3A_49 = tpu.matmul %mul3A_44, %get3A_47, %dot_general3A_48 {dimension_numbers = #tpu.dot_dimension_numbers<[1], [1], [0], [0], [0, 0, 1, 0], [], []>, transpose_lhs_hint = false} : vector<512x64xf32>, vector<512x64xf32>, vector<512x512xf32> -> vector<512x512xf32>
      %exp3A_50 = math.exp %dot_general3A_49 : vector<512x512xf32>
      %jit3A_51 = arith.constant 0.000000e+00 : f32
      %broadcast_in_dim3A_52 = vector.broadcast %jit3A_51 : f32 to vector<512x512xf32>
      %select_n3A_53 = arith.select %or3A_11, %exp3A_50, %broadcast_in_dim3A_52 : vector<512x512xi1>, vector<512x512xf32>
      %get3A_54 = arith.constant 0 : index
      %get3A_55 = arith.constant 1 : index
      %get3A_56 = vector.load %arg7[%get3A_54, %get3A_55] : memref<512x128xf32, #tpu.memory_space<vmem>>, vector<512x1xf32>
      %reduce_sum3A_57 = arith.constant dense<0.000000e+00> : vector<512xf32>
      %reduce_sum3A_58 = vector.multi_reduction <add>, %select_n3A_53, %reduce_sum3A_57 [1] : vector<512x512xf32> to vector<512xf32>
      %broadcast_in_dim3A_59 = vector.shape_cast %reduce_sum3A_58 : vector<512xf32> to vector<512x1xf32>
      %add3A_60 = arith.addf %get3A_56, %broadcast_in_dim3A_59 : vector<512x1xf32>
      %swap3A_61 = arith.constant 0 : index
      %swap3A_62 = arith.constant 1 : index
      %swap3A_63 = vector.load %arg7[%swap3A_61, %swap3A_62] : memref<512x128xf32, #tpu.memory_space<vmem>>, vector<512x1xf32>
      tpu.vector_store %arg7[%swap3A_61, %swap3A_62], %add3A_60 {strides = array<i32>} : memref<512x128xf32, #tpu.memory_space<vmem>>, vector<512x1xf32>,
      %get3A_64 = arith.constant 0 : index
      %get3A_65 = arith.constant 64 : index
      %get3A_66 = vector.load %arg6[%get3A_64, %get3A_65] : memref<512x768xf32, #tpu.memory_space<vmem>>, vector<512x64xf32>
      %get3A_67 = arith.constant 0 : index
      %get3A_68 = arith.constant 64 : index
      %get3A_69 = vector.load %arg4[%get3A_67, %get3A_68] : memref<512x768xf32, #tpu.memory_space<vmem>>, vector<512x64xf32>
      %dot_general3A_70 = arith.constant dense<0.000000e+00> : vector<512x64xf32>
      %dot_general3A_71 = tpu.matmul %select_n3A_53, %get3A_69, %dot_general3A_70 {dimension_numbers = #tpu.dot_dimension_numbers<[1], [0], [0], [1], [0, 0, 1, 1], [], []>, transpose_lhs_hint = false} : vector<512x512xf32>, vector<512x64xf32>, vector<512x64xf32> -> vector<512x64xf32>
      %add3A_72 = arith.addf %get3A_66, %dot_general3A_71 : vector<512x64xf32>
      %swap3A_73 = arith.constant 0 : index
      %swap3A_74 = arith.constant 64 : index
      %swap3A_75 = vector.load %arg6[%swap3A_73, %swap3A_74] : memref<512x768xf32, #tpu.memory_space<vmem>>, vector<512x64xf32>
      tpu.vector_store %arg6[%swap3A_73, %swap3A_74], %add3A_72 {strides = array<i32>} : memref<512x768xf32, #tpu.memory_space<vmem>>, vector<512x64xf32>,
      %get3A_76 = arith.constant 0 : index
      %get3A_77 = arith.constant 128 : index
      %get3A_78 = vector.load %arg2[%get3A_76, %get3A_77] : memref<512x768xf32, #tpu.memory_space<vmem>>, vector<512x64xf32>
      %mul3A_79 = arith.constant 1.250000e-01 : f32
      %mul3A_80 = vector.broadcast %mul3A_79 : f32 to vector<512x64xf32>
      %mul3A_81 = arith.mulf %get3A_78, %mul3A_80 : vector<512x64xf32>
      %get3A_82 = arith.constant 0 : index
      %get3A_83 = arith.constant 128 : index
      %get3A_84 = vector.load %arg3[%get3A_82, %get3A_83] : memref<512x768xf32, #tpu.memory_space<vmem>>, vector<512x64xf32>
      %dot_general3A_85 = arith.constant dense<0.000000e+00> : vector<512x512xf32>
      %dot_general3A_86 = tpu.matmul %mul3A_81, %get3A_84, %dot_general3A_85 {dimension_numbers = #tpu.dot_dimension_numbers<[1], [1], [0], [0], [0, 0, 1, 0], [], []>, transpose_lhs_hint = false} : vector<512x64xf32>, vector<512x64xf32>, vector<512x512xf32> -> vector<512x512xf32>
      %exp3A_87 = math.exp %dot_general3A_86 : vector<512x512xf32>
      %jit3A_88 = arith.constant 0.000000e+00 : f32
      %broadcast_in_dim3A_89 = vector.broadcast %jit3A_88 : f32 to vector<512x512xf32>
      %select_n3A_90 = arith.select %or3A_11, %exp3A_87, %broadcast_in_dim3A_89 : vector<512x512xi1>, vector<512x512xf32>
      %get3A_91 = arith.constant 0 : index
      %get3A_92 = arith.constant 2 : index
      %get3A_93 = vector.load %arg7[%get3A_91, %get3A_92] : memref<512x128xf32, #tpu.memory_space<vmem>>, vector<512x1xf32>
      %reduce_sum3A_94 = arith.constant dense<0.000000e+00> : vector<512xf32>
      %reduce_sum3A_95 = vector.multi_reduction <add>, %select_n3A_90, %reduce_sum3A_94 [1] : vector<512x512xf32> to vector<512xf32>
      %broadcast_in_dim3A_96 = vector.shape_cast %reduce_sum3A_95 : vector<512xf32> to vector<512x1xf32>
      %add3A_97 = arith.addf %get3A_93, %broadcast_in_dim3A_96 : vector<512x1xf32>
      %swap3A_98 = arith.constant 0 : index
      %swap3A_99 = arith.constant 2 : index
      %swap3A_100 = vector.load %arg7[%swap3A_98, %swap3A_99] : memref<512x128xf32, #tpu.memory_space<vmem>>, vector<512x1xf32>
      tpu.vector_store %arg7[%swap3A_98, %swap3A_99], %add3A_97 {strides = array<i32>} : memref<512x128xf32, #tpu.memory_space<vmem>>, vector<512x1xf32>,
      %get3A_101 = arith.constant 0 : index
      %get3A_102 = arith.constant 128 : index
      %get3A_103 = vector.load %arg6[%get3A_101, %get3A_102] : memref<512x768xf32, #tpu.memory_space<vmem>>, vector<512x64xf32>
      %get3A_104 = arith.constant 0 : index
      %get3A_105 = arith.constant 128 : index
      %get3A_106 = vector.load %arg4[%get3A_104, %get3A_105] : memref<512x768xf32, #tpu.memory_space<vmem>>, vector<512x64xf32>
      %dot_general3A_107 = arith.constant dense<0.000000e+00> : vector<512x64xf32>
      %dot_general3A_108 = tpu.matmul %select_n3A_90, %get3A_106, %dot_general3A_107 {dimension_numbers = #tpu.dot_dimension_numbers<[1], [0], [0], [1], [0, 0, 1, 1], [], []>, transpose_lhs_hint = false} : vector<512x512xf32>, vector<512x64xf32>, vector<512x64xf32> -> vector<512x64xf32>
      %add3A_109 = arith.addf %get3A_103, %dot_general3A_108 : vector<512x64xf32>
      %swap3A_110 = arith.constant 0 : index
      %swap3A_111 = arith.constant 128 : index
      %swap3A_112 = vector.load %arg6[%swap3A_110, %swap3A_111] : memref<512x768xf32, #tpu.memory_space<vmem>>, vector<512x64xf32>
      tpu.vector_store %arg6[%swap3A_110, %swap3A_111], %add3A_109 {strides = array<i32>} : memref<512x768xf32, #tpu.memory_space<vmem>>, vector<512x64xf32>,
      %get3A_113 = arith.constant 0 : index
      %get3A_114 = arith.constant 192 : index
      %get3A_115 = vector.load %arg2[%get3A_113, %get3A_114] : memref<512x768xf32, #tpu.memory_space<vmem>>, vector<512x64xf32>
      %mul3A_116 = arith.constant 1.250000e-01 : f32
      %mul3A_117 = vector.broadcast %mul3A_116 : f32 to vector<512x64xf32>
      %mul3A_118 = arith.mulf %get3A_115, %mul3A_117 : vector<512x64xf32>
      %get3A_119 = arith.constant 0 : index
      %get3A_120 = arith.constant 192 : index
      %get3A_121 = vector.load %arg3[%get3A_119, %get3A_120] : memref<512x768xf32, #tpu.memory_space<vmem>>, vector<512x64xf32>
      %dot_general3A_122 = arith.constant dense<0.000000e+00> : vector<512x512xf32>
      %dot_general3A_123 = tpu.matmul %mul3A_118, %get3A_121, %dot_general3A_122 {dimension_numbers = #tpu.dot_dimension_numbers<[1], [1], [0], [0], [0, 0, 1, 0], [], []>, transpose_lhs_hint = false} : vector<512x64xf32>, vector<512x64xf32>, vector<512x512xf32> -> vector<512x512xf32>
      %exp3A_124 = math.exp %dot_general3A_123 : vector<512x512xf32>
      %jit3A_125 = arith.constant 0.000000e+00 : f32
      %broadcast_in_dim3A_126 = vector.broadcast %jit3A_125 : f32 to vector<512x512xf32>
      %select_n3A_127 = arith.select %or3A_11, %exp3A_124, %broadcast_in_dim3A_126 : vector<512x512xi1>, vector<512x512xf32>
      %get3A_128 = arith.constant 0 : index
      %get3A_129 = arith.constant 3 : index
      %get3A_130 = vector.load %arg7[%get3A_128, %get3A_129] : memref<512x128xf32, #tpu.memory_space<vmem>>, vector<512x1xf32>
      %reduce_sum3A_131 = arith.constant dense<0.000000e+00> : vector<512xf32>
      %reduce_sum3A_132 = vector.multi_reduction <add>, %select_n3A_127, %reduce_sum3A_131 [1] : vector<512x512xf32> to vector<512xf32>
      %broadcast_in_dim3A_133 = vector.shape_cast %reduce_sum3A_132 : vector<512xf32> to vector<512x1xf32>
      %add3A_134 = arith.addf %get3A_130, %broadcast_in_dim3A_133 : vector<512x1xf32>
      %swap3A_135 = arith.constant 0 : index
      %swap3A_136 = arith.constant 3 : index
      %swap3A_137 = vector.load %arg7[%swap3A_135, %swap3A_136] : memref<512x128xf32, #tpu.memory_space<vmem>>, vector<512x1xf32>
      tpu.vector_store %arg7[%swap3A_135, %swap3A_136], %add3A_134 {strides = array<i32>} : memref<512x128xf32, #tpu.memory_space<vmem>>, vector<512x1xf32>,
      %get3A_138 = arith.constant 0 : index
      %get3A_139 = arith.constant 192 : index
      %get3A_140 = vector.load %arg6[%get3A_138, %get3A_139] : memref<512x768xf32, #tpu.memory_space<vmem>>, vector<512x64xf32>
      %get3A_141 = arith.constant 0 : index
      %get3A_142 = arith.constant 192 : index
      %get3A_143 = vector.load %arg4[%get3A_141, %get3A_142] : memref<512x768xf32, #tpu.memory_space<vmem>>, vector<512x64xf32>
      %dot_general3A_144 = arith.constant dense<0.000000e+00> : vector<512x64xf32>
      %dot_general3A_145 = tpu.matmul %select_n3A_127, %get3A_143, %dot_general3A_144 {dimension_numbers = #tpu.dot_dimension_numbers<[1], [0], [0], [1], [0, 0, 1, 1], [], []>, transpose_lhs_hint = false} : vector<512x512xf32>, vector<512x64xf32>, vector<512x64xf32> -> vector<512x64xf32>
      %add3A_146 = arith.addf %get3A_140, %dot_general3A_145 : vector<512x64xf32>
      %swap3A_147 = arith.constant 0 : index
      %swap3A_148 = arith.constant 192 : index
      %swap3A_149 = vector.load %arg6[%swap3A_147, %swap3A_148] : memref<512x768xf32, #tpu.memory_space<vmem>>, vector<512x64xf32>
      tpu.vector_store %arg6[%swap3A_147, %swap3A_148], %add3A_146 {strides = array<i32>} : memref<512x768xf32, #tpu.memory_space<vmem>>, vector<512x64xf32>,
      %get3A_150 = arith.constant 0 : index
      %get3A_151 = arith.constant 256 : index
      %get3A_152 = vector.load %arg2[%get3A_150, %get3A_151] : memref<512x768xf32, #tpu.memory_space<vmem>>, vector<512x64xf32>
      %mul3A_153 = arith.constant 1.250000e-01 : f32
      %mul3A_154 = vector.broadcast %mul3A_153 : f32 to vector<512x64xf32>
      %mul3A_155 = arith.mulf %get3A_152, %mul3A_154 : vector<512x64xf32>
      %get3A_156 = arith.constant 0 : index
      %get3A_157 = arith.constant 256 : index
      %get3A_158 = vector.load %arg3[%get3A_156, %get3A_157] : memref<512x768xf32, #tpu.memory_space<vmem>>, vector<512x64xf32>
      %dot_general3A_159 = arith.constant dense<0.000000e+00> : vector<512x512xf32>
      %dot_general3A_160 = tpu.matmul %mul3A_155, %get3A_158, %dot_general3A_159 {dimension_numbers = #tpu.dot_dimension_numbers<[1], [1], [0], [0], [0, 0, 1, 0], [], []>, transpose_lhs_hint = false} : vector<512x64xf32>, vector<512x64xf32>, vector<512x512xf32> -> vector<512x512xf32>
      %exp3A_161 = math.exp %dot_general3A_160 : vector<512x512xf32>
      %jit3A_162 = arith.constant 0.000000e+00 : f32
      %broadcast_in_dim3A_163 = vector.broadcast %jit3A_162 : f32 to vector<512x512xf32>
      %select_n3A_164 = arith.select %or3A_11, %exp3A_161, %broadcast_in_dim3A_163 : vector<512x512xi1>, vector<512x512xf32>
      %get3A_165 = arith.constant 0 : index
      %get3A_166 = arith.constant 4 : index
      %get3A_167 = vector.load %arg7[%get3A_165, %get3A_166] : memref<512x128xf32, #tpu.memory_space<vmem>>, vector<512x1xf32>
      %reduce_sum3A_168 = arith.constant dense<0.000000e+00> : vector<512xf32>
      %reduce_sum3A_169 = vector.multi_reduction <add>, %select_n3A_164, %reduce_sum3A_168 [1] : vector<512x512xf32> to vector<512xf32>
      %broadcast_in_dim3A_170 = vector.shape_cast %reduce_sum3A_169 : vector<512xf32> to vector<512x1xf32>
      %add3A_171 = arith.addf %get3A_167, %broadcast_in_dim3A_170 : vector<512x1xf32>
      %swap3A_172 = arith.constant 0 : index
      %swap3A_173 = arith.constant 4 : index
      %swap3A_174 = vector.load %arg7[%swap3A_172, %swap3A_173] : memref<512x128xf32, #tpu.memory_space<vmem>>, vector<512x1xf32>
      tpu.vector_store %arg7[%swap3A_172, %swap3A_173], %add3A_171 {strides = array<i32>} : memref<512x128xf32, #tpu.memory_space<vmem>>, vector<512x1xf32>,
      %get3A_175 = arith.constant 0 : index
      %get3A_176 = arith.constant 256 : index
      %get3A_177 = vector.load %arg6[%get3A_175, %get3A_176] : memref<512x768xf32, #tpu.memory_space<vmem>>, vector<512x64xf32>
      %get3A_178 = arith.constant 0 : index
      %get3A_179 = arith.constant 256 : index
      %get3A_180 = vector.load %arg4[%get3A_178, %get3A_179] : memref<512x768xf32, #tpu.memory_space<vmem>>, vector<512x64xf32>
      %dot_general3A_181 = arith.constant dense<0.000000e+00> : vector<512x64xf32>
      %dot_general3A_182 = tpu.matmul %select_n3A_164, %get3A_180, %dot_general3A_181 {dimension_numbers = #tpu.dot_dimension_numbers<[1], [0], [0], [1], [0, 0, 1, 1], [], []>, transpose_lhs_hint = false} : vector<512x512xf32>, vector<512x64xf32>, vector<512x64xf32> -> vector<512x64xf32>
      %add3A_183 = arith.addf %get3A_177, %dot_general3A_182 : vector<512x64xf32>
      %swap3A_184 = arith.constant 0 : index
      %swap3A_185 = arith.constant 256 : index
      %swap3A_186 = vector.load %arg6[%swap3A_184, %swap3A_185] : memref<512x768xf32, #tpu.memory_space<vmem>>, vector<512x64xf32>
      tpu.vector_store %arg6[%swap3A_184, %swap3A_185], %add3A_183 {strides = array<i32>} : memref<512x768xf32, #tpu.memory_space<vmem>>, vector<512x64xf32>,
      %get3A_187 = arith.constant 0 : index
      %get3A_188 = arith.constant 320 : index
      %get3A_189 = vector.load %arg2[%get3A_187, %get3A_188] : memref<512x768xf32, #tpu.memory_space<vmem>>, vector<512x64xf32>
      %mul3A_190 = arith.constant 1.250000e-01 : f32
      %mul3A_191 = vector.broadcast %mul3A_190 : f32 to vector<512x64xf32>
      %mul3A_192 = arith.mulf %get3A_189, %mul3A_191 : vector<512x64xf32>
      %get3A_193 = arith.constant 0 : index
      %get3A_194 = arith.constant 320 : index
      %get3A_195 = vector.load %arg3[%get3A_193, %get3A_194] : memref<512x768xf32, #tpu.memory_space<vmem>>, vector<512x64xf32>
      %dot_general3A_196 = arith.constant dense<0.000000e+00> : vector<512x512xf32>
      %dot_general3A_197 = tpu.matmul %mul3A_192, %get3A_195, %dot_general3A_196 {dimension_numbers = #tpu.dot_dimension_numbers<[1], [1], [0], [0], [0, 0, 1, 0], [], []>, transpose_lhs_hint = false} : vector<512x64xf32>, vector<512x64xf32>, vector<512x512xf32> -> vector<512x512xf32>
      %exp3A_198 = math.exp %dot_general3A_197 : vector<512x512xf32>
      %jit3A_199 = arith.constant 0.000000e+00 : f32
      %broadcast_in_dim3A_200 = vector.broadcast %jit3A_199 : f32 to vector<512x512xf32>
      %select_n3A_201 = arith.select %or3A_11, %exp3A_198, %broadcast_in_dim3A_200 : vector<512x512xi1>, vector<512x512xf32>
      %get3A_202 = arith.constant 0 : index
      %get3A_203 = arith.constant 5 : index
      %get3A_204 = vector.load %arg7[%get3A_202, %get3A_203] : memref<512x128xf32, #tpu.memory_space<vmem>>, vector<512x1xf32>
      %reduce_sum3A_205 = arith.constant dense<0.000000e+00> : vector<512xf32>
      %reduce_sum3A_206 = vector.multi_reduction <add>, %select_n3A_201, %reduce_sum3A_205 [1] : vector<512x512xf32> to vector<512xf32>
      %broadcast_in_dim3A_207 = vector.shape_cast %reduce_sum3A_206 : vector<512xf32> to vector<512x1xf32>
      %add3A_208 = arith.addf %get3A_204, %broadcast_in_dim3A_207 : vector<512x1xf32>
      %swap3A_209 = arith.constant 0 : index
      %swap3A_210 = arith.constant 5 : index
      %swap3A_211 = vector.load %arg7[%swap3A_209, %swap3A_210] : memref<512x128xf32, #tpu.memory_space<vmem>>, vector<512x1xf32>
      tpu.vector_store %arg7[%swap3A_209, %swap3A_210], %add3A_208 {strides = array<i32>} : memref<512x128xf32, #tpu.memory_space<vmem>>, vector<512x1xf32>,
      %get3A_212 = arith.constant 0 : index
      %get3A_213 = arith.constant 320 : index
      %get3A_214 = vector.load %arg6[%get3A_212, %get3A_213] : memref<512x768xf32, #tpu.memory_space<vmem>>, vector<512x64xf32>
      %get3A_215 = arith.constant 0 : index
      %get3A_216 = arith.constant 320 : index
      %get3A_217 = vector.load %arg4[%get3A_215, %get3A_216] : memref<512x768xf32, #tpu.memory_space<vmem>>, vector<512x64xf32>
      %dot_general3A_218 = arith.constant dense<0.000000e+00> : vector<512x64xf32>
      %dot_general3A_219 = tpu.matmul %select_n3A_201, %get3A_217, %dot_general3A_218 {dimension_numbers = #tpu.dot_dimension_numbers<[1], [0], [0], [1], [0, 0, 1, 1], [], []>, transpose_lhs_hint = false} : vector<512x512xf32>, vector<512x64xf32>, vector<512x64xf32> -> vector<512x64xf32>
      %add3A_220 = arith.addf %get3A_214, %dot_general3A_219 : vector<512x64xf32>
      %swap3A_221 = arith.constant 0 : index
      %swap3A_222 = arith.constant 320 : index
      %swap3A_223 = vector.load %arg6[%swap3A_221, %swap3A_222] : memref<512x768xf32, #tpu.memory_space<vmem>>, vector<512x64xf32>
      tpu.vector_store %arg6[%swap3A_221, %swap3A_222], %add3A_220 {strides = array<i32>} : memref<512x768xf32, #tpu.memory_space<vmem>>, vector<512x64xf32>,
      %get3A_224 = arith.constant 0 : index
      %get3A_225 = arith.constant 384 : index
      %get3A_226 = vector.load %arg2[%get3A_224, %get3A_225] : memref<512x768xf32, #tpu.memory_space<vmem>>, vector<512x64xf32>
      %mul3A_227 = arith.constant 1.250000e-01 : f32
      %mul3A_228 = vector.broadcast %mul3A_227 : f32 to vector<512x64xf32>
      %mul3A_229 = arith.mulf %get3A_226, %mul3A_228 : vector<512x64xf32>
      %get3A_230 = arith.constant 0 : index
      %get3A_231 = arith.constant 384 : index
      %get3A_232 = vector.load %arg3[%get3A_230, %get3A_231] : memref<512x768xf32, #tpu.memory_space<vmem>>, vector<512x64xf32>
      %dot_general3A_233 = arith.constant dense<0.000000e+00> : vector<512x512xf32>
      %dot_general3A_234 = tpu.matmul %mul3A_229, %get3A_232, %dot_general3A_233 {dimension_numbers = #tpu.dot_dimension_numbers<[1], [1], [0], [0], [0, 0, 1, 0], [], []>, transpose_lhs_hint = false} : vector<512x64xf32>, vector<512x64xf32>, vector<512x512xf32> -> vector<512x512xf32>
      %exp3A_235 = math.exp %dot_general3A_234 : vector<512x512xf32>
      %jit3A_236 = arith.constant 0.000000e+00 : f32
      %broadcast_in_dim3A_237 = vector.broadcast %jit3A_236 : f32 to vector<512x512xf32>
      %select_n3A_238 = arith.select %or3A_11, %exp3A_235, %broadcast_in_dim3A_237 : vector<512x512xi1>, vector<512x512xf32>
      %get3A_239 = arith.constant 0 : index
      %get3A_240 = arith.constant 6 : index
      %get3A_241 = vector.load %arg7[%get3A_239, %get3A_240] : memref<512x128xf32, #tpu.memory_space<vmem>>, vector<512x1xf32>
      %reduce_sum3A_242 = arith.constant dense<0.000000e+00> : vector<512xf32>
      %reduce_sum3A_243 = vector.multi_reduction <add>, %select_n3A_238, %reduce_sum3A_242 [1] : vector<512x512xf32> to vector<512xf32>
      %broadcast_in_dim3A_244 = vector.shape_cast %reduce_sum3A_243 : vector<512xf32> to vector<512x1xf32>
      %add3A_245 = arith.addf %get3A_241, %broadcast_in_dim3A_244 : vector<512x1xf32>
      %swap3A_246 = arith.constant 0 : index
      %swap3A_247 = arith.constant 6 : index
      %swap3A_248 = vector.load %arg7[%swap3A_246, %swap3A_247] : memref<512x128xf32, #tpu.memory_space<vmem>>, vector<512x1xf32>
      tpu.vector_store %arg7[%swap3A_246, %swap3A_247], %add3A_245 {strides = array<i32>} : memref<512x128xf32, #tpu.memory_space<vmem>>, vector<512x1xf32>,
      %get3A_249 = arith.constant 0 : index
      %get3A_250 = arith.constant 384 : index
      %get3A_251 = vector.load %arg6[%get3A_249, %get3A_250] : memref<512x768xf32, #tpu.memory_space<vmem>>, vector<512x64xf32>
      %get3A_252 = arith.constant 0 : index
      %get3A_253 = arith.constant 384 : index
      %get3A_254 = vector.load %arg4[%get3A_252, %get3A_253] : memref<512x768xf32, #tpu.memory_space<vmem>>, vector<512x64xf32>
      %dot_general3A_255 = arith.constant dense<0.000000e+00> : vector<512x64xf32>
      %dot_general3A_256 = tpu.matmul %select_n3A_238, %get3A_254, %dot_general3A_255 {dimension_numbers = #tpu.dot_dimension_numbers<[1], [0], [0], [1], [0, 0, 1, 1], [], []>, transpose_lhs_hint = false} : vector<512x512xf32>, vector<512x64xf32>, vector<512x64xf32> -> vector<512x64xf32>
      %add3A_257 = arith.addf %get3A_251, %dot_general3A_256 : vector<512x64xf32>
      %swap3A_258 = arith.constant 0 : index
      %swap3A_259 = arith.constant 384 : index
      %swap3A_260 = vector.load %arg6[%swap3A_258, %swap3A_259] : memref<512x768xf32, #tpu.memory_space<vmem>>, vector<512x64xf32>
      tpu.vector_store %arg6[%swap3A_258, %swap3A_259], %add3A_257 {strides = array<i32>} : memref<512x768xf32, #tpu.memory_space<vmem>>, vector<512x64xf32>,
      %get3A_261 = arith.constant 0 : index
      %get3A_262 = arith.constant 448 : index
      %get3A_263 = vector.load %arg2[%get3A_261, %get3A_262] : memref<512x768xf32, #tpu.memory_space<vmem>>, vector<512x64xf32>
      %mul3A_264 = arith.constant 1.250000e-01 : f32
      %mul3A_265 = vector.broadcast %mul3A_264 : f32 to vector<512x64xf32>
      %mul3A_266 = arith.mulf %get3A_263, %mul3A_265 : vector<512x64xf32>
      %get3A_267 = arith.constant 0 : index
      %get3A_268 = arith.constant 448 : index
      %get3A_269 = vector.load %arg3[%get3A_267, %get3A_268] : memref<512x768xf32, #tpu.memory_space<vmem>>, vector<512x64xf32>
      %dot_general3A_270 = arith.constant dense<0.000000e+00> : vector<512x512xf32>
      %dot_general3A_271 = tpu.matmul %mul3A_266, %get3A_269, %dot_general3A_270 {dimension_numbers = #tpu.dot_dimension_numbers<[1], [1], [0], [0], [0, 0, 1, 0], [], []>, transpose_lhs_hint = false} : vector<512x64xf32>, vector<512x64xf32>, vector<512x512xf32> -> vector<512x512xf32>
      %exp3A_272 = math.exp %dot_general3A_271 : vector<512x512xf32>
      %jit3A_273 = arith.constant 0.000000e+00 : f32
      %broadcast_in_dim3A_274 = vector.broadcast %jit3A_273 : f32 to vector<512x512xf32>
      %select_n3A_275 = arith.select %or3A_11, %exp3A_272, %broadcast_in_dim3A_274 : vector<512x512xi1>, vector<512x512xf32>
      %get3A_276 = arith.constant 0 : index
      %get3A_277 = arith.constant 7 : index
      %get3A_278 = vector.load %arg7[%get3A_276, %get3A_277] : memref<512x128xf32, #tpu.memory_space<vmem>>, vector<512x1xf32>
      %reduce_sum3A_279 = arith.constant dense<0.000000e+00> : vector<512xf32>
      %reduce_sum3A_280 = vector.multi_reduction <add>, %select_n3A_275, %reduce_sum3A_279 [1] : vector<512x512xf32> to vector<512xf32>
      %broadcast_in_dim3A_281 = vector.shape_cast %reduce_sum3A_280 : vector<512xf32> to vector<512x1xf32>
      %add3A_282 = arith.addf %get3A_278, %broadcast_in_dim3A_281 : vector<512x1xf32>
      %swap3A_283 = arith.constant 0 : index
      %swap3A_284 = arith.constant 7 : index
      %swap3A_285 = vector.load %arg7[%swap3A_283, %swap3A_284] : memref<512x128xf32, #tpu.memory_space<vmem>>, vector<512x1xf32>
      tpu.vector_store %arg7[%swap3A_283, %swap3A_284], %add3A_282 {strides = array<i32>} : memref<512x128xf32, #tpu.memory_space<vmem>>, vector<512x1xf32>,
      %get3A_286 = arith.constant 0 : index
      %get3A_287 = arith.constant 448 : index
      %get3A_288 = vector.load %arg6[%get3A_286, %get3A_287] : memref<512x768xf32, #tpu.memory_space<vmem>>, vector<512x64xf32>
      %get3A_289 = arith.constant 0 : index
      %get3A_290 = arith.constant 448 : index
      %get3A_291 = vector.load %arg4[%get3A_289, %get3A_290] : memref<512x768xf32, #tpu.memory_space<vmem>>, vector<512x64xf32>
      %dot_general3A_292 = arith.constant dense<0.000000e+00> : vector<512x64xf32>
      %dot_general3A_293 = tpu.matmul %select_n3A_275, %get3A_291, %dot_general3A_292 {dimension_numbers = #tpu.dot_dimension_numbers<[1], [0], [0], [1], [0, 0, 1, 1], [], []>, transpose_lhs_hint = false} : vector<512x512xf32>, vector<512x64xf32>, vector<512x64xf32> -> vector<512x64xf32>
      %add3A_294 = arith.addf %get3A_288, %dot_general3A_293 : vector<512x64xf32>
      %swap3A_295 = arith.constant 0 : index
      %swap3A_296 = arith.constant 448 : index
      %swap3A_297 = vector.load %arg6[%swap3A_295, %swap3A_296] : memref<512x768xf32, #tpu.memory_space<vmem>>, vector<512x64xf32>
      tpu.vector_store %arg6[%swap3A_295, %swap3A_296], %add3A_294 {strides = array<i32>} : memref<512x768xf32, #tpu.memory_space<vmem>>, vector<512x64xf32>,
      %get3A_298 = arith.constant 0 : index
      %get3A_299 = arith.constant 512 : index
      %get3A_300 = vector.load %arg2[%get3A_298, %get3A_299] : memref<512x768xf32, #tpu.memory_space<vmem>>, vector<512x64xf32>
      %mul3A_301 = arith.constant 1.250000e-01 : f32
      %mul3A_302 = vector.broadcast %mul3A_301 : f32 to vector<512x64xf32>
      %mul3A_303 = arith.mulf %get3A_300, %mul3A_302 : vector<512x64xf32>
      %get3A_304 = arith.constant 0 : index
      %get3A_305 = arith.constant 512 : index
      %get3A_306 = vector.load %arg3[%get3A_304, %get3A_305] : memref<512x768xf32, #tpu.memory_space<vmem>>, vector<512x64xf32>
      %dot_general3A_307 = arith.constant dense<0.000000e+00> : vector<512x512xf32>
      %dot_general3A_308 = tpu.matmul %mul3A_303, %get3A_306, %dot_general3A_307 {dimension_numbers = #tpu.dot_dimension_numbers<[1], [1], [0], [0], [0, 0, 1, 0], [], []>, transpose_lhs_hint = false} : vector<512x64xf32>, vector<512x64xf32>, vector<512x512xf32> -> vector<512x512xf32>
      %exp3A_309 = math.exp %dot_general3A_308 : vector<512x512xf32>
      %jit3A_310 = arith.constant 0.000000e+00 : f32
      %broadcast_in_dim3A_311 = vector.broadcast %jit3A_310 : f32 to vector<512x512xf32>
      %select_n3A_312 = arith.select %or3A_11, %exp3A_309, %broadcast_in_dim3A_311 : vector<512x512xi1>, vector<512x512xf32>
      %get3A_313 = arith.constant 0 : index
      %get3A_314 = arith.constant 8 : index
      %get3A_315 = vector.load %arg7[%get3A_313, %get3A_314] : memref<512x128xf32, #tpu.memory_space<vmem>>, vector<512x1xf32>
      %reduce_sum3A_316 = arith.constant dense<0.000000e+00> : vector<512xf32>
      %reduce_sum3A_317 = vector.multi_reduction <add>, %select_n3A_312, %reduce_sum3A_316 [1] : vector<512x512xf32> to vector<512xf32>
      %broadcast_in_dim3A_318 = vector.shape_cast %reduce_sum3A_317 : vector<512xf32> to vector<512x1xf32>
      %add3A_319 = arith.addf %get3A_315, %broadcast_in_dim3A_318 : vector<512x1xf32>
      %swap3A_320 = arith.constant 0 : index
      %swap3A_321 = arith.constant 8 : index
      %swap3A_322 = vector.load %arg7[%swap3A_320, %swap3A_321] : memref<512x128xf32, #tpu.memory_space<vmem>>, vector<512x1xf32>
      tpu.vector_store %arg7[%swap3A_320, %swap3A_321], %add3A_319 {strides = array<i32>} : memref<512x128xf32, #tpu.memory_space<vmem>>, vector<512x1xf32>,
      %get3A_323 = arith.constant 0 : index
      %get3A_324 = arith.constant 512 : index
      %get3A_325 = vector.load %arg6[%get3A_323, %get3A_324] : memref<512x768xf32, #tpu.memory_space<vmem>>, vector<512x64xf32>
      %get3A_326 = arith.constant 0 : index
      %get3A_327 = arith.constant 512 : index
      %get3A_328 = vector.load %arg4[%get3A_326, %get3A_327] : memref<512x768xf32, #tpu.memory_space<vmem>>, vector<512x64xf32>
      %dot_general3A_329 = arith.constant dense<0.000000e+00> : vector<512x64xf32>
      %dot_general3A_330 = tpu.matmul %select_n3A_312, %get3A_328, %dot_general3A_329 {dimension_numbers = #tpu.dot_dimension_numbers<[1], [0], [0], [1], [0, 0, 1, 1], [], []>, transpose_lhs_hint = false} : vector<512x512xf32>, vector<512x64xf32>, vector<512x64xf32> -> vector<512x64xf32>
      %add3A_331 = arith.addf %get3A_325, %dot_general3A_330 : vector<512x64xf32>
      %swap3A_332 = arith.constant 0 : index
      %swap3A_333 = arith.constant 512 : index
      %swap3A_334 = vector.load %arg6[%swap3A_332, %swap3A_333] : memref<512x768xf32, #tpu.memory_space<vmem>>, vector<512x64xf32>
      tpu.vector_store %arg6[%swap3A_332, %swap3A_333], %add3A_331 {strides = array<i32>} : memref<512x768xf32, #tpu.memory_space<vmem>>, vector<512x64xf32>,
      %get3A_335 = arith.constant 0 : index
      %get3A_336 = arith.constant 576 : index
      %get3A_337 = vector.load %arg2[%get3A_335, %get3A_336] : memref<512x768xf32, #tpu.memory_space<vmem>>, vector<512x64xf32>
      %mul3A_338 = arith.constant 1.250000e-01 : f32
      %mul3A_339 = vector.broadcast %mul3A_338 : f32 to vector<512x64xf32>
      %mul3A_340 = arith.mulf %get3A_337, %mul3A_339 : vector<512x64xf32>
      %get3A_341 = arith.constant 0 : index
      %get3A_342 = arith.constant 576 : index
      %get3A_343 = vector.load %arg3[%get3A_341, %get3A_342] : memref<512x768xf32, #tpu.memory_space<vmem>>, vector<512x64xf32>
      %dot_general3A_344 = arith.constant dense<0.000000e+00> : vector<512x512xf32>
      %dot_general3A_345 = tpu.matmul %mul3A_340, %get3A_343, %dot_general3A_344 {dimension_numbers = #tpu.dot_dimension_numbers<[1], [1], [0], [0], [0, 0, 1, 0], [], []>, transpose_lhs_hint = false} : vector<512x64xf32>, vector<512x64xf32>, vector<512x512xf32> -> vector<512x512xf32>
      %exp3A_346 = math.exp %dot_general3A_345 : vector<512x512xf32>
      %jit3A_347 = arith.constant 0.000000e+00 : f32
      %broadcast_in_dim3A_348 = vector.broadcast %jit3A_347 : f32 to vector<512x512xf32>
      %select_n3A_349 = arith.select %or3A_11, %exp3A_346, %broadcast_in_dim3A_348 : vector<512x512xi1>, vector<512x512xf32>
      %get3A_350 = arith.constant 0 : index
      %get3A_351 = arith.constant 9 : index
      %get3A_352 = vector.load %arg7[%get3A_350, %get3A_351] : memref<512x128xf32, #tpu.memory_space<vmem>>, vector<512x1xf32>
      %reduce_sum3A_353 = arith.constant dense<0.000000e+00> : vector<512xf32>
      %reduce_sum3A_354 = vector.multi_reduction <add>, %select_n3A_349, %reduce_sum3A_353 [1] : vector<512x512xf32> to vector<512xf32>
      %broadcast_in_dim3A_355 = vector.shape_cast %reduce_sum3A_354 : vector<512xf32> to vector<512x1xf32>
      %add3A_356 = arith.addf %get3A_352, %broadcast_in_dim3A_355 : vector<512x1xf32>
      %swap3A_357 = arith.constant 0 : index
      %swap3A_358 = arith.constant 9 : index
      %swap3A_359 = vector.load %arg7[%swap3A_357, %swap3A_358] : memref<512x128xf32, #tpu.memory_space<vmem>>, vector<512x1xf32>
      tpu.vector_store %arg7[%swap3A_357, %swap3A_358], %add3A_356 {strides = array<i32>} : memref<512x128xf32, #tpu.memory_space<vmem>>, vector<512x1xf32>,
      %get3A_360 = arith.constant 0 : index
      %get3A_361 = arith.constant 576 : index
      %get3A_362 = vector.load %arg6[%get3A_360, %get3A_361] : memref<512x768xf32, #tpu.memory_space<vmem>>, vector<512x64xf32>
      %get3A_363 = arith.constant 0 : index
      %get3A_364 = arith.constant 576 : index
      %get3A_365 = vector.load %arg4[%get3A_363, %get3A_364] : memref<512x768xf32, #tpu.memory_space<vmem>>, vector<512x64xf32>
      %dot_general3A_366 = arith.constant dense<0.000000e+00> : vector<512x64xf32>
      %dot_general3A_367 = tpu.matmul %select_n3A_349, %get3A_365, %dot_general3A_366 {dimension_numbers = #tpu.dot_dimension_numbers<[1], [0], [0], [1], [0, 0, 1, 1], [], []>, transpose_lhs_hint = false} : vector<512x512xf32>, vector<512x64xf32>, vector<512x64xf32> -> vector<512x64xf32>
      %add3A_368 = arith.addf %get3A_362, %dot_general3A_367 : vector<512x64xf32>
      %swap3A_369 = arith.constant 0 : index
      %swap3A_370 = arith.constant 576 : index
      %swap3A_371 = vector.load %arg6[%swap3A_369, %swap3A_370] : memref<512x768xf32, #tpu.memory_space<vmem>>, vector<512x64xf32>
      tpu.vector_store %arg6[%swap3A_369, %swap3A_370], %add3A_368 {strides = array<i32>} : memref<512x768xf32, #tpu.memory_space<vmem>>, vector<512x64xf32>,
      %get3A_372 = arith.constant 0 : index
      %get3A_373 = arith.constant 640 : index
      %get3A_374 = vector.load %arg2[%get3A_372, %get3A_373] : memref<512x768xf32, #tpu.memory_space<vmem>>, vector<512x64xf32>
      %mul3A_375 = arith.constant 1.250000e-01 : f32
      %mul3A_376 = vector.broadcast %mul3A_375 : f32 to vector<512x64xf32>
      %mul3A_377 = arith.mulf %get3A_374, %mul3A_376 : vector<512x64xf32>
      %get3A_378 = arith.constant 0 : index
      %get3A_379 = arith.constant 640 : index
      %get3A_380 = vector.load %arg3[%get3A_378, %get3A_379] : memref<512x768xf32, #tpu.memory_space<vmem>>, vector<512x64xf32>
      %dot_general3A_381 = arith.constant dense<0.000000e+00> : vector<512x512xf32>
      %dot_general3A_382 = tpu.matmul %mul3A_377, %get3A_380, %dot_general3A_381 {dimension_numbers = #tpu.dot_dimension_numbers<[1], [1], [0], [0], [0, 0, 1, 0], [], []>, transpose_lhs_hint = false} : vector<512x64xf32>, vector<512x64xf32>, vector<512x512xf32> -> vector<512x512xf32>
      %exp3A_383 = math.exp %dot_general3A_382 : vector<512x512xf32>
      %jit3A_384 = arith.constant 0.000000e+00 : f32
      %broadcast_in_dim3A_385 = vector.broadcast %jit3A_384 : f32 to vector<512x512xf32>
      %select_n3A_386 = arith.select %or3A_11, %exp3A_383, %broadcast_in_dim3A_385 : vector<512x512xi1>, vector<512x512xf32>
      %get3A_387 = arith.constant 0 : index
      %get3A_388 = arith.constant 10 : index
      %get3A_389 = vector.load %arg7[%get3A_387, %get3A_388] : memref<512x128xf32, #tpu.memory_space<vmem>>, vector<512x1xf32>
      %reduce_sum3A_390 = arith.constant dense<0.000000e+00> : vector<512xf32>
      %reduce_sum3A_391 = vector.multi_reduction <add>, %select_n3A_386, %reduce_sum3A_390 [1] : vector<512x512xf32> to vector<512xf32>
      %broadcast_in_dim3A_392 = vector.shape_cast %reduce_sum3A_391 : vector<512xf32> to vector<512x1xf32>
      %add3A_393 = arith.addf %get3A_389, %broadcast_in_dim3A_392 : vector<512x1xf32>
      %swap3A_394 = arith.constant 0 : index
      %swap3A_395 = arith.constant 10 : index
      %swap3A_396 = vector.load %arg7[%swap3A_394, %swap3A_395] : memref<512x128xf32, #tpu.memory_space<vmem>>, vector<512x1xf32>
      tpu.vector_store %arg7[%swap3A_394, %swap3A_395], %add3A_393 {strides = array<i32>} : memref<512x128xf32, #tpu.memory_space<vmem>>, vector<512x1xf32>,
      %get3A_397 = arith.constant 0 : index
      %get3A_398 = arith.constant 640 : index
      %get3A_399 = vector.load %arg6[%get3A_397, %get3A_398] : memref<512x768xf32, #tpu.memory_space<vmem>>, vector<512x64xf32>
      %get3A_400 = arith.constant 0 : index
      %get3A_401 = arith.constant 640 : index
      %get3A_402 = vector.load %arg4[%get3A_400, %get3A_401] : memref<512x768xf32, #tpu.memory_space<vmem>>, vector<512x64xf32>
      %dot_general3A_403 = arith.constant dense<0.000000e+00> : vector<512x64xf32>
      %dot_general3A_404 = tpu.matmul %select_n3A_386, %get3A_402, %dot_general3A_403 {dimension_numbers = #tpu.dot_dimension_numbers<[1], [0], [0], [1], [0, 0, 1, 1], [], []>, transpose_lhs_hint = false} : vector<512x512xf32>, vector<512x64xf32>, vector<512x64xf32> -> vector<512x64xf32>
      %add3A_405 = arith.addf %get3A_399, %dot_general3A_404 : vector<512x64xf32>
      %swap3A_406 = arith.constant 0 : index
      %swap3A_407 = arith.constant 640 : index
      %swap3A_408 = vector.load %arg6[%swap3A_406, %swap3A_407] : memref<512x768xf32, #tpu.memory_space<vmem>>, vector<512x64xf32>
      tpu.vector_store %arg6[%swap3A_406, %swap3A_407], %add3A_405 {strides = array<i32>} : memref<512x768xf32, #tpu.memory_space<vmem>>, vector<512x64xf32>,
      %get3A_409 = arith.constant 0 : index
      %get3A_410 = arith.constant 704 : index
      %get3A_411 = vector.load %arg2[%get3A_409, %get3A_410] : memref<512x768xf32, #tpu.memory_space<vmem>>, vector<512x64xf32>
      %mul3A_412 = arith.constant 1.250000e-01 : f32
      %mul3A_413 = vector.broadcast %mul3A_412 : f32 to vector<512x64xf32>
      %mul3A_414 = arith.mulf %get3A_411, %mul3A_413 : vector<512x64xf32>
      %get3A_415 = arith.constant 0 : index
      %get3A_416 = arith.constant 704 : index
      %get3A_417 = vector.load %arg3[%get3A_415, %get3A_416] : memref<512x768xf32, #tpu.memory_space<vmem>>, vector<512x64xf32>
      %dot_general3A_418 = arith.constant dense<0.000000e+00> : vector<512x512xf32>
      %dot_general3A_419 = tpu.matmul %mul3A_414, %get3A_417, %dot_general3A_418 {dimension_numbers = #tpu.dot_dimension_numbers<[1], [1], [0], [0], [0, 0, 1, 0], [], []>, transpose_lhs_hint = false} : vector<512x64xf32>, vector<512x64xf32>, vector<512x512xf32> -> vector<512x512xf32>
      %exp3A_420 = math.exp %dot_general3A_419 : vector<512x512xf32>
      %jit3A_421 = arith.constant 0.000000e+00 : f32
      %broadcast_in_dim3A_422 = vector.broadcast %jit3A_421 : f32 to vector<512x512xf32>
      %select_n3A_423 = arith.select %or3A_11, %exp3A_420, %broadcast_in_dim3A_422 : vector<512x512xi1>, vector<512x512xf32>
      %get3A_424 = arith.constant 0 : index
      %get3A_425 = arith.constant 11 : index
      %get3A_426 = vector.load %arg7[%get3A_424, %get3A_425] : memref<512x128xf32, #tpu.memory_space<vmem>>, vector<512x1xf32>
      %reduce_sum3A_427 = arith.constant dense<0.000000e+00> : vector<512xf32>
      %reduce_sum3A_428 = vector.multi_reduction <add>, %select_n3A_423, %reduce_sum3A_427 [1] : vector<512x512xf32> to vector<512xf32>
      %broadcast_in_dim3A_429 = vector.shape_cast %reduce_sum3A_428 : vector<512xf32> to vector<512x1xf32>
      %add3A_430 = arith.addf %get3A_426, %broadcast_in_dim3A_429 : vector<512x1xf32>
      %swap3A_431 = arith.constant 0 : index
      %swap3A_432 = arith.constant 11 : index
      %swap3A_433 = vector.load %arg7[%swap3A_431, %swap3A_432] : memref<512x128xf32, #tpu.memory_space<vmem>>, vector<512x1xf32>
      tpu.vector_store %arg7[%swap3A_431, %swap3A_432], %add3A_430 {strides = array<i32>} : memref<512x128xf32, #tpu.memory_space<vmem>>, vector<512x1xf32>,
      %get3A_434 = arith.constant 0 : index
      %get3A_435 = arith.constant 704 : index
      %get3A_436 = vector.load %arg6[%get3A_434, %get3A_435] : memref<512x768xf32, #tpu.memory_space<vmem>>, vector<512x64xf32>
      %get3A_437 = arith.constant 0 : index
      %get3A_438 = arith.constant 704 : index
      %get3A_439 = vector.load %arg4[%get3A_437, %get3A_438] : memref<512x768xf32, #tpu.memory_space<vmem>>, vector<512x64xf32>
      %dot_general3A_440 = arith.constant dense<0.000000e+00> : vector<512x64xf32>
      %dot_general3A_441 = tpu.matmul %select_n3A_423, %get3A_439, %dot_general3A_440 {dimension_numbers = #tpu.dot_dimension_numbers<[1], [0], [0], [1], [0, 0, 1, 1], [], []>, transpose_lhs_hint = false} : vector<512x512xf32>, vector<512x64xf32>, vector<512x64xf32> -> vector<512x64xf32>
      %add3A_442 = arith.addf %get3A_436, %dot_general3A_441 : vector<512x64xf32>
      %swap3A_443 = arith.constant 0 : index
      %swap3A_444 = arith.constant 704 : index
      %swap3A_445 = vector.load %arg6[%swap3A_443, %swap3A_444] : memref<512x768xf32, #tpu.memory_space<vmem>>, vector<512x64xf32>
      tpu.vector_store %arg6[%swap3A_443, %swap3A_444], %add3A_442 {strides = array<i32>} : memref<512x768xf32, #tpu.memory_space<vmem>>, vector<512x64xf32>,
    } else {
    }
    %eq3A_5 = arith.cmpi eq, %arg1, %arg0 : i32
    %convert_element_type3A_6 = arith.extui %eq3A_5 : i1 to i32
    %cond3A_7 = arith.constant 0 : i32
    %cond3A_8 = arith.cmpi ne, %convert_element_type3A_6, %cond3A_7 : i32
    scf.if %cond3A_8 {
      %get3A = arith.constant 0 : index
      %get3A_9 = arith.constant 0 : index
      %get3A_10 = vector.load %arg6[%get3A, %get3A_9] : memref<512x768xf32, #tpu.memory_space<vmem>>, vector<512x64xf32>
      %get3A_11 = arith.constant 0 : index
      %get3A_12 = arith.constant 0 : index
      %get3A_13 = vector.load %arg7[%get3A_11, %get3A_12] : memref<512x128xf32, #tpu.memory_space<vmem>>, vector<512x1xf32>
      %div3A = vector.broadcast %get3A_13 : vector<512x1xf32> to vector<512x64xf32>
      %div3A_14 = arith.divf %get3A_10, %div3A : vector<512x64xf32>
      %get3A_15 = arith.constant 0 : index
      %get3A_16 = arith.constant 64 : index
      %get3A_17 = vector.load %arg6[%get3A_15, %get3A_16] : memref<512x768xf32, #tpu.memory_space<vmem>>, vector<512x64xf32>
      %get3A_18 = arith.constant 0 : index
      %get3A_19 = arith.constant 1 : index
      %get3A_20 = vector.load %arg7[%get3A_18, %get3A_19] : memref<512x128xf32, #tpu.memory_space<vmem>>, vector<512x1xf32>
      %div3A_21 = vector.broadcast %get3A_20 : vector<512x1xf32> to vector<512x64xf32>
      %div3A_22 = arith.divf %get3A_17, %div3A_21 : vector<512x64xf32>
      %get3A_23 = arith.constant 0 : index
      %get3A_24 = arith.constant 128 : index
      %get3A_25 = vector.load %arg6[%get3A_23, %get3A_24] : memref<512x768xf32, #tpu.memory_space<vmem>>, vector<512x64xf32>
      %get3A_26 = arith.constant 0 : index
      %get3A_27 = arith.constant 2 : index
      %get3A_28 = vector.load %arg7[%get3A_26, %get3A_27] : memref<512x128xf32, #tpu.memory_space<vmem>>, vector<512x1xf32>
      %div3A_29 = vector.broadcast %get3A_28 : vector<512x1xf32> to vector<512x64xf32>
      %div3A_30 = arith.divf %get3A_25, %div3A_29 : vector<512x64xf32>
      %get3A_31 = arith.constant 0 : index
      %get3A_32 = arith.constant 192 : index
      %get3A_33 = vector.load %arg6[%get3A_31, %get3A_32] : memref<512x768xf32, #tpu.memory_space<vmem>>, vector<512x64xf32>
      %get3A_34 = arith.constant 0 : index
      %get3A_35 = arith.constant 3 : index
      %get3A_36 = vector.load %arg7[%get3A_34, %get3A_35] : memref<512x128xf32, #tpu.memory_space<vmem>>, vector<512x1xf32>
      %div3A_37 = vector.broadcast %get3A_36 : vector<512x1xf32> to vector<512x64xf32>
      %div3A_38 = arith.divf %get3A_33, %div3A_37 : vector<512x64xf32>
      %get3A_39 = arith.constant 0 : index
      %get3A_40 = arith.constant 256 : index
      %get3A_41 = vector.load %arg6[%get3A_39, %get3A_40] : memref<512x768xf32, #tpu.memory_space<vmem>>, vector<512x64xf32>
      %get3A_42 = arith.constant 0 : index
      %get3A_43 = arith.constant 4 : index
      %get3A_44 = vector.load %arg7[%get3A_42, %get3A_43] : memref<512x128xf32, #tpu.memory_space<vmem>>, vector<512x1xf32>
      %div3A_45 = vector.broadcast %get3A_44 : vector<512x1xf32> to vector<512x64xf32>
      %div3A_46 = arith.divf %get3A_41, %div3A_45 : vector<512x64xf32>
      %get3A_47 = arith.constant 0 : index
      %get3A_48 = arith.constant 320 : index
      %get3A_49 = vector.load %arg6[%get3A_47, %get3A_48] : memref<512x768xf32, #tpu.memory_space<vmem>>, vector<512x64xf32>
      %get3A_50 = arith.constant 0 : index
      %get3A_51 = arith.constant 5 : index
      %get3A_52 = vector.load %arg7[%get3A_50, %get3A_51] : memref<512x128xf32, #tpu.memory_space<vmem>>, vector<512x1xf32>
      %div3A_53 = vector.broadcast %get3A_52 : vector<512x1xf32> to vector<512x64xf32>
      %div3A_54 = arith.divf %get3A_49, %div3A_53 : vector<512x64xf32>
      %get3A_55 = arith.constant 0 : index
      %get3A_56 = arith.constant 384 : index
      %get3A_57 = vector.load %arg6[%get3A_55, %get3A_56] : memref<512x768xf32, #tpu.memory_space<vmem>>, vector<512x64xf32>
      %get3A_58 = arith.constant 0 : index
      %get3A_59 = arith.constant 6 : index
      %get3A_60 = vector.load %arg7[%get3A_58, %get3A_59] : memref<512x128xf32, #tpu.memory_space<vmem>>, vector<512x1xf32>
      %div3A_61 = vector.broadcast %get3A_60 : vector<512x1xf32> to vector<512x64xf32>
      %div3A_62 = arith.divf %get3A_57, %div3A_61 : vector<512x64xf32>
      %get3A_63 = arith.constant 0 : index
      %get3A_64 = arith.constant 448 : index
      %get3A_65 = vector.load %arg6[%get3A_63, %get3A_64] : memref<512x768xf32, #tpu.memory_space<vmem>>, vector<512x64xf32>
      %get3A_66 = arith.constant 0 : index
      %get3A_67 = arith.constant 7 : index
      %get3A_68 = vector.load %arg7[%get3A_66, %get3A_67] : memref<512x128xf32, #tpu.memory_space<vmem>>, vector<512x1xf32>
      %div3A_69 = vector.broadcast %get3A_68 : vector<512x1xf32> to vector<512x64xf32>
      %div3A_70 = arith.divf %get3A_65, %div3A_69 : vector<512x64xf32>
      %get3A_71 = arith.constant 0 : index
      %get3A_72 = arith.constant 512 : index
      %get3A_73 = vector.load %arg6[%get3A_71, %get3A_72] : memref<512x768xf32, #tpu.memory_space<vmem>>, vector<512x64xf32>
      %get3A_74 = arith.constant 0 : index
      %get3A_75 = arith.constant 8 : index
      %get3A_76 = vector.load %arg7[%get3A_74, %get3A_75] : memref<512x128xf32, #tpu.memory_space<vmem>>, vector<512x1xf32>
      %div3A_77 = vector.broadcast %get3A_76 : vector<512x1xf32> to vector<512x64xf32>
      %div3A_78 = arith.divf %get3A_73, %div3A_77 : vector<512x64xf32>
      %get3A_79 = arith.constant 0 : index
      %get3A_80 = arith.constant 576 : index
      %get3A_81 = vector.load %arg6[%get3A_79, %get3A_80] : memref<512x768xf32, #tpu.memory_space<vmem>>, vector<512x64xf32>
      %get3A_82 = arith.constant 0 : index
      %get3A_83 = arith.constant 9 : index
      %get3A_84 = vector.load %arg7[%get3A_82, %get3A_83] : memref<512x128xf32, #tpu.memory_space<vmem>>, vector<512x1xf32>
      %div3A_85 = vector.broadcast %get3A_84 : vector<512x1xf32> to vector<512x64xf32>
      %div3A_86 = arith.divf %get3A_81, %div3A_85 : vector<512x64xf32>
      %get3A_87 = arith.constant 0 : index
      %get3A_88 = arith.constant 640 : index
      %get3A_89 = vector.load %arg6[%get3A_87, %get3A_88] : memref<512x768xf32, #tpu.memory_space<vmem>>, vector<512x64xf32>
      %get3A_90 = arith.constant 0 : index
      %get3A_91 = arith.constant 10 : index
      %get3A_92 = vector.load %arg7[%get3A_90, %get3A_91] : memref<512x128xf32, #tpu.memory_space<vmem>>, vector<512x1xf32>
      %div3A_93 = vector.broadcast %get3A_92 : vector<512x1xf32> to vector<512x64xf32>
      %div3A_94 = arith.divf %get3A_89, %div3A_93 : vector<512x64xf32>
      %get3A_95 = arith.constant 0 : index
      %get3A_96 = arith.constant 704 : index
      %get3A_97 = vector.load %arg6[%get3A_95, %get3A_96] : memref<512x768xf32, #tpu.memory_space<vmem>>, vector<512x64xf32>
      %get3A_98 = arith.constant 0 : index
      %get3A_99 = arith.constant 11 : index
      %get3A_100 = vector.load %arg7[%get3A_98, %get3A_99] : memref<512x128xf32, #tpu.memory_space<vmem>>, vector<512x1xf32>
      %div3A_101 = vector.broadcast %get3A_100 : vector<512x1xf32> to vector<512x64xf32>
      %div3A_102 = arith.divf %get3A_97, %div3A_101 : vector<512x64xf32>
      %concatenate3A = tpu.concatenate %div3A_14, %div3A_22, %div3A_30, %div3A_38, %div3A_46, %div3A_54, %div3A_62, %div3A_70, %div3A_78, %div3A_86, %div3A_94, %div3A_102 in 1 : vector<512x64xf32>, vector<512x64xf32>, vector<512x64xf32>, vector<512x64xf32>, vector<512x64xf32>, vector<512x64xf32>, vector<512x64xf32>, vector<512x64xf32>, vector<512x64xf32>, vector<512x64xf32>, vector<512x64xf32>, vector<512x64xf32> -> vector<512x768xf32>
      %swap3A = arith.constant 0 : index
      %swap3A_103 = arith.constant 0 : index
      %swap3A_104 = vector.load %arg5[%swap3A, %swap3A_103] : memref<512x768xf32, #tpu.memory_space<vmem>>, vector<512x768xf32>
      tpu.vector_store %arg5[%swap3A, %swap3A_103], %concatenate3A {strides = array<i32>} : memref<512x768xf32, #tpu.memory_space<vmem>>, vector<512x768xf32>,
    } else {
    }
    return
  }
  func.func @transform_0(%arg0: i32, %arg1: i32) -> (i32, i32) {
    %c0_i32 = arith.constant 0 : i32
    %c0_i32_0 = arith.constant 0 : i32
    return %arg0, %c0_i32 : i32, i32
  }
  func.func @transform_1(%arg0: i32, %arg1: i32) -> (i32, i32) {
    %min3A = arith.minsi %arg1, %arg0 : i32
    %c0_i32 = arith.constant 0 : i32
    %c0_i32_0 = arith.constant 0 : i32
    return %min3A, %c0_i32 : i32, i32
  }
  func.func @transform_2(%arg0: i32, %arg1: i32) -> (i32, i32) {
    %min3A = arith.minsi %arg1, %arg0 : i32
    %c0_i32 = arith.constant 0 : i32
    %c0_i32_0 = arith.constant 0 : i32
    return %min3A, %c0_i32 : i32, i32
  }
  func.func @transform_3(%arg0: i32, %arg1: i32) -> (i32, i32) {
    %c0_i32 = arith.constant 0 : i32
    %c0_i32_0 = arith.constant 0 : i32
    return %arg0, %c0_i32 : i32, i32
  }
}

module attributes {stable_mosaic.version = 14 : i64} {
  func.func @_qkv_rope_kernel(%arg0: i32, %arg1: memref<256x768xf32, #tpu.memory_space<vmem>>, %arg2: memref<1x768xf32, #tpu.memory_space<vmem>>, %arg3: memref<768x2304xf32, #tpu.memory_space<vmem>>, %arg4: memref<256x64xf32, #tpu.memory_space<vmem>>, %arg5: memref<256x64xf32, #tpu.memory_space<vmem>>, %arg6: memref<256x768xf32, #tpu.memory_space<vmem>>, %arg7: memref<256x768xf32, #tpu.memory_space<vmem>>, %arg8: memref<256x768xf32, #tpu.memory_space<vmem>>) attributes {dimension_semantics = [#tpu.dimension_semantics<arbitrary>], iteration_bounds = array<i64: 8>, scalar_prefetch = 0 : i64, scratch_operands = 0 : i64, tpu.core_type = #tpu.core_type<tc>, window_params = [{transform_indices = @transform_0, window_bounds = array<i64: 256, 768>}, {pipeline_mode = #tpu.pipeline_mode<synchronous>, transform_indices = @transform_1, window_bounds = array<i64: 1, 768>}, {pipeline_mode = #tpu.pipeline_mode<synchronous>, transform_indices = @transform_2, window_bounds = array<i64: 768, 2304>}, {transform_indices = @transform_3, window_bounds = array<i64: 256, 64>}, {transform_indices = @transform_4, window_bounds = array<i64: 256, 64>}, {transform_indices = @transform_5, window_bounds = array<i64: 256, 768>}, {transform_indices = @transform_6, window_bounds = array<i64: 256, 768>}, {transform_indices = @transform_7, window_bounds = array<i64: 256, 768>}]} {
    %get3A = arith.constant 0 : index
    %get3A_0 = arith.constant 0 : index
    %get3A_1 = vector.load %arg1[%get3A, %get3A_0] : memref<256x768xf32, #tpu.memory_space<vmem>>, vector<256x768xf32>
    %mul3A = arith.mulf %get3A_1, %get3A_1 : vector<256x768xf32>
    %reduce_sum3A = arith.constant dense<0.000000e+00> : vector<256xf32>
    %reduce_sum3A_2 = vector.multi_reduction <add>, %mul3A, %reduce_sum3A [1] : vector<256x768xf32> to vector<256xf32>
    %broadcast_in_dim3A = vector.shape_cast %reduce_sum3A_2 : vector<256xf32> to vector<256x1xf32>
    %div3A = arith.constant 7.680000e+02 : f32
    %div3A_3 = vector.broadcast %div3A : f32 to vector<256x1xf32>
    %div3A_4 = arith.divf %broadcast_in_dim3A, %div3A_3 : vector<256x1xf32>
    %add3A = arith.constant 9.99999997E-7 : f32
    %add3A_5 = vector.broadcast %add3A : f32 to vector<256x1xf32>
    %add3A_6 = arith.addf %div3A_4, %add3A_5 : vector<256x1xf32>
    %rsqrt3A = math.rsqrt %add3A_6 : vector<256x1xf32>
    %mul3A_7 = vector.broadcast %rsqrt3A : vector<256x1xf32> to vector<256x768xf32>
    %mul3A_8 = arith.mulf %get3A_1, %mul3A_7 : vector<256x768xf32>
    %get3A_9 = arith.constant 0 : index
    %get3A_10 = arith.constant 0 : index
    %get3A_11 = vector.load %arg2[%get3A_9, %get3A_10] : memref<1x768xf32, #tpu.memory_space<vmem>>, vector<1x768xf32>
    %mul3A_12 = vector.broadcast %get3A_11 : vector<1x768xf32> to vector<256x768xf32>
    %mul3A_13 = arith.mulf %mul3A_8, %mul3A_12 : vector<256x768xf32>
    %get3A_14 = arith.constant 0 : index
    %get3A_15 = arith.constant 0 : index
    %get3A_16 = vector.load %arg3[%get3A_14, %get3A_15] : memref<768x2304xf32, #tpu.memory_space<vmem>>, vector<768x2304xf32>
    %dot_general3A = arith.constant dense<0.000000e+00> : vector<256x2304xf32>
    %dot_general3A_17 = tpu.matmul %mul3A_13, %get3A_16, %dot_general3A {dimension_numbers = #tpu.dot_dimension_numbers<[1], [0], [0], [1], [0, 0, 1, 1], [], []>, transpose_lhs_hint = false} : vector<256x768xf32>, vector<768x2304xf32>, vector<256x2304xf32> -> vector<256x2304xf32>
    %get3A_18 = arith.constant 0 : index
    %get3A_19 = arith.constant 0 : index
    %get3A_20 = vector.load %arg4[%get3A_18, %get3A_19] : memref<256x64xf32, #tpu.memory_space<vmem>>, vector<256x64xf32>
    %get3A_21 = arith.constant 0 : index
    %get3A_22 = arith.constant 0 : index
    %get3A_23 = vector.load %arg5[%get3A_21, %get3A_22] : memref<256x64xf32, #tpu.memory_space<vmem>>, vector<256x64xf32>
    %slice3A = vector.extract_strided_slice %dot_general3A_17 {offsets = [0, 0], sizes = [256, 64], strides = [1, 1]} : vector<256x2304xf32> to vector<256x64xf32>
    %slice3A_24 = vector.extract_strided_slice %dot_general3A_17 {offsets = [0, 64], sizes = [256, 64], strides = [1, 1]} : vector<256x2304xf32> to vector<256x64xf32>
    %slice3A_25 = vector.extract_strided_slice %dot_general3A_17 {offsets = [0, 128], sizes = [256, 64], strides = [1, 1]} : vector<256x2304xf32> to vector<256x64xf32>
    %slice3A_26 = vector.extract_strided_slice %slice3A {offsets = [0, 32], sizes = [256, 32], strides = [1, 1]} : vector<256x64xf32> to vector<256x32xf32>
    %neg3A = arith.constant 0.000000e+00 : f32
    %neg3A_27 = vector.broadcast %neg3A : f32 to vector<256x32xf32>
    %neg3A_28 = arith.subf %neg3A_27, %slice3A_26 : vector<256x32xf32>
    %slice3A_29 = vector.extract_strided_slice %slice3A {offsets = [0, 0], sizes = [256, 32], strides = [1, 1]} : vector<256x64xf32> to vector<256x32xf32>
    %concatenate3A = tpu.concatenate %neg3A_28, %slice3A_29 in 1 : vector<256x32xf32>, vector<256x32xf32> -> vector<256x64xf32>
    %slice3A_30 = vector.extract_strided_slice %slice3A_24 {offsets = [0, 32], sizes = [256, 32], strides = [1, 1]} : vector<256x64xf32> to vector<256x32xf32>
    %neg3A_31 = arith.constant 0.000000e+00 : f32
    %neg3A_32 = vector.broadcast %neg3A_31 : f32 to vector<256x32xf32>
    %neg3A_33 = arith.subf %neg3A_32, %slice3A_30 : vector<256x32xf32>
    %slice3A_34 = vector.extract_strided_slice %slice3A_24 {offsets = [0, 0], sizes = [256, 32], strides = [1, 1]} : vector<256x64xf32> to vector<256x32xf32>
    %concatenate3A_35 = tpu.concatenate %neg3A_33, %slice3A_34 in 1 : vector<256x32xf32>, vector<256x32xf32> -> vector<256x64xf32>
    %mul3A_36 = arith.mulf %slice3A, %get3A_20 : vector<256x64xf32>
    %mul3A_37 = arith.mulf %concatenate3A, %get3A_23 : vector<256x64xf32>
    %add3A_38 = arith.addf %mul3A_36, %mul3A_37 : vector<256x64xf32>
    %mul3A_39 = arith.mulf %slice3A_24, %get3A_20 : vector<256x64xf32>
    %mul3A_40 = arith.mulf %concatenate3A_35, %get3A_23 : vector<256x64xf32>
    %add3A_41 = arith.addf %mul3A_39, %mul3A_40 : vector<256x64xf32>
    %slice3A_42 = vector.extract_strided_slice %dot_general3A_17 {offsets = [0, 192], sizes = [256, 64], strides = [1, 1]} : vector<256x2304xf32> to vector<256x64xf32>
    %slice3A_43 = vector.extract_strided_slice %dot_general3A_17 {offsets = [0, 256], sizes = [256, 64], strides = [1, 1]} : vector<256x2304xf32> to vector<256x64xf32>
    %slice3A_44 = vector.extract_strided_slice %dot_general3A_17 {offsets = [0, 320], sizes = [256, 64], strides = [1, 1]} : vector<256x2304xf32> to vector<256x64xf32>
    %slice3A_45 = vector.extract_strided_slice %slice3A_42 {offsets = [0, 32], sizes = [256, 32], strides = [1, 1]} : vector<256x64xf32> to vector<256x32xf32>
    %neg3A_46 = arith.constant 0.000000e+00 : f32
    %neg3A_47 = vector.broadcast %neg3A_46 : f32 to vector<256x32xf32>
    %neg3A_48 = arith.subf %neg3A_47, %slice3A_45 : vector<256x32xf32>
    %slice3A_49 = vector.extract_strided_slice %slice3A_42 {offsets = [0, 0], sizes = [256, 32], strides = [1, 1]} : vector<256x64xf32> to vector<256x32xf32>
    %concatenate3A_50 = tpu.concatenate %neg3A_48, %slice3A_49 in 1 : vector<256x32xf32>, vector<256x32xf32> -> vector<256x64xf32>
    %slice3A_51 = vector.extract_strided_slice %slice3A_43 {offsets = [0, 32], sizes = [256, 32], strides = [1, 1]} : vector<256x64xf32> to vector<256x32xf32>
    %neg3A_52 = arith.constant 0.000000e+00 : f32
    %neg3A_53 = vector.broadcast %neg3A_52 : f32 to vector<256x32xf32>
    %neg3A_54 = arith.subf %neg3A_53, %slice3A_51 : vector<256x32xf32>
    %slice3A_55 = vector.extract_strided_slice %slice3A_43 {offsets = [0, 0], sizes = [256, 32], strides = [1, 1]} : vector<256x64xf32> to vector<256x32xf32>
    %concatenate3A_56 = tpu.concatenate %neg3A_54, %slice3A_55 in 1 : vector<256x32xf32>, vector<256x32xf32> -> vector<256x64xf32>
    %mul3A_57 = arith.mulf %slice3A_42, %get3A_20 : vector<256x64xf32>
    %mul3A_58 = arith.mulf %concatenate3A_50, %get3A_23 : vector<256x64xf32>
    %add3A_59 = arith.addf %mul3A_57, %mul3A_58 : vector<256x64xf32>
    %mul3A_60 = arith.mulf %slice3A_43, %get3A_20 : vector<256x64xf32>
    %mul3A_61 = arith.mulf %concatenate3A_56, %get3A_23 : vector<256x64xf32>
    %add3A_62 = arith.addf %mul3A_60, %mul3A_61 : vector<256x64xf32>
    %slice3A_63 = vector.extract_strided_slice %dot_general3A_17 {offsets = [0, 384], sizes = [256, 64], strides = [1, 1]} : vector<256x2304xf32> to vector<256x64xf32>
    %slice3A_64 = vector.extract_strided_slice %dot_general3A_17 {offsets = [0, 448], sizes = [256, 64], strides = [1, 1]} : vector<256x2304xf32> to vector<256x64xf32>
    %slice3A_65 = vector.extract_strided_slice %dot_general3A_17 {offsets = [0, 512], sizes = [256, 64], strides = [1, 1]} : vector<256x2304xf32> to vector<256x64xf32>
    %slice3A_66 = vector.extract_strided_slice %slice3A_63 {offsets = [0, 32], sizes = [256, 32], strides = [1, 1]} : vector<256x64xf32> to vector<256x32xf32>
    %neg3A_67 = arith.constant 0.000000e+00 : f32
    %neg3A_68 = vector.broadcast %neg3A_67 : f32 to vector<256x32xf32>
    %neg3A_69 = arith.subf %neg3A_68, %slice3A_66 : vector<256x32xf32>
    %slice3A_70 = vector.extract_strided_slice %slice3A_63 {offsets = [0, 0], sizes = [256, 32], strides = [1, 1]} : vector<256x64xf32> to vector<256x32xf32>
    %concatenate3A_71 = tpu.concatenate %neg3A_69, %slice3A_70 in 1 : vector<256x32xf32>, vector<256x32xf32> -> vector<256x64xf32>
    %slice3A_72 = vector.extract_strided_slice %slice3A_64 {offsets = [0, 32], sizes = [256, 32], strides = [1, 1]} : vector<256x64xf32> to vector<256x32xf32>
    %neg3A_73 = arith.constant 0.000000e+00 : f32
    %neg3A_74 = vector.broadcast %neg3A_73 : f32 to vector<256x32xf32>
    %neg3A_75 = arith.subf %neg3A_74, %slice3A_72 : vector<256x32xf32>
    %slice3A_76 = vector.extract_strided_slice %slice3A_64 {offsets = [0, 0], sizes = [256, 32], strides = [1, 1]} : vector<256x64xf32> to vector<256x32xf32>
    %concatenate3A_77 = tpu.concatenate %neg3A_75, %slice3A_76 in 1 : vector<256x32xf32>, vector<256x32xf32> -> vector<256x64xf32>
    %mul3A_78 = arith.mulf %slice3A_63, %get3A_20 : vector<256x64xf32>
    %mul3A_79 = arith.mulf %concatenate3A_71, %get3A_23 : vector<256x64xf32>
    %add3A_80 = arith.addf %mul3A_78, %mul3A_79 : vector<256x64xf32>
    %mul3A_81 = arith.mulf %slice3A_64, %get3A_20 : vector<256x64xf32>
    %mul3A_82 = arith.mulf %concatenate3A_77, %get3A_23 : vector<256x64xf32>
    %add3A_83 = arith.addf %mul3A_81, %mul3A_82 : vector<256x64xf32>
    %slice3A_84 = vector.extract_strided_slice %dot_general3A_17 {offsets = [0, 576], sizes = [256, 64], strides = [1, 1]} : vector<256x2304xf32> to vector<256x64xf32>
    %slice3A_85 = vector.extract_strided_slice %dot_general3A_17 {offsets = [0, 640], sizes = [256, 64], strides = [1, 1]} : vector<256x2304xf32> to vector<256x64xf32>
    %slice3A_86 = vector.extract_strided_slice %dot_general3A_17 {offsets = [0, 704], sizes = [256, 64], strides = [1, 1]} : vector<256x2304xf32> to vector<256x64xf32>
    %slice3A_87 = vector.extract_strided_slice %slice3A_84 {offsets = [0, 32], sizes = [256, 32], strides = [1, 1]} : vector<256x64xf32> to vector<256x32xf32>
    %neg3A_88 = arith.constant 0.000000e+00 : f32
    %neg3A_89 = vector.broadcast %neg3A_88 : f32 to vector<256x32xf32>
    %neg3A_90 = arith.subf %neg3A_89, %slice3A_87 : vector<256x32xf32>
    %slice3A_91 = vector.extract_strided_slice %slice3A_84 {offsets = [0, 0], sizes = [256, 32], strides = [1, 1]} : vector<256x64xf32> to vector<256x32xf32>
    %concatenate3A_92 = tpu.concatenate %neg3A_90, %slice3A_91 in 1 : vector<256x32xf32>, vector<256x32xf32> -> vector<256x64xf32>
    %slice3A_93 = vector.extract_strided_slice %slice3A_85 {offsets = [0, 32], sizes = [256, 32], strides = [1, 1]} : vector<256x64xf32> to vector<256x32xf32>
    %neg3A_94 = arith.constant 0.000000e+00 : f32
    %neg3A_95 = vector.broadcast %neg3A_94 : f32 to vector<256x32xf32>
    %neg3A_96 = arith.subf %neg3A_95, %slice3A_93 : vector<256x32xf32>
    %slice3A_97 = vector.extract_strided_slice %slice3A_85 {offsets = [0, 0], sizes = [256, 32], strides = [1, 1]} : vector<256x64xf32> to vector<256x32xf32>
    %concatenate3A_98 = tpu.concatenate %neg3A_96, %slice3A_97 in 1 : vector<256x32xf32>, vector<256x32xf32> -> vector<256x64xf32>
    %mul3A_99 = arith.mulf %slice3A_84, %get3A_20 : vector<256x64xf32>
    %mul3A_100 = arith.mulf %concatenate3A_92, %get3A_23 : vector<256x64xf32>
    %add3A_101 = arith.addf %mul3A_99, %mul3A_100 : vector<256x64xf32>
    %mul3A_102 = arith.mulf %slice3A_85, %get3A_20 : vector<256x64xf32>
    %mul3A_103 = arith.mulf %concatenate3A_98, %get3A_23 : vector<256x64xf32>
    %add3A_104 = arith.addf %mul3A_102, %mul3A_103 : vector<256x64xf32>
    %slice3A_105 = vector.extract_strided_slice %dot_general3A_17 {offsets = [0, 768], sizes = [256, 64], strides = [1, 1]} : vector<256x2304xf32> to vector<256x64xf32>
    %slice3A_106 = vector.extract_strided_slice %dot_general3A_17 {offsets = [0, 832], sizes = [256, 64], strides = [1, 1]} : vector<256x2304xf32> to vector<256x64xf32>
    %slice3A_107 = vector.extract_strided_slice %dot_general3A_17 {offsets = [0, 896], sizes = [256, 64], strides = [1, 1]} : vector<256x2304xf32> to vector<256x64xf32>
    %slice3A_108 = vector.extract_strided_slice %slice3A_105 {offsets = [0, 32], sizes = [256, 32], strides = [1, 1]} : vector<256x64xf32> to vector<256x32xf32>
    %neg3A_109 = arith.constant 0.000000e+00 : f32
    %neg3A_110 = vector.broadcast %neg3A_109 : f32 to vector<256x32xf32>
    %neg3A_111 = arith.subf %neg3A_110, %slice3A_108 : vector<256x32xf32>
    %slice3A_112 = vector.extract_strided_slice %slice3A_105 {offsets = [0, 0], sizes = [256, 32], strides = [1, 1]} : vector<256x64xf32> to vector<256x32xf32>
    %concatenate3A_113 = tpu.concatenate %neg3A_111, %slice3A_112 in 1 : vector<256x32xf32>, vector<256x32xf32> -> vector<256x64xf32>
    %slice3A_114 = vector.extract_strided_slice %slice3A_106 {offsets = [0, 32], sizes = [256, 32], strides = [1, 1]} : vector<256x64xf32> to vector<256x32xf32>
    %neg3A_115 = arith.constant 0.000000e+00 : f32
    %neg3A_116 = vector.broadcast %neg3A_115 : f32 to vector<256x32xf32>
    %neg3A_117 = arith.subf %neg3A_116, %slice3A_114 : vector<256x32xf32>
    %slice3A_118 = vector.extract_strided_slice %slice3A_106 {offsets = [0, 0], sizes = [256, 32], strides = [1, 1]} : vector<256x64xf32> to vector<256x32xf32>
    %concatenate3A_119 = tpu.concatenate %neg3A_117, %slice3A_118 in 1 : vector<256x32xf32>, vector<256x32xf32> -> vector<256x64xf32>
    %mul3A_120 = arith.mulf %slice3A_105, %get3A_20 : vector<256x64xf32>
    %mul3A_121 = arith.mulf %concatenate3A_113, %get3A_23 : vector<256x64xf32>
    %add3A_122 = arith.addf %mul3A_120, %mul3A_121 : vector<256x64xf32>
    %mul3A_123 = arith.mulf %slice3A_106, %get3A_20 : vector<256x64xf32>
    %mul3A_124 = arith.mulf %concatenate3A_119, %get3A_23 : vector<256x64xf32>
    %add3A_125 = arith.addf %mul3A_123, %mul3A_124 : vector<256x64xf32>
    %slice3A_126 = vector.extract_strided_slice %dot_general3A_17 {offsets = [0, 960], sizes = [256, 64], strides = [1, 1]} : vector<256x2304xf32> to vector<256x64xf32>
    %slice3A_127 = vector.extract_strided_slice %dot_general3A_17 {offsets = [0, 1024], sizes = [256, 64], strides = [1, 1]} : vector<256x2304xf32> to vector<256x64xf32>
    %slice3A_128 = vector.extract_strided_slice %dot_general3A_17 {offsets = [0, 1088], sizes = [256, 64], strides = [1, 1]} : vector<256x2304xf32> to vector<256x64xf32>
    %slice3A_129 = vector.extract_strided_slice %slice3A_126 {offsets = [0, 32], sizes = [256, 32], strides = [1, 1]} : vector<256x64xf32> to vector<256x32xf32>
    %neg3A_130 = arith.constant 0.000000e+00 : f32
    %neg3A_131 = vector.broadcast %neg3A_130 : f32 to vector<256x32xf32>
    %neg3A_132 = arith.subf %neg3A_131, %slice3A_129 : vector<256x32xf32>
    %slice3A_133 = vector.extract_strided_slice %slice3A_126 {offsets = [0, 0], sizes = [256, 32], strides = [1, 1]} : vector<256x64xf32> to vector<256x32xf32>
    %concatenate3A_134 = tpu.concatenate %neg3A_132, %slice3A_133 in 1 : vector<256x32xf32>, vector<256x32xf32> -> vector<256x64xf32>
    %slice3A_135 = vector.extract_strided_slice %slice3A_127 {offsets = [0, 32], sizes = [256, 32], strides = [1, 1]} : vector<256x64xf32> to vector<256x32xf32>
    %neg3A_136 = arith.constant 0.000000e+00 : f32
    %neg3A_137 = vector.broadcast %neg3A_136 : f32 to vector<256x32xf32>
    %neg3A_138 = arith.subf %neg3A_137, %slice3A_135 : vector<256x32xf32>
    %slice3A_139 = vector.extract_strided_slice %slice3A_127 {offsets = [0, 0], sizes = [256, 32], strides = [1, 1]} : vector<256x64xf32> to vector<256x32xf32>
    %concatenate3A_140 = tpu.concatenate %neg3A_138, %slice3A_139 in 1 : vector<256x32xf32>, vector<256x32xf32> -> vector<256x64xf32>
    %mul3A_141 = arith.mulf %slice3A_126, %get3A_20 : vector<256x64xf32>
    %mul3A_142 = arith.mulf %concatenate3A_134, %get3A_23 : vector<256x64xf32>
    %add3A_143 = arith.addf %mul3A_141, %mul3A_142 : vector<256x64xf32>
    %mul3A_144 = arith.mulf %slice3A_127, %get3A_20 : vector<256x64xf32>
    %mul3A_145 = arith.mulf %concatenate3A_140, %get3A_23 : vector<256x64xf32>
    %add3A_146 = arith.addf %mul3A_144, %mul3A_145 : vector<256x64xf32>
    %slice3A_147 = vector.extract_strided_slice %dot_general3A_17 {offsets = [0, 1152], sizes = [256, 64], strides = [1, 1]} : vector<256x2304xf32> to vector<256x64xf32>
    %slice3A_148 = vector.extract_strided_slice %dot_general3A_17 {offsets = [0, 1216], sizes = [256, 64], strides = [1, 1]} : vector<256x2304xf32> to vector<256x64xf32>
    %slice3A_149 = vector.extract_strided_slice %dot_general3A_17 {offsets = [0, 1280], sizes = [256, 64], strides = [1, 1]} : vector<256x2304xf32> to vector<256x64xf32>
    %slice3A_150 = vector.extract_strided_slice %slice3A_147 {offsets = [0, 32], sizes = [256, 32], strides = [1, 1]} : vector<256x64xf32> to vector<256x32xf32>
    %neg3A_151 = arith.constant 0.000000e+00 : f32
    %neg3A_152 = vector.broadcast %neg3A_151 : f32 to vector<256x32xf32>
    %neg3A_153 = arith.subf %neg3A_152, %slice3A_150 : vector<256x32xf32>
    %slice3A_154 = vector.extract_strided_slice %slice3A_147 {offsets = [0, 0], sizes = [256, 32], strides = [1, 1]} : vector<256x64xf32> to vector<256x32xf32>
    %concatenate3A_155 = tpu.concatenate %neg3A_153, %slice3A_154 in 1 : vector<256x32xf32>, vector<256x32xf32> -> vector<256x64xf32>
    %slice3A_156 = vector.extract_strided_slice %slice3A_148 {offsets = [0, 32], sizes = [256, 32], strides = [1, 1]} : vector<256x64xf32> to vector<256x32xf32>
    %neg3A_157 = arith.constant 0.000000e+00 : f32
    %neg3A_158 = vector.broadcast %neg3A_157 : f32 to vector<256x32xf32>
    %neg3A_159 = arith.subf %neg3A_158, %slice3A_156 : vector<256x32xf32>
    %slice3A_160 = vector.extract_strided_slice %slice3A_148 {offsets = [0, 0], sizes = [256, 32], strides = [1, 1]} : vector<256x64xf32> to vector<256x32xf32>
    %concatenate3A_161 = tpu.concatenate %neg3A_159, %slice3A_160 in 1 : vector<256x32xf32>, vector<256x32xf32> -> vector<256x64xf32>
    %mul3A_162 = arith.mulf %slice3A_147, %get3A_20 : vector<256x64xf32>
    %mul3A_163 = arith.mulf %concatenate3A_155, %get3A_23 : vector<256x64xf32>
    %add3A_164 = arith.addf %mul3A_162, %mul3A_163 : vector<256x64xf32>
    %mul3A_165 = arith.mulf %slice3A_148, %get3A_20 : vector<256x64xf32>
    %mul3A_166 = arith.mulf %concatenate3A_161, %get3A_23 : vector<256x64xf32>
    %add3A_167 = arith.addf %mul3A_165, %mul3A_166 : vector<256x64xf32>
    %slice3A_168 = vector.extract_strided_slice %dot_general3A_17 {offsets = [0, 1344], sizes = [256, 64], strides = [1, 1]} : vector<256x2304xf32> to vector<256x64xf32>
    %slice3A_169 = vector.extract_strided_slice %dot_general3A_17 {offsets = [0, 1408], sizes = [256, 64], strides = [1, 1]} : vector<256x2304xf32> to vector<256x64xf32>
    %slice3A_170 = vector.extract_strided_slice %dot_general3A_17 {offsets = [0, 1472], sizes = [256, 64], strides = [1, 1]} : vector<256x2304xf32> to vector<256x64xf32>
    %slice3A_171 = vector.extract_strided_slice %slice3A_168 {offsets = [0, 32], sizes = [256, 32], strides = [1, 1]} : vector<256x64xf32> to vector<256x32xf32>
    %neg3A_172 = arith.constant 0.000000e+00 : f32
    %neg3A_173 = vector.broadcast %neg3A_172 : f32 to vector<256x32xf32>
    %neg3A_174 = arith.subf %neg3A_173, %slice3A_171 : vector<256x32xf32>
    %slice3A_175 = vector.extract_strided_slice %slice3A_168 {offsets = [0, 0], sizes = [256, 32], strides = [1, 1]} : vector<256x64xf32> to vector<256x32xf32>
    %concatenate3A_176 = tpu.concatenate %neg3A_174, %slice3A_175 in 1 : vector<256x32xf32>, vector<256x32xf32> -> vector<256x64xf32>
    %slice3A_177 = vector.extract_strided_slice %slice3A_169 {offsets = [0, 32], sizes = [256, 32], strides = [1, 1]} : vector<256x64xf32> to vector<256x32xf32>
    %neg3A_178 = arith.constant 0.000000e+00 : f32
    %neg3A_179 = vector.broadcast %neg3A_178 : f32 to vector<256x32xf32>
    %neg3A_180 = arith.subf %neg3A_179, %slice3A_177 : vector<256x32xf32>
    %slice3A_181 = vector.extract_strided_slice %slice3A_169 {offsets = [0, 0], sizes = [256, 32], strides = [1, 1]} : vector<256x64xf32> to vector<256x32xf32>
    %concatenate3A_182 = tpu.concatenate %neg3A_180, %slice3A_181 in 1 : vector<256x32xf32>, vector<256x32xf32> -> vector<256x64xf32>
    %mul3A_183 = arith.mulf %slice3A_168, %get3A_20 : vector<256x64xf32>
    %mul3A_184 = arith.mulf %concatenate3A_176, %get3A_23 : vector<256x64xf32>
    %add3A_185 = arith.addf %mul3A_183, %mul3A_184 : vector<256x64xf32>
    %mul3A_186 = arith.mulf %slice3A_169, %get3A_20 : vector<256x64xf32>
    %mul3A_187 = arith.mulf %concatenate3A_182, %get3A_23 : vector<256x64xf32>
    %add3A_188 = arith.addf %mul3A_186, %mul3A_187 : vector<256x64xf32>
    %slice3A_189 = vector.extract_strided_slice %dot_general3A_17 {offsets = [0, 1536], sizes = [256, 64], strides = [1, 1]} : vector<256x2304xf32> to vector<256x64xf32>
    %slice3A_190 = vector.extract_strided_slice %dot_general3A_17 {offsets = [0, 1600], sizes = [256, 64], strides = [1, 1]} : vector<256x2304xf32> to vector<256x64xf32>
    %slice3A_191 = vector.extract_strided_slice %dot_general3A_17 {offsets = [0, 1664], sizes = [256, 64], strides = [1, 1]} : vector<256x2304xf32> to vector<256x64xf32>
    %slice3A_192 = vector.extract_strided_slice %slice3A_189 {offsets = [0, 32], sizes = [256, 32], strides = [1, 1]} : vector<256x64xf32> to vector<256x32xf32>
    %neg3A_193 = arith.constant 0.000000e+00 : f32
    %neg3A_194 = vector.broadcast %neg3A_193 : f32 to vector<256x32xf32>
    %neg3A_195 = arith.subf %neg3A_194, %slice3A_192 : vector<256x32xf32>
    %slice3A_196 = vector.extract_strided_slice %slice3A_189 {offsets = [0, 0], sizes = [256, 32], strides = [1, 1]} : vector<256x64xf32> to vector<256x32xf32>
    %concatenate3A_197 = tpu.concatenate %neg3A_195, %slice3A_196 in 1 : vector<256x32xf32>, vector<256x32xf32> -> vector<256x64xf32>
    %slice3A_198 = vector.extract_strided_slice %slice3A_190 {offsets = [0, 32], sizes = [256, 32], strides = [1, 1]} : vector<256x64xf32> to vector<256x32xf32>
    %neg3A_199 = arith.constant 0.000000e+00 : f32
    %neg3A_200 = vector.broadcast %neg3A_199 : f32 to vector<256x32xf32>
    %neg3A_201 = arith.subf %neg3A_200, %slice3A_198 : vector<256x32xf32>
    %slice3A_202 = vector.extract_strided_slice %slice3A_190 {offsets = [0, 0], sizes = [256, 32], strides = [1, 1]} : vector<256x64xf32> to vector<256x32xf32>
    %concatenate3A_203 = tpu.concatenate %neg3A_201, %slice3A_202 in 1 : vector<256x32xf32>, vector<256x32xf32> -> vector<256x64xf32>
    %mul3A_204 = arith.mulf %slice3A_189, %get3A_20 : vector<256x64xf32>
    %mul3A_205 = arith.mulf %concatenate3A_197, %get3A_23 : vector<256x64xf32>
    %add3A_206 = arith.addf %mul3A_204, %mul3A_205 : vector<256x64xf32>
    %mul3A_207 = arith.mulf %slice3A_190, %get3A_20 : vector<256x64xf32>
    %mul3A_208 = arith.mulf %concatenate3A_203, %get3A_23 : vector<256x64xf32>
    %add3A_209 = arith.addf %mul3A_207, %mul3A_208 : vector<256x64xf32>
    %slice3A_210 = vector.extract_strided_slice %dot_general3A_17 {offsets = [0, 1728], sizes = [256, 64], strides = [1, 1]} : vector<256x2304xf32> to vector<256x64xf32>
    %slice3A_211 = vector.extract_strided_slice %dot_general3A_17 {offsets = [0, 1792], sizes = [256, 64], strides = [1, 1]} : vector<256x2304xf32> to vector<256x64xf32>
    %slice3A_212 = vector.extract_strided_slice %dot_general3A_17 {offsets = [0, 1856], sizes = [256, 64], strides = [1, 1]} : vector<256x2304xf32> to vector<256x64xf32>
    %slice3A_213 = vector.extract_strided_slice %slice3A_210 {offsets = [0, 32], sizes = [256, 32], strides = [1, 1]} : vector<256x64xf32> to vector<256x32xf32>
    %neg3A_214 = arith.constant 0.000000e+00 : f32
    %neg3A_215 = vector.broadcast %neg3A_214 : f32 to vector<256x32xf32>
    %neg3A_216 = arith.subf %neg3A_215, %slice3A_213 : vector<256x32xf32>
    %slice3A_217 = vector.extract_strided_slice %slice3A_210 {offsets = [0, 0], sizes = [256, 32], strides = [1, 1]} : vector<256x64xf32> to vector<256x32xf32>
    %concatenate3A_218 = tpu.concatenate %neg3A_216, %slice3A_217 in 1 : vector<256x32xf32>, vector<256x32xf32> -> vector<256x64xf32>
    %slice3A_219 = vector.extract_strided_slice %slice3A_211 {offsets = [0, 32], sizes = [256, 32], strides = [1, 1]} : vector<256x64xf32> to vector<256x32xf32>
    %neg3A_220 = arith.constant 0.000000e+00 : f32
    %neg3A_221 = vector.broadcast %neg3A_220 : f32 to vector<256x32xf32>
    %neg3A_222 = arith.subf %neg3A_221, %slice3A_219 : vector<256x32xf32>
    %slice3A_223 = vector.extract_strided_slice %slice3A_211 {offsets = [0, 0], sizes = [256, 32], strides = [1, 1]} : vector<256x64xf32> to vector<256x32xf32>
    %concatenate3A_224 = tpu.concatenate %neg3A_222, %slice3A_223 in 1 : vector<256x32xf32>, vector<256x32xf32> -> vector<256x64xf32>
    %mul3A_225 = arith.mulf %slice3A_210, %get3A_20 : vector<256x64xf32>
    %mul3A_226 = arith.mulf %concatenate3A_218, %get3A_23 : vector<256x64xf32>
    %add3A_227 = arith.addf %mul3A_225, %mul3A_226 : vector<256x64xf32>
    %mul3A_228 = arith.mulf %slice3A_211, %get3A_20 : vector<256x64xf32>
    %mul3A_229 = arith.mulf %concatenate3A_224, %get3A_23 : vector<256x64xf32>
    %add3A_230 = arith.addf %mul3A_228, %mul3A_229 : vector<256x64xf32>
    %slice3A_231 = vector.extract_strided_slice %dot_general3A_17 {offsets = [0, 1920], sizes = [256, 64], strides = [1, 1]} : vector<256x2304xf32> to vector<256x64xf32>
    %slice3A_232 = vector.extract_strided_slice %dot_general3A_17 {offsets = [0, 1984], sizes = [256, 64], strides = [1, 1]} : vector<256x2304xf32> to vector<256x64xf32>
    %slice3A_233 = vector.extract_strided_slice %dot_general3A_17 {offsets = [0, 2048], sizes = [256, 64], strides = [1, 1]} : vector<256x2304xf32> to vector<256x64xf32>
    %slice3A_234 = vector.extract_strided_slice %slice3A_231 {offsets = [0, 32], sizes = [256, 32], strides = [1, 1]} : vector<256x64xf32> to vector<256x32xf32>
    %neg3A_235 = arith.constant 0.000000e+00 : f32
    %neg3A_236 = vector.broadcast %neg3A_235 : f32 to vector<256x32xf32>
    %neg3A_237 = arith.subf %neg3A_236, %slice3A_234 : vector<256x32xf32>
    %slice3A_238 = vector.extract_strided_slice %slice3A_231 {offsets = [0, 0], sizes = [256, 32], strides = [1, 1]} : vector<256x64xf32> to vector<256x32xf32>
    %concatenate3A_239 = tpu.concatenate %neg3A_237, %slice3A_238 in 1 : vector<256x32xf32>, vector<256x32xf32> -> vector<256x64xf32>
    %slice3A_240 = vector.extract_strided_slice %slice3A_232 {offsets = [0, 32], sizes = [256, 32], strides = [1, 1]} : vector<256x64xf32> to vector<256x32xf32>
    %neg3A_241 = arith.constant 0.000000e+00 : f32
    %neg3A_242 = vector.broadcast %neg3A_241 : f32 to vector<256x32xf32>
    %neg3A_243 = arith.subf %neg3A_242, %slice3A_240 : vector<256x32xf32>
    %slice3A_244 = vector.extract_strided_slice %slice3A_232 {offsets = [0, 0], sizes = [256, 32], strides = [1, 1]} : vector<256x64xf32> to vector<256x32xf32>
    %concatenate3A_245 = tpu.concatenate %neg3A_243, %slice3A_244 in 1 : vector<256x32xf32>, vector<256x32xf32> -> vector<256x64xf32>
    %mul3A_246 = arith.mulf %slice3A_231, %get3A_20 : vector<256x64xf32>
    %mul3A_247 = arith.mulf %concatenate3A_239, %get3A_23 : vector<256x64xf32>
    %add3A_248 = arith.addf %mul3A_246, %mul3A_247 : vector<256x64xf32>
    %mul3A_249 = arith.mulf %slice3A_232, %get3A_20 : vector<256x64xf32>
    %mul3A_250 = arith.mulf %concatenate3A_245, %get3A_23 : vector<256x64xf32>
    %add3A_251 = arith.addf %mul3A_249, %mul3A_250 : vector<256x64xf32>
    %slice3A_252 = vector.extract_strided_slice %dot_general3A_17 {offsets = [0, 2112], sizes = [256, 64], strides = [1, 1]} : vector<256x2304xf32> to vector<256x64xf32>
    %slice3A_253 = vector.extract_strided_slice %dot_general3A_17 {offsets = [0, 2176], sizes = [256, 64], strides = [1, 1]} : vector<256x2304xf32> to vector<256x64xf32>
    %slice3A_254 = vector.extract_strided_slice %dot_general3A_17 {offsets = [0, 2240], sizes = [256, 64], strides = [1, 1]} : vector<256x2304xf32> to vector<256x64xf32>
    %slice3A_255 = vector.extract_strided_slice %slice3A_252 {offsets = [0, 32], sizes = [256, 32], strides = [1, 1]} : vector<256x64xf32> to vector<256x32xf32>
    %neg3A_256 = arith.constant 0.000000e+00 : f32
    %neg3A_257 = vector.broadcast %neg3A_256 : f32 to vector<256x32xf32>
    %neg3A_258 = arith.subf %neg3A_257, %slice3A_255 : vector<256x32xf32>
    %slice3A_259 = vector.extract_strided_slice %slice3A_252 {offsets = [0, 0], sizes = [256, 32], strides = [1, 1]} : vector<256x64xf32> to vector<256x32xf32>
    %concatenate3A_260 = tpu.concatenate %neg3A_258, %slice3A_259 in 1 : vector<256x32xf32>, vector<256x32xf32> -> vector<256x64xf32>
    %slice3A_261 = vector.extract_strided_slice %slice3A_253 {offsets = [0, 32], sizes = [256, 32], strides = [1, 1]} : vector<256x64xf32> to vector<256x32xf32>
    %neg3A_262 = arith.constant 0.000000e+00 : f32
    %neg3A_263 = vector.broadcast %neg3A_262 : f32 to vector<256x32xf32>
    %neg3A_264 = arith.subf %neg3A_263, %slice3A_261 : vector<256x32xf32>
    %slice3A_265 = vector.extract_strided_slice %slice3A_253 {offsets = [0, 0], sizes = [256, 32], strides = [1, 1]} : vector<256x64xf32> to vector<256x32xf32>
    %concatenate3A_266 = tpu.concatenate %neg3A_264, %slice3A_265 in 1 : vector<256x32xf32>, vector<256x32xf32> -> vector<256x64xf32>
    %mul3A_267 = arith.mulf %slice3A_252, %get3A_20 : vector<256x64xf32>
    %mul3A_268 = arith.mulf %concatenate3A_260, %get3A_23 : vector<256x64xf32>
    %add3A_269 = arith.addf %mul3A_267, %mul3A_268 : vector<256x64xf32>
    %mul3A_270 = arith.mulf %slice3A_253, %get3A_20 : vector<256x64xf32>
    %mul3A_271 = arith.mulf %concatenate3A_266, %get3A_23 : vector<256x64xf32>
    %add3A_272 = arith.addf %mul3A_270, %mul3A_271 : vector<256x64xf32>
    %concatenate3A_273 = tpu.concatenate %add3A_38, %add3A_59, %add3A_80, %add3A_101, %add3A_122, %add3A_143, %add3A_164, %add3A_185, %add3A_206, %add3A_227, %add3A_248, %add3A_269 in 1 : vector<256x64xf32>, vector<256x64xf32>, vector<256x64xf32>, vector<256x64xf32>, vector<256x64xf32>, vector<256x64xf32>, vector<256x64xf32>, vector<256x64xf32>, vector<256x64xf32>, vector<256x64xf32>, vector<256x64xf32>, vector<256x64xf32> -> vector<256x768xf32>
    %swap3A = arith.constant 0 : index
    %swap3A_274 = arith.constant 0 : index
    %swap3A_275 = vector.load %arg6[%swap3A, %swap3A_274] : memref<256x768xf32, #tpu.memory_space<vmem>>, vector<256x768xf32>
    tpu.vector_store %arg6[%swap3A, %swap3A_274], %concatenate3A_273 {strides = array<i32>} : memref<256x768xf32, #tpu.memory_space<vmem>>, vector<256x768xf32>,
    %concatenate3A_276 = tpu.concatenate %add3A_41, %add3A_62, %add3A_83, %add3A_104, %add3A_125, %add3A_146, %add3A_167, %add3A_188, %add3A_209, %add3A_230, %add3A_251, %add3A_272 in 1 : vector<256x64xf32>, vector<256x64xf32>, vector<256x64xf32>, vector<256x64xf32>, vector<256x64xf32>, vector<256x64xf32>, vector<256x64xf32>, vector<256x64xf32>, vector<256x64xf32>, vector<256x64xf32>, vector<256x64xf32>, vector<256x64xf32> -> vector<256x768xf32>
    %swap3A_277 = arith.constant 0 : index
    %swap3A_278 = arith.constant 0 : index
    %swap3A_279 = vector.load %arg7[%swap3A_277, %swap3A_278] : memref<256x768xf32, #tpu.memory_space<vmem>>, vector<256x768xf32>
    tpu.vector_store %arg7[%swap3A_277, %swap3A_278], %concatenate3A_276 {strides = array<i32>} : memref<256x768xf32, #tpu.memory_space<vmem>>, vector<256x768xf32>,
    %concatenate3A_280 = tpu.concatenate %slice3A_25, %slice3A_44, %slice3A_65, %slice3A_86, %slice3A_107, %slice3A_128, %slice3A_149, %slice3A_170, %slice3A_191, %slice3A_212, %slice3A_233, %slice3A_254 in 1 : vector<256x64xf32>, vector<256x64xf32>, vector<256x64xf32>, vector<256x64xf32>, vector<256x64xf32>, vector<256x64xf32>, vector<256x64xf32>, vector<256x64xf32>, vector<256x64xf32>, vector<256x64xf32>, vector<256x64xf32>, vector<256x64xf32> -> vector<256x768xf32>
    %swap3A_281 = arith.constant 0 : index
    %swap3A_282 = arith.constant 0 : index
    %swap3A_283 = vector.load %arg8[%swap3A_281, %swap3A_282] : memref<256x768xf32, #tpu.memory_space<vmem>>, vector<256x768xf32>
    tpu.vector_store %arg8[%swap3A_281, %swap3A_282], %concatenate3A_280 {strides = array<i32>} : memref<256x768xf32, #tpu.memory_space<vmem>>, vector<256x768xf32>,
    return
  }
  func.func @transform_0(%arg0: i32) -> (i32, i32) {
    %c0_i32 = arith.constant 0 : i32
    %c0_i32_0 = arith.constant 0 : i32
    return %arg0, %c0_i32 : i32, i32
  }
  func.func @transform_1(%arg0: i32) -> (i32, i32) {
    %c0_i32 = arith.constant 0 : i32
    %c0_i32_0 = arith.constant 0 : i32
    %c0_i32_1 = arith.constant 0 : i32
    return %c0_i32, %c0_i32_0 : i32, i32
  }
  func.func @transform_2(%arg0: i32) -> (i32, i32) {
    %c0_i32 = arith.constant 0 : i32
    %c0_i32_0 = arith.constant 0 : i32
    %c0_i32_1 = arith.constant 0 : i32
    return %c0_i32, %c0_i32_0 : i32, i32
  }
  func.func @transform_3(%arg0: i32) -> (i32, i32) {
    %c0_i32 = arith.constant 0 : i32
    %c0_i32_0 = arith.constant 0 : i32
    return %arg0, %c0_i32 : i32, i32
  }
  func.func @transform_4(%arg0: i32) -> (i32, i32) {
    %c0_i32 = arith.constant 0 : i32
    %c0_i32_0 = arith.constant 0 : i32
    return %arg0, %c0_i32 : i32, i32
  }
  func.func @transform_5(%arg0: i32) -> (i32, i32) {
    %c0_i32 = arith.constant 0 : i32
    %c0_i32_0 = arith.constant 0 : i32
    return %arg0, %c0_i32 : i32, i32
  }
  func.func @transform_6(%arg0: i32) -> (i32, i32) {
    %c0_i32 = arith.constant 0 : i32
    %c0_i32_0 = arith.constant 0 : i32
    return %arg0, %c0_i32 : i32, i32
  }
  func.func @transform_7(%arg0: i32) -> (i32, i32) {
    %c0_i32 = arith.constant 0 : i32
    %c0_i32_0 = arith.constant 0 : i32
    return %arg0, %c0_i32 : i32, i32
  }
}

module attributes {stable_mosaic.version = 14 : i64} {
  func.func @_proj_router_kernel(%arg0: i32, %arg1: memref<256x768xf32, #tpu.memory_space<vmem>>, %arg2: memref<256x768xf32, #tpu.memory_space<vmem>>, %arg3: memref<768x768xf32, #tpu.memory_space<vmem>>, %arg4: memref<1x768xf32, #tpu.memory_space<vmem>>, %arg5: memref<768x8xf32, #tpu.memory_space<vmem>>, %arg6: memref<256x768xf32, #tpu.memory_space<vmem>>, %arg7: memref<256x768xf32, #tpu.memory_space<vmem>>, %arg8: memref<256x1xi32, #tpu.memory_space<vmem>>, %arg9: memref<256x1xi32, #tpu.memory_space<vmem>>, %arg10: memref<256x1xf32, #tpu.memory_space<vmem>>, %arg11: memref<256x1xf32, #tpu.memory_space<vmem>>, %arg12: memref<1x8xf32, #tpu.memory_space<vmem>>) attributes {dimension_semantics = [#tpu.dimension_semantics<arbitrary>], iteration_bounds = array<i64: 8>, scalar_prefetch = 0 : i64, scratch_operands = 0 : i64, tpu.core_type = #tpu.core_type<tc>, window_params = [{transform_indices = @transform_0, window_bounds = array<i64: 256, 768>}, {transform_indices = @transform_1, window_bounds = array<i64: 256, 768>}, {pipeline_mode = #tpu.pipeline_mode<synchronous>, transform_indices = @transform_2, window_bounds = array<i64: 768, 768>}, {pipeline_mode = #tpu.pipeline_mode<synchronous>, transform_indices = @transform_3, window_bounds = array<i64: 1, 768>}, {pipeline_mode = #tpu.pipeline_mode<synchronous>, transform_indices = @transform_4, window_bounds = array<i64: 768, 8>}, {transform_indices = @transform_5, window_bounds = array<i64: 256, 768>}, {transform_indices = @transform_6, window_bounds = array<i64: 256, 768>}, {transform_indices = @transform_7, window_bounds = array<i64: 256, 1>}, {transform_indices = @transform_8, window_bounds = array<i64: 256, 1>}, {transform_indices = @transform_9, window_bounds = array<i64: 256, 1>}, {transform_indices = @transform_10, window_bounds = array<i64: 256, 1>}, {pipeline_mode = #tpu.pipeline_mode<synchronous>, transform_indices = @transform_11, window_bounds = array<i64: 1, 8>}]} {
    %get3A = arith.constant 0 : index
    %get3A_0 = arith.constant 0 : index
    %get3A_1 = vector.load %arg1[%get3A, %get3A_0] : memref<256x768xf32, #tpu.memory_space<vmem>>, vector<256x768xf32>
    %get3A_2 = arith.constant 0 : index
    %get3A_3 = arith.constant 0 : index
    %get3A_4 = vector.load %arg3[%get3A_2, %get3A_3] : memref<768x768xf32, #tpu.memory_space<vmem>>, vector<768x768xf32>
    %dot_general3A = arith.constant dense<0.000000e+00> : vector<256x768xf32>
    %dot_general3A_5 = tpu.matmul %get3A_1, %get3A_4, %dot_general3A {dimension_numbers = #tpu.dot_dimension_numbers<[1], [0], [0], [1], [0, 0, 1, 1], [], []>, transpose_lhs_hint = false} : vector<256x768xf32>, vector<768x768xf32>, vector<256x768xf32> -> vector<256x768xf32>
    %get3A_6 = arith.constant 0 : index
    %get3A_7 = arith.constant 0 : index
    %get3A_8 = vector.load %arg2[%get3A_6, %get3A_7] : memref<256x768xf32, #tpu.memory_space<vmem>>, vector<256x768xf32>
    %add3A = arith.addf %dot_general3A_5, %get3A_8 : vector<256x768xf32>
    %swap3A = arith.constant 0 : index
    %swap3A_9 = arith.constant 0 : index
    %swap3A_10 = vector.load %arg6[%swap3A, %swap3A_9] : memref<256x768xf32, #tpu.memory_space<vmem>>, vector<256x768xf32>
    tpu.vector_store %arg6[%swap3A, %swap3A_9], %add3A {strides = array<i32>} : memref<256x768xf32, #tpu.memory_space<vmem>>, vector<256x768xf32>,
    %mul3A = arith.mulf %add3A, %add3A : vector<256x768xf32>
    %reduce_sum3A = arith.constant dense<0.000000e+00> : vector<256xf32>
    %reduce_sum3A_11 = vector.multi_reduction <add>, %mul3A, %reduce_sum3A [1] : vector<256x768xf32> to vector<256xf32>
    %broadcast_in_dim3A = vector.shape_cast %reduce_sum3A_11 : vector<256xf32> to vector<256x1xf32>
    %div3A = arith.constant 7.680000e+02 : f32
    %div3A_12 = vector.broadcast %div3A : f32 to vector<256x1xf32>
    %div3A_13 = arith.divf %broadcast_in_dim3A, %div3A_12 : vector<256x1xf32>
    %add3A_14 = arith.constant 9.99999997E-7 : f32
    %add3A_15 = vector.broadcast %add3A_14 : f32 to vector<256x1xf32>
    %add3A_16 = arith.addf %div3A_13, %add3A_15 : vector<256x1xf32>
    %rsqrt3A = math.rsqrt %add3A_16 : vector<256x1xf32>
    %mul3A_17 = vector.broadcast %rsqrt3A : vector<256x1xf32> to vector<256x768xf32>
    %mul3A_18 = arith.mulf %add3A, %mul3A_17 : vector<256x768xf32>
    %get3A_19 = arith.constant 0 : index
    %get3A_20 = arith.constant 0 : index
    %get3A_21 = vector.load %arg4[%get3A_19, %get3A_20] : memref<1x768xf32, #tpu.memory_space<vmem>>, vector<1x768xf32>
    %mul3A_22 = vector.broadcast %get3A_21 : vector<1x768xf32> to vector<256x768xf32>
    %mul3A_23 = arith.mulf %mul3A_18, %mul3A_22 : vector<256x768xf32>
    %swap3A_24 = arith.constant 0 : index
    %swap3A_25 = arith.constant 0 : index
    %swap3A_26 = vector.load %arg7[%swap3A_24, %swap3A_25] : memref<256x768xf32, #tpu.memory_space<vmem>>, vector<256x768xf32>
    tpu.vector_store %arg7[%swap3A_24, %swap3A_25], %mul3A_23 {strides = array<i32>} : memref<256x768xf32, #tpu.memory_space<vmem>>, vector<256x768xf32>,
    %get3A_27 = arith.constant 0 : index
    %get3A_28 = arith.constant 0 : index
    %get3A_29 = vector.load %arg5[%get3A_27, %get3A_28] : memref<768x8xf32, #tpu.memory_space<vmem>>, vector<768x8xf32>
    %dot_general3A_30 = arith.constant dense<0.000000e+00> : vector<256x8xf32>
    %dot_general3A_31 = tpu.matmul %mul3A_23, %get3A_29, %dot_general3A_30 {dimension_numbers = #tpu.dot_dimension_numbers<[1], [0], [0], [1], [0, 0, 1, 1], [], []>, transpose_lhs_hint = false} : vector<256x768xf32>, vector<768x8xf32>, vector<256x8xf32> -> vector<256x8xf32>
    %iota3A = tpu.iota {dimensions = array<i32: 1>} : vector<256x8xi32>
    %reduce_max3A = arith.constant dense<0xFF800000> : vector<256xf32>
    %reduce_max3A_32 = vector.multi_reduction <maximumf>, %dot_general3A_31, %reduce_max3A [1] : vector<256x8xf32> to vector<256xf32>
    %broadcast_in_dim3A_33 = vector.shape_cast %reduce_max3A_32 : vector<256xf32> to vector<256x1xf32>
    %eq3A = vector.broadcast %broadcast_in_dim3A_33 : vector<256x1xf32> to vector<256x8xf32>
    %eq3A_34 = arith.cmpf oeq, %dot_general3A_31, %eq3A : vector<256x8xf32>
    %jit3A = arith.constant 8 : i32
    %broadcast_in_dim3A_35 = vector.broadcast %jit3A : i32 to vector<256x8xi32>
    %select_n3A = arith.select %eq3A_34, %iota3A, %broadcast_in_dim3A_35 : vector<256x8xi1>, vector<256x8xi32>
    %reduce_min3A = arith.constant dense<2147483647> : vector<256xi32>
    %reduce_min3A_36 = vector.multi_reduction <minsi>, %select_n3A, %reduce_min3A [1] : vector<256x8xi32> to vector<256xi32>
    %broadcast_in_dim3A_37 = vector.shape_cast %reduce_min3A_36 : vector<256xi32> to vector<256x1xi32>
    %eq3A_38 = vector.broadcast %broadcast_in_dim3A_37 : vector<256x1xi32> to vector<256x8xi32>
    %eq3A_39 = arith.cmpi eq, %iota3A, %eq3A_38 : vector<256x8xi32>
    %jit3A_40 = arith.constant 0xFF800000 : f32
    %broadcast_in_dim3A_41 = vector.broadcast %jit3A_40 : f32 to vector<256x8xf32>
    %select_n3A_42 = arith.select %eq3A_39, %broadcast_in_dim3A_41, %dot_general3A_31 : vector<256x8xi1>, vector<256x8xf32>
    %reduce_max3A_43 = arith.constant dense<0xFF800000> : vector<256xf32>
    %reduce_max3A_44 = vector.multi_reduction <maximumf>, %select_n3A_42, %reduce_max3A_43 [1] : vector<256x8xf32> to vector<256xf32>
    %broadcast_in_dim3A_45 = vector.shape_cast %reduce_max3A_44 : vector<256xf32> to vector<256x1xf32>
    %eq3A_46 = vector.broadcast %broadcast_in_dim3A_45 : vector<256x1xf32> to vector<256x8xf32>
    %eq3A_47 = arith.cmpf oeq, %select_n3A_42, %eq3A_46 : vector<256x8xf32>
    %jit3A_48 = arith.constant 8 : i32
    %broadcast_in_dim3A_49 = vector.broadcast %jit3A_48 : i32 to vector<256x8xi32>
    %select_n3A_50 = arith.select %eq3A_47, %iota3A, %broadcast_in_dim3A_49 : vector<256x8xi1>, vector<256x8xi32>
    %reduce_min3A_51 = arith.constant dense<2147483647> : vector<256xi32>
    %reduce_min3A_52 = vector.multi_reduction <minsi>, %select_n3A_50, %reduce_min3A_51 [1] : vector<256x8xi32> to vector<256xi32>
    %broadcast_in_dim3A_53 = vector.shape_cast %reduce_min3A_52 : vector<256xi32> to vector<256x1xi32>
    %sub3A = arith.subf %broadcast_in_dim3A_45, %broadcast_in_dim3A_33 : vector<256x1xf32>
    %exp3A = math.exp %sub3A : vector<256x1xf32>
    %add3A_54 = arith.constant 1.000000e+00 : f32
    %add3A_55 = vector.broadcast %add3A_54 : f32 to vector<256x1xf32>
    %add3A_56 = arith.addf %add3A_55, %exp3A : vector<256x1xf32>
    %div3A_57 = arith.constant 1.000000e+00 : f32
    %div3A_58 = vector.broadcast %div3A_57 : f32 to vector<256x1xf32>
    %div3A_59 = arith.divf %div3A_58, %add3A_56 : vector<256x1xf32>
    %sub3A_60 = arith.constant 1.000000e+00 : f32
    %sub3A_61 = vector.broadcast %sub3A_60 : f32 to vector<256x1xf32>
    %sub3A_62 = arith.subf %sub3A_61, %div3A_59 : vector<256x1xf32>
    %swap3A_63 = arith.constant 0 : index
    %swap3A_64 = arith.constant 0 : index
    %swap3A_65 = vector.load %arg8[%swap3A_63, %swap3A_64] : memref<256x1xi32, #tpu.memory_space<vmem>>, vector<256x1xi32>
    tpu.vector_store %arg8[%swap3A_63, %swap3A_64], %broadcast_in_dim3A_37 {strides = array<i32>} : memref<256x1xi32, #tpu.memory_space<vmem>>, vector<256x1xi32>,
    %swap3A_66 = arith.constant 0 : index
    %swap3A_67 = arith.constant 0 : index
    %swap3A_68 = vector.load %arg9[%swap3A_66, %swap3A_67] : memref<256x1xi32, #tpu.memory_space<vmem>>, vector<256x1xi32>
    tpu.vector_store %arg9[%swap3A_66, %swap3A_67], %broadcast_in_dim3A_53 {strides = array<i32>} : memref<256x1xi32, #tpu.memory_space<vmem>>, vector<256x1xi32>,
    %swap3A_69 = arith.constant 0 : index
    %swap3A_70 = arith.constant 0 : index
    %swap3A_71 = vector.load %arg10[%swap3A_69, %swap3A_70] : memref<256x1xf32, #tpu.memory_space<vmem>>, vector<256x1xf32>
    tpu.vector_store %arg10[%swap3A_69, %swap3A_70], %div3A_59 {strides = array<i32>} : memref<256x1xf32, #tpu.memory_space<vmem>>, vector<256x1xf32>,
    %swap3A_72 = arith.constant 0 : index
    %swap3A_73 = arith.constant 0 : index
    %swap3A_74 = vector.load %arg11[%swap3A_72, %swap3A_73] : memref<256x1xf32, #tpu.memory_space<vmem>>, vector<256x1xf32>
    tpu.vector_store %arg11[%swap3A_72, %swap3A_73], %sub3A_62 {strides = array<i32>} : memref<256x1xf32, #tpu.memory_space<vmem>>, vector<256x1xf32>,
    %eq3A_75 = vector.broadcast %broadcast_in_dim3A_37 : vector<256x1xi32> to vector<256x8xi32>
    %eq3A_76 = arith.cmpi eq, %eq3A_75, %iota3A : vector<256x8xi32>
    %convert_element_type3A = arith.extui %eq3A_76 : vector<256x8xi1> to vector<256x8xi32>
    %convert_element_type3A_77 = arith.sitofp %convert_element_type3A : vector<256x8xi32> to vector<256x8xf32>
    %eq3A_78 = vector.broadcast %broadcast_in_dim3A_53 : vector<256x1xi32> to vector<256x8xi32>
    %eq3A_79 = arith.cmpi eq, %eq3A_78, %iota3A : vector<256x8xi32>
    %convert_element_type3A_80 = arith.extui %eq3A_79 : vector<256x8xi1> to vector<256x8xi32>
    %convert_element_type3A_81 = arith.sitofp %convert_element_type3A_80 : vector<256x8xi32> to vector<256x8xf32>
    %add3A_82 = arith.addf %convert_element_type3A_77, %convert_element_type3A_81 : vector<256x8xf32>
    %reduce_sum3A_83 = arith.constant dense<0.000000e+00> : vector<8xf32>
    %reduce_sum3A_84 = vector.multi_reduction <add>, %add3A_82, %reduce_sum3A_83 [0] : vector<256x8xf32> to vector<8xf32>
    %broadcast_in_dim3A_85 = vector.shape_cast %reduce_sum3A_84 : vector<8xf32> to vector<1x8xf32>
    %eq3A_86 = arith.constant 0 : i32
    %eq3A_87 = arith.cmpi eq, %arg0, %eq3A_86 : i32
    %broadcast_in_dim3A_88 = arith.constant 0.000000e+00 : f32
    %broadcast_in_dim3A_89 = vector.broadcast %broadcast_in_dim3A_88 : f32 to vector<1x8xf32>
    %get3A_90 = arith.constant 0 : index
    %get3A_91 = arith.constant 0 : index
    %get3A_92 = vector.load %arg12[%get3A_90, %get3A_91] : memref<1x8xf32, #tpu.memory_space<vmem>>, vector<1x8xf32>
    %select_n3A_93 = arith.select %eq3A_87, %broadcast_in_dim3A_89, %get3A_92 : vector<1x8xf32>
    %add3A_94 = arith.addf %select_n3A_93, %broadcast_in_dim3A_85 : vector<1x8xf32>
    %swap3A_95 = arith.constant 0 : index
    %swap3A_96 = arith.constant 0 : index
    %swap3A_97 = vector.load %arg12[%swap3A_95, %swap3A_96] : memref<1x8xf32, #tpu.memory_space<vmem>>, vector<1x8xf32>
    tpu.vector_store %arg12[%swap3A_95, %swap3A_96], %add3A_94 {strides = array<i32>} : memref<1x8xf32, #tpu.memory_space<vmem>>, vector<1x8xf32>,
    return
  }
  func.func @transform_0(%arg0: i32) -> (i32, i32) {
    %c0_i32 = arith.constant 0 : i32
    %c0_i32_0 = arith.constant 0 : i32
    return %arg0, %c0_i32 : i32, i32
  }
  func.func @transform_1(%arg0: i32) -> (i32, i32) {
    %c0_i32 = arith.constant 0 : i32
    %c0_i32_0 = arith.constant 0 : i32
    return %arg0, %c0_i32 : i32, i32
  }
  func.func @transform_2(%arg0: i32) -> (i32, i32) {
    %c0_i32 = arith.constant 0 : i32
    %c0_i32_0 = arith.constant 0 : i32
    %c0_i32_1 = arith.constant 0 : i32
    return %c0_i32, %c0_i32_0 : i32, i32
  }
  func.func @transform_3(%arg0: i32) -> (i32, i32) {
    %c0_i32 = arith.constant 0 : i32
    %c0_i32_0 = arith.constant 0 : i32
    %c0_i32_1 = arith.constant 0 : i32
    return %c0_i32, %c0_i32_0 : i32, i32
  }
  func.func @transform_4(%arg0: i32) -> (i32, i32) {
    %c0_i32 = arith.constant 0 : i32
    %c0_i32_0 = arith.constant 0 : i32
    %c0_i32_1 = arith.constant 0 : i32
    return %c0_i32, %c0_i32_0 : i32, i32
  }
  func.func @transform_5(%arg0: i32) -> (i32, i32) {
    %c0_i32 = arith.constant 0 : i32
    %c0_i32_0 = arith.constant 0 : i32
    return %arg0, %c0_i32 : i32, i32
  }
  func.func @transform_6(%arg0: i32) -> (i32, i32) {
    %c0_i32 = arith.constant 0 : i32
    %c0_i32_0 = arith.constant 0 : i32
    return %arg0, %c0_i32 : i32, i32
  }
  func.func @transform_7(%arg0: i32) -> (i32, i32) {
    %c0_i32 = arith.constant 0 : i32
    %c0_i32_0 = arith.constant 0 : i32
    return %arg0, %c0_i32 : i32, i32
  }
  func.func @transform_8(%arg0: i32) -> (i32, i32) {
    %c0_i32 = arith.constant 0 : i32
    %c0_i32_0 = arith.constant 0 : i32
    return %arg0, %c0_i32 : i32, i32
  }
  func.func @transform_9(%arg0: i32) -> (i32, i32) {
    %c0_i32 = arith.constant 0 : i32
    %c0_i32_0 = arith.constant 0 : i32
    return %arg0, %c0_i32 : i32, i32
  }
  func.func @transform_10(%arg0: i32) -> (i32, i32) {
    %c0_i32 = arith.constant 0 : i32
    %c0_i32_0 = arith.constant 0 : i32
    return %arg0, %c0_i32 : i32, i32
  }
  func.func @transform_11(%arg0: i32) -> (i32, i32) {
    %c0_i32 = arith.constant 0 : i32
    %c0_i32_0 = arith.constant 0 : i32
    %c0_i32_1 = arith.constant 0 : i32
    return %c0_i32, %c0_i32_0 : i32, i32
  }
}

module attributes {stable_mosaic.version = 14 : i64} {
  func.func @_pos_kernel(%arg0: i32, %arg1: memref<256x1xi32, #tpu.memory_space<vmem>>, %arg2: memref<256x1xi32, #tpu.memory_space<vmem>>, %arg3: memref<1x8xf32, #tpu.memory_space<vmem>>, %arg4: memref<256x1xi32, #tpu.memory_space<vmem>>, %arg5: memref<256x1xi32, #tpu.memory_space<vmem>>, %arg6: memref<1x128xi32, #tpu.memory_space<vmem>>, %arg7: memref<2x8xf32, #tpu.memory_space<vmem>>) attributes {dimension_semantics = [#tpu.dimension_semantics<arbitrary>], iteration_bounds = array<i64: 8>, scalar_prefetch = 0 : i64, scratch_operands = 1 : i64, tpu.core_type = #tpu.core_type<tc>, window_params = [{transform_indices = @transform_0, window_bounds = array<i64: 256, 1>}, {transform_indices = @transform_1, window_bounds = array<i64: 256, 1>}, {pipeline_mode = #tpu.pipeline_mode<synchronous>, transform_indices = @transform_2, window_bounds = array<i64: 1, 8>}, {transform_indices = @transform_3, window_bounds = array<i64: 256, 1>}, {transform_indices = @transform_4, window_bounds = array<i64: 256, 1>}, {pipeline_mode = #tpu.pipeline_mode<synchronous>, transform_indices = @transform_5, window_bounds = array<i64: 1, 128>}]} {
    %iota3A = tpu.iota {dimensions = array<i32: 1>} : vector<256x8xi32>
    %get3A = arith.constant 0 : index
    %get3A_0 = arith.constant 0 : index
    %get3A_1 = vector.load %arg1[%get3A, %get3A_0] : memref<256x1xi32, #tpu.memory_space<vmem>>, vector<256x1xi32>
    %eq3A = vector.broadcast %get3A_1 : vector<256x1xi32> to vector<256x8xi32>
    %eq3A_2 = arith.cmpi eq, %eq3A, %iota3A : vector<256x8xi32>
    %convert_element_type3A = arith.extui %eq3A_2 : vector<256x8xi1> to vector<256x8xi32>
    %convert_element_type3A_3 = arith.sitofp %convert_element_type3A : vector<256x8xi32> to vector<256x8xf32>
    %get3A_4 = arith.constant 0 : index
    %get3A_5 = arith.constant 0 : index
    %get3A_6 = vector.load %arg2[%get3A_4, %get3A_5] : memref<256x1xi32, #tpu.memory_space<vmem>>, vector<256x1xi32>
    %eq3A_7 = vector.broadcast %get3A_6 : vector<256x1xi32> to vector<256x8xi32>
    %eq3A_8 = arith.cmpi eq, %eq3A_7, %iota3A : vector<256x8xi32>
    %convert_element_type3A_9 = arith.extui %eq3A_8 : vector<256x8xi1> to vector<256x8xi32>
    %convert_element_type3A_10 = arith.sitofp %convert_element_type3A_9 : vector<256x8xi32> to vector<256x8xf32>
    %add3A = arith.addf %convert_element_type3A_3, %convert_element_type3A_10 : vector<256x8xf32>
    %eq3A_11 = arith.constant 0 : i32
    %eq3A_12 = arith.cmpi eq, %arg0, %eq3A_11 : i32
    %convert_element_type3A_13 = arith.extui %eq3A_12 : i1 to i32
    %cond3A = arith.constant 0 : i32
    %cond3A_14 = arith.cmpi ne, %convert_element_type3A_13, %cond3A : i32
    scf.if %cond3A_14 {
      %get3A_53 = arith.constant 0 : index
      %get3A_54 = arith.constant 0 : index
      %get3A_55 = vector.load %arg3[%get3A_53, %get3A_54] : memref<1x8xf32, #tpu.memory_space<vmem>>, vector<1x8xf32>
      %div3A = arith.constant 2.560000e+02 : f32
      %div3A_56 = vector.broadcast %div3A : f32 to vector<1x8xf32>
      %div3A_57 = arith.divf %get3A_55, %div3A_56 : vector<1x8xf32>
      %ceil3A = math.ceil %div3A_57 : vector<1x8xf32>
      %mul3A_58 = arith.constant 2.560000e+02 : f32
      %mul3A_59 = vector.broadcast %mul3A_58 : f32 to vector<1x8xf32>
      %mul3A_60 = arith.mulf %ceil3A, %mul3A_59 : vector<1x8xf32>
      %iota3A_61 = tpu.iota {dimensions = array<i32: 0>} : vector<8x8xi32>
      %iota3A_62 = tpu.iota {dimensions = array<i32: 1>} : vector<8x8xi32>
      %lt3A = arith.cmpi slt, %iota3A_61, %iota3A_62 : vector<8x8xi32>
      %convert_element_type3A_63 = arith.extui %lt3A : vector<8x8xi1> to vector<8x8xi32>
      %convert_element_type3A_64 = arith.sitofp %convert_element_type3A_63 : vector<8x8xi32> to vector<8x8xf32>
      %dot_general3A_65 = arith.constant dense<0.000000e+00> : vector<1x8xf32>
      %dot_general3A_66 = tpu.matmul %mul3A_60, %convert_element_type3A_64, %dot_general3A_65 {dimension_numbers = #tpu.dot_dimension_numbers<[1], [0], [0], [1], [0, 0, 1, 1], [], []>, transpose_lhs_hint = false} : vector<1x8xf32>, vector<8x8xf32>, vector<1x8xf32> -> vector<1x8xf32>
      %swap3A_67 = arith.constant 0 : index
      %swap3A_68 = arith.constant 0 : index
      %swap3A_69 = vector.load %arg7[%swap3A_67, %swap3A_68] : memref<2x8xf32, #tpu.memory_space<vmem>>, vector<1x8xf32>
      tpu.vector_store %arg7[%swap3A_67, %swap3A_68], %dot_general3A_66 {strides = array<i32>} : memref<2x8xf32, #tpu.memory_space<vmem>>, vector<1x8xf32>,
      %broadcast_in_dim3A_70 = arith.constant 0.000000e+00 : f32
      %broadcast_in_dim3A_71 = vector.broadcast %broadcast_in_dim3A_70 : f32 to vector<1x8xf32>
      %swap3A_72 = arith.constant 1 : index
      %swap3A_73 = arith.constant 0 : index
      %swap3A_74 = vector.load %arg7[%swap3A_72, %swap3A_73] : memref<2x8xf32, #tpu.memory_space<vmem>>, vector<1x8xf32>
      tpu.vector_store %arg7[%swap3A_72, %swap3A_73], %broadcast_in_dim3A_71 {strides = array<i32>} : memref<2x8xf32, #tpu.memory_space<vmem>>, vector<1x8xf32>,
      %eq3A_75 = arith.cmpi eq, %iota3A_61, %iota3A_62 : vector<8x8xi32>
      %convert_element_type3A_76 = arith.extui %eq3A_75 : vector<8x8xi1> to vector<8x8xi32>
      %convert_element_type3A_77 = arith.sitofp %convert_element_type3A_76 : vector<8x8xi32> to vector<8x8xf32>
      %dot_general3A_78 = arith.constant dense<0.000000e+00> : vector<8x1xf32>
      %dot_general3A_79 = tpu.matmul %convert_element_type3A_77, %dot_general3A_66, %dot_general3A_78 {dimension_numbers = #tpu.dot_dimension_numbers<[1], [1], [0], [0], [0, 0, 1, 0], [], []>, transpose_lhs_hint = false} : vector<8x8xf32>, vector<1x8xf32>, vector<8x1xf32> -> vector<8x1xf32>
      %iota3A_80 = tpu.iota {dimensions = array<i32: 1>} : vector<8x128xi32>
      %convert_element_type3A_81 = arith.sitofp %iota3A_80 : vector<8x128xi32> to vector<8x128xf32>
      %mul3A_82 = arith.constant 2.560000e+02 : f32
      %mul3A_83 = vector.broadcast %mul3A_82 : f32 to vector<8x128xf32>
      %mul3A_84 = arith.mulf %convert_element_type3A_81, %mul3A_83 : vector<8x128xf32>
      %le3A = vector.broadcast %dot_general3A_79 : vector<8x1xf32> to vector<8x128xf32>
      %le3A_85 = arith.cmpf ole, %le3A, %mul3A_84 : vector<8x128xf32>
      %convert_element_type3A_86 = arith.extui %le3A_85 : vector<8x128xi1> to vector<8x128xi32>
      %convert_element_type3A_87 = arith.sitofp %convert_element_type3A_86 : vector<8x128xi32> to vector<8x128xf32>
      %broadcast_in_dim3A_88 = arith.constant 1.000000e+00 : f32
      %broadcast_in_dim3A_89 = vector.broadcast %broadcast_in_dim3A_88 : f32 to vector<1x8xf32>
      %dot_general3A_90 = arith.constant dense<0.000000e+00> : vector<1x128xf32>
      %dot_general3A_91 = tpu.matmul %broadcast_in_dim3A_89, %convert_element_type3A_87, %dot_general3A_90 {dimension_numbers = #tpu.dot_dimension_numbers<[1], [0], [0], [1], [0, 0, 1, 1], [], []>, transpose_lhs_hint = false} : vector<1x8xf32>, vector<8x128xf32>, vector<1x128xf32> -> vector<1x128xf32>
      %iota3A_92 = tpu.iota {dimensions = array<i32: 1>} : vector<1x128xi32>
      %convert_element_type3A_93 = arith.sitofp %iota3A_92 : vector<1x128xi32> to vector<1x128xf32>
      %mul3A_94 = arith.constant 2.560000e+02 : f32
      %mul3A_95 = vector.broadcast %mul3A_94 : f32 to vector<1x128xf32>
      %mul3A_96 = arith.mulf %convert_element_type3A_93, %mul3A_95 : vector<1x128xf32>
      %reduce_sum3A_97 = vector.shape_cast %mul3A_60 : vector<1x8xf32> to vector<1x1x8xf32>
      %reduce_sum3A_98 = arith.constant dense<0.000000e+00> : vector<1xf32>
      %reduce_sum3A_99 = vector.multi_reduction <add>, %reduce_sum3A_97, %reduce_sum3A_98 [1, 2] : vector<1x1x8xf32> to vector<1xf32>
      %reduce_sum3A_100 = vector.shape_cast %reduce_sum3A_99 : vector<1xf32> to vector<1x1x1xf32>
      %reduce_sum3A_101 = vector.extract %reduce_sum3A_100[0, 0, 0] : f32 from vector<1x1x1xf32>
      %lt3A_102 = vector.broadcast %reduce_sum3A_101 : f32 to vector<1x128xf32>
      %lt3A_103 = arith.cmpf olt, %mul3A_96, %lt3A_102 : vector<1x128xf32>
      %sub3A = arith.constant 1.000000e+00 : f32
      %sub3A_104 = vector.broadcast %sub3A : f32 to vector<1x128xf32>
      %sub3A_105 = arith.subf %dot_general3A_91, %sub3A_104 : vector<1x128xf32>
      %jit3A = arith.constant 8.000000e+00 : f32
      %broadcast_in_dim3A_106 = vector.broadcast %jit3A : f32 to vector<1x128xf32>
      %select_n3A = arith.select %lt3A_103, %sub3A_105, %broadcast_in_dim3A_106 : vector<1x128xi1>, vector<1x128xf32>
      %convert_element_type3A_107 = arith.fptosi %select_n3A : vector<1x128xf32> to vector<1x128xi32>
      %swap3A_108 = arith.constant 0 : index
      %swap3A_109 = arith.constant 0 : index
      %swap3A_110 = vector.load %arg6[%swap3A_108, %swap3A_109] : memref<1x128xi32, #tpu.memory_space<vmem>>, vector<1x128xi32>
      tpu.vector_store %arg6[%swap3A_108, %swap3A_109], %convert_element_type3A_107 {strides = array<i32>} : memref<1x128xi32, #tpu.memory_space<vmem>>, vector<1x128xi32>,
    } else {
    }
    %get3A_15 = arith.constant 0 : index
    %get3A_16 = arith.constant 0 : index
    %get3A_17 = vector.load %arg7[%get3A_15, %get3A_16] : memref<2x8xf32, #tpu.memory_space<vmem>>, vector<1x8xf32>
    %get3A_18 = arith.constant 1 : index
    %get3A_19 = arith.constant 0 : index
    %get3A_20 = vector.load %arg7[%get3A_18, %get3A_19] : memref<2x8xf32, #tpu.memory_space<vmem>>, vector<1x8xf32>
    %add3A_21 = arith.addf %get3A_17, %get3A_20 : vector<1x8xf32>
    %iota3A_22 = tpu.iota {dimensions = array<i32: 0>} : vector<256x256xi32>
    %iota3A_23 = tpu.iota {dimensions = array<i32: 1>} : vector<256x256xi32>
    %gt3A = arith.cmpi sgt, %iota3A_22, %iota3A_23 : vector<256x256xi32>
    %convert_element_type3A_24 = arith.extui %gt3A : vector<256x256xi1> to vector<256x256xi32>
    %convert_element_type3A_25 = arith.sitofp %convert_element_type3A_24 : vector<256x256xi32> to vector<256x256xf32>
    %dot_general3A = arith.constant dense<0.000000e+00> : vector<256x8xf32>
    %dot_general3A_26 = tpu.matmul %convert_element_type3A_25, %add3A, %dot_general3A {dimension_numbers = #tpu.dot_dimension_numbers<[1], [0], [0], [1], [0, 0, 1, 1], [], []>, transpose_lhs_hint = false} : vector<256x256xf32>, vector<256x8xf32>, vector<256x8xf32> -> vector<256x8xf32>
    %add3A_27 = vector.broadcast %add3A_21 : vector<1x8xf32> to vector<256x8xf32>
    %add3A_28 = arith.addf %add3A_27, %dot_general3A_26 : vector<256x8xf32>
    %mul3A = arith.mulf %convert_element_type3A_3, %add3A_28 : vector<256x8xf32>
    %reduce_sum3A = arith.constant dense<0.000000e+00> : vector<256xf32>
    %reduce_sum3A_29 = vector.multi_reduction <add>, %mul3A, %reduce_sum3A [1] : vector<256x8xf32> to vector<256xf32>
    %broadcast_in_dim3A = vector.shape_cast %reduce_sum3A_29 : vector<256xf32> to vector<256x1xf32>
    %convert_element_type3A_30 = arith.fptosi %broadcast_in_dim3A : vector<256x1xf32> to vector<256x1xi32>
    %swap3A = arith.constant 0 : index
    %swap3A_31 = arith.constant 0 : index
    %swap3A_32 = vector.load %arg4[%swap3A, %swap3A_31] : memref<256x1xi32, #tpu.memory_space<vmem>>, vector<256x1xi32>
    tpu.vector_store %arg4[%swap3A, %swap3A_31], %convert_element_type3A_30 {strides = array<i32>} : memref<256x1xi32, #tpu.memory_space<vmem>>, vector<256x1xi32>,
    %add3A_33 = vector.broadcast %add3A_21 : vector<1x8xf32> to vector<256x8xf32>
    %add3A_34 = arith.addf %add3A_33, %dot_general3A_26 : vector<256x8xf32>
    %mul3A_35 = arith.mulf %convert_element_type3A_10, %add3A_34 : vector<256x8xf32>
    %reduce_sum3A_36 = arith.constant dense<0.000000e+00> : vector<256xf32>
    %reduce_sum3A_37 = vector.multi_reduction <add>, %mul3A_35, %reduce_sum3A_36 [1] : vector<256x8xf32> to vector<256xf32>
    %broadcast_in_dim3A_38 = vector.shape_cast %reduce_sum3A_37 : vector<256xf32> to vector<256x1xf32>
    %convert_element_type3A_39 = arith.fptosi %broadcast_in_dim3A_38 : vector<256x1xf32> to vector<256x1xi32>
    %swap3A_40 = arith.constant 0 : index
    %swap3A_41 = arith.constant 0 : index
    %swap3A_42 = vector.load %arg5[%swap3A_40, %swap3A_41] : memref<256x1xi32, #tpu.memory_space<vmem>>, vector<256x1xi32>
    tpu.vector_store %arg5[%swap3A_40, %swap3A_41], %convert_element_type3A_39 {strides = array<i32>} : memref<256x1xi32, #tpu.memory_space<vmem>>, vector<256x1xi32>,
    %get3A_43 = arith.constant 1 : index
    %get3A_44 = arith.constant 0 : index
    %get3A_45 = vector.load %arg7[%get3A_43, %get3A_44] : memref<2x8xf32, #tpu.memory_space<vmem>>, vector<1x8xf32>
    %reduce_sum3A_46 = arith.constant dense<0.000000e+00> : vector<8xf32>
    %reduce_sum3A_47 = vector.multi_reduction <add>, %add3A, %reduce_sum3A_46 [0] : vector<256x8xf32> to vector<8xf32>
    %broadcast_in_dim3A_48 = vector.shape_cast %reduce_sum3A_47 : vector<8xf32> to vector<1x8xf32>
    %add3A_49 = arith.addf %get3A_45, %broadcast_in_dim3A_48 : vector<1x8xf32>
    %swap3A_50 = arith.constant 1 : index
    %swap3A_51 = arith.constant 0 : index
    %swap3A_52 = vector.load %arg7[%swap3A_50, %swap3A_51] : memref<2x8xf32, #tpu.memory_space<vmem>>, vector<1x8xf32>
    tpu.vector_store %arg7[%swap3A_50, %swap3A_51], %add3A_49 {strides = array<i32>} : memref<2x8xf32, #tpu.memory_space<vmem>>, vector<1x8xf32>,
    return
  }
  func.func @transform_0(%arg0: i32) -> (i32, i32) {
    %c0_i32 = arith.constant 0 : i32
    %c0_i32_0 = arith.constant 0 : i32
    return %arg0, %c0_i32 : i32, i32
  }
  func.func @transform_1(%arg0: i32) -> (i32, i32) {
    %c0_i32 = arith.constant 0 : i32
    %c0_i32_0 = arith.constant 0 : i32
    return %arg0, %c0_i32 : i32, i32
  }
  func.func @transform_2(%arg0: i32) -> (i32, i32) {
    %c0_i32 = arith.constant 0 : i32
    %c0_i32_0 = arith.constant 0 : i32
    %c0_i32_1 = arith.constant 0 : i32
    return %c0_i32, %c0_i32_0 : i32, i32
  }
  func.func @transform_3(%arg0: i32) -> (i32, i32) {
    %c0_i32 = arith.constant 0 : i32
    %c0_i32_0 = arith.constant 0 : i32
    return %arg0, %c0_i32 : i32, i32
  }
  func.func @transform_4(%arg0: i32) -> (i32, i32) {
    %c0_i32 = arith.constant 0 : i32
    %c0_i32_0 = arith.constant 0 : i32
    return %arg0, %c0_i32 : i32, i32
  }
  func.func @transform_5(%arg0: i32) -> (i32, i32) {
    %c0_i32 = arith.constant 0 : i32
    %c0_i32_0 = arith.constant 0 : i32
    %c0_i32_1 = arith.constant 0 : i32
    return %c0_i32, %c0_i32_0 : i32, i32
  }
}

module attributes {stable_mosaic.version = 14 : i64} {
  func.func @_moe_mm_kernel(%arg0: i32, %arg1: memref<128xi32, #tpu.memory_space<smem>>, %arg2: memref<256x768xf32, #tpu.memory_space<vmem>>, %arg3: memref<1x768x1024xf32, #tpu.memory_space<vmem>>, %arg4: memref<1x1024x768xf32, #tpu.memory_space<vmem>>, %arg5: memref<256x768xf32, #tpu.memory_space<vmem>>) attributes {dimension_semantics = [#tpu.dimension_semantics<arbitrary>], iteration_bounds = array<i64: 24>, scalar_prefetch = 1 : i64, scratch_operands = 0 : i64, tpu.core_type = #tpu.core_type<tc>, window_params = [{transform_indices = @transform_0, window_bounds = array<i64: 256, 768>}, {transform_indices = @transform_1, window_bounds = array<i64: 1, 768, 1024>}, {transform_indices = @transform_2, window_bounds = array<i64: 1, 1024, 768>}, {transform_indices = @transform_3, window_bounds = array<i64: 256, 768>}]} {
    %get3A = arith.index_cast %arg0 : i32 to index
    %get3A_0 = memref.load %arg1[%get3A] : memref<128xi32, #tpu.memory_space<smem>>
    %lt3A = arith.constant 8 : i32
    %lt3A_1 = arith.cmpi slt, %get3A_0, %lt3A : i32
    %convert_element_type3A = arith.extui %lt3A_1 : i1 to i32
    %cond3A = arith.constant 0 : i32
    %cond3A_2 = arith.cmpi ne, %convert_element_type3A, %cond3A : i32
    scf.if %cond3A_2 {
      %get3A_3 = arith.constant 0 : index
      %get3A_4 = arith.constant 0 : index
      %get3A_5 = vector.load %arg2[%get3A_3, %get3A_4] : memref<256x768xf32, #tpu.memory_space<vmem>>, vector<256x768xf32>
      %get3A_6 = arith.constant 0 : index
      %get3A_7 = arith.constant 0 : index
      %get3A_8 = arith.constant 0 : index
      %get3A_9 = vector.load %arg3[%get3A_6, %get3A_7, %get3A_8] : memref<1x768x1024xf32, #tpu.memory_space<vmem>>, vector<1x768x1024xf32>
      %get3A_10 = vector.shape_cast %get3A_9 : vector<1x768x1024xf32> to vector<768x1024xf32>
      %dot_general3A = arith.constant dense<0.000000e+00> : vector<256x1024xf32>
      %dot_general3A_11 = tpu.matmul %get3A_5, %get3A_10, %dot_general3A {dimension_numbers = #tpu.dot_dimension_numbers<[1], [0], [0], [1], [0, 0, 1, 1], [], []>, transpose_lhs_hint = false} : vector<256x768xf32>, vector<768x1024xf32>, vector<256x1024xf32> -> vector<256x1024xf32>
      %integer_pow3A = arith.mulf %dot_general3A_11, %dot_general3A_11 : vector<256x1024xf32>
      %integer_pow3A_12 = arith.mulf %dot_general3A_11, %integer_pow3A : vector<256x1024xf32>
      %mul3A = arith.constant 4.471500e-02 : f32
      %mul3A_13 = vector.broadcast %mul3A : f32 to vector<256x1024xf32>
      %mul3A_14 = arith.mulf %mul3A_13, %integer_pow3A_12 : vector<256x1024xf32>
      %add3A = arith.addf %dot_general3A_11, %mul3A_14 : vector<256x1024xf32>
      %mul3A_15 = arith.constant 0.797884583 : f32
      %mul3A_16 = vector.broadcast %mul3A_15 : f32 to vector<256x1024xf32>
      %mul3A_17 = arith.mulf %mul3A_16, %add3A : vector<256x1024xf32>
      %tanh3A = math.tanh %mul3A_17 : vector<256x1024xf32>
      %add3A_18 = arith.constant 1.000000e+00 : f32
      %add3A_19 = vector.broadcast %add3A_18 : f32 to vector<256x1024xf32>
      %add3A_20 = arith.addf %add3A_19, %tanh3A : vector<256x1024xf32>
      %mul3A_21 = arith.constant 5.000000e-01 : f32
      %mul3A_22 = vector.broadcast %mul3A_21 : f32 to vector<256x1024xf32>
      %mul3A_23 = arith.mulf %mul3A_22, %add3A_20 : vector<256x1024xf32>
      %mul3A_24 = arith.mulf %dot_general3A_11, %mul3A_23 : vector<256x1024xf32>
      %get3A_25 = arith.constant 0 : index
      %get3A_26 = arith.constant 0 : index
      %get3A_27 = arith.constant 0 : index
      %get3A_28 = vector.load %arg4[%get3A_25, %get3A_26, %get3A_27] : memref<1x1024x768xf32, #tpu.memory_space<vmem>>, vector<1x1024x768xf32>
      %get3A_29 = vector.shape_cast %get3A_28 : vector<1x1024x768xf32> to vector<1024x768xf32>
      %dot_general3A_30 = arith.constant dense<0.000000e+00> : vector<256x768xf32>
      %dot_general3A_31 = tpu.matmul %mul3A_24, %get3A_29, %dot_general3A_30 {dimension_numbers = #tpu.dot_dimension_numbers<[1], [0], [0], [1], [0, 0, 1, 1], [], []>, transpose_lhs_hint = false} : vector<256x1024xf32>, vector<1024x768xf32>, vector<256x768xf32> -> vector<256x768xf32>
      %swap3A = arith.constant 0 : index
      %swap3A_32 = arith.constant 0 : index
      %swap3A_33 = vector.load %arg5[%swap3A, %swap3A_32] : memref<256x768xf32, #tpu.memory_space<vmem>>, vector<256x768xf32>
      tpu.vector_store %arg5[%swap3A, %swap3A_32], %dot_general3A_31 {strides = array<i32>} : memref<256x768xf32, #tpu.memory_space<vmem>>, vector<256x768xf32>,
    } else {
    }
    return
  }
  func.func @transform_0(%arg0: i32, %arg1: memref<128xi32, #tpu.memory_space<smem>>) -> (i32, i32) {
    %c0_i32 = arith.constant 0 : i32
    %c0_i32_0 = arith.constant 0 : i32
    return %arg0, %c0_i32 : i32, i32
  }
  func.func @transform_1(%arg0: i32, %arg1: memref<128xi32, #tpu.memory_space<smem>>) -> (i32, i32, i32) {
    %get3A = arith.index_cast %arg0 : i32 to index
    %get3A_0 = memref.load %arg1[%get3A] : memref<128xi32, #tpu.memory_space<smem>>
    %min3A = arith.constant 7 : i32
    %min3A_1 = arith.minsi %get3A_0, %min3A : i32
    %c0_i32 = arith.constant 0 : i32
    %c0_i32_2 = arith.constant 0 : i32
    %c0_i32_3 = arith.constant 0 : i32
    return %min3A_1, %c0_i32, %c0_i32_2 : i32, i32, i32
  }
  func.func @transform_2(%arg0: i32, %arg1: memref<128xi32, #tpu.memory_space<smem>>) -> (i32, i32, i32) {
    %get3A = arith.index_cast %arg0 : i32 to index
    %get3A_0 = memref.load %arg1[%get3A] : memref<128xi32, #tpu.memory_space<smem>>
    %min3A = arith.constant 7 : i32
    %min3A_1 = arith.minsi %get3A_0, %min3A : i32
    %c0_i32 = arith.constant 0 : i32
    %c0_i32_2 = arith.constant 0 : i32
    %c0_i32_3 = arith.constant 0 : i32
    return %min3A_1, %c0_i32, %c0_i32_2 : i32, i32, i32
  }
  func.func @transform_3(%arg0: i32, %arg1: memref<128xi32, #tpu.memory_space<smem>>) -> (i32, i32) {
    %c0_i32 = arith.constant 0 : i32
    %c0_i32_0 = arith.constant 0 : i32
    return %arg0, %c0_i32 : i32, i32
  }
}

module attributes {stable_mosaic.version = 14 : i64} {
  func.func @_combine_kernel(%arg0: i32, %arg1: memref<256x768xf32, #tpu.memory_space<vmem>>, %arg2: memref<256x768xf32, #tpu.memory_space<vmem>>, %arg3: memref<256x768xf32, #tpu.memory_space<vmem>>, %arg4: memref<256x1xf32, #tpu.memory_space<vmem>>, %arg5: memref<256x1xf32, #tpu.memory_space<vmem>>, %arg6: memref<256x768xf32, #tpu.memory_space<vmem>>) attributes {dimension_semantics = [#tpu.dimension_semantics<arbitrary>], iteration_bounds = array<i64: 8>, scalar_prefetch = 0 : i64, scratch_operands = 0 : i64, tpu.core_type = #tpu.core_type<tc>, window_params = [{transform_indices = @transform_0, window_bounds = array<i64: 256, 768>}, {transform_indices = @transform_1, window_bounds = array<i64: 256, 768>}, {transform_indices = @transform_2, window_bounds = array<i64: 256, 768>}, {transform_indices = @transform_3, window_bounds = array<i64: 256, 1>}, {transform_indices = @transform_4, window_bounds = array<i64: 256, 1>}, {transform_indices = @transform_5, window_bounds = array<i64: 256, 768>}]} {
    %get3A = arith.constant 0 : index
    %get3A_0 = arith.constant 0 : index
    %get3A_1 = vector.load %arg1[%get3A, %get3A_0] : memref<256x768xf32, #tpu.memory_space<vmem>>, vector<256x768xf32>
    %get3A_2 = arith.constant 0 : index
    %get3A_3 = arith.constant 0 : index
    %get3A_4 = vector.load %arg4[%get3A_2, %get3A_3] : memref<256x1xf32, #tpu.memory_space<vmem>>, vector<256x1xf32>
    %get3A_5 = arith.constant 0 : index
    %get3A_6 = arith.constant 0 : index
    %get3A_7 = vector.load %arg2[%get3A_5, %get3A_6] : memref<256x768xf32, #tpu.memory_space<vmem>>, vector<256x768xf32>
    %mul3A = vector.broadcast %get3A_4 : vector<256x1xf32> to vector<256x768xf32>
    %mul3A_8 = arith.mulf %mul3A, %get3A_7 : vector<256x768xf32>
    %add3A = arith.addf %get3A_1, %mul3A_8 : vector<256x768xf32>
    %get3A_9 = arith.constant 0 : index
    %get3A_10 = arith.constant 0 : index
    %get3A_11 = vector.load %arg5[%get3A_9, %get3A_10] : memref<256x1xf32, #tpu.memory_space<vmem>>, vector<256x1xf32>
    %get3A_12 = arith.constant 0 : index
    %get3A_13 = arith.constant 0 : index
    %get3A_14 = vector.load %arg3[%get3A_12, %get3A_13] : memref<256x768xf32, #tpu.memory_space<vmem>>, vector<256x768xf32>
    %mul3A_15 = vector.broadcast %get3A_11 : vector<256x1xf32> to vector<256x768xf32>
    %mul3A_16 = arith.mulf %mul3A_15, %get3A_14 : vector<256x768xf32>
    %add3A_17 = arith.addf %add3A, %mul3A_16 : vector<256x768xf32>
    %swap3A = arith.constant 0 : index
    %swap3A_18 = arith.constant 0 : index
    %swap3A_19 = vector.load %arg6[%swap3A, %swap3A_18] : memref<256x768xf32, #tpu.memory_space<vmem>>, vector<256x768xf32>
    tpu.vector_store %arg6[%swap3A, %swap3A_18], %add3A_17 {strides = array<i32>} : memref<256x768xf32, #tpu.memory_space<vmem>>, vector<256x768xf32>,
    return
  }
  func.func @transform_0(%arg0: i32) -> (i32, i32) {
    %c0_i32 = arith.constant 0 : i32
    %c0_i32_0 = arith.constant 0 : i32
    return %arg0, %c0_i32 : i32, i32
  }
  func.func @transform_1(%arg0: i32) -> (i32, i32) {
    %c0_i32 = arith.constant 0 : i32
    %c0_i32_0 = arith.constant 0 : i32
    return %arg0, %c0_i32 : i32, i32
  }
  func.func @transform_2(%arg0: i32) -> (i32, i32) {
    %c0_i32 = arith.constant 0 : i32
    %c0_i32_0 = arith.constant 0 : i32
    return %arg0, %c0_i32 : i32, i32
  }
  func.func @transform_3(%arg0: i32) -> (i32, i32) {
    %c0_i32 = arith.constant 0 : i32
    %c0_i32_0 = arith.constant 0 : i32
    return %arg0, %c0_i32 : i32, i32
  }
  func.func @transform_4(%arg0: i32) -> (i32, i32) {
    %c0_i32 = arith.constant 0 : i32
    %c0_i32_0 = arith.constant 0 : i32
    return %arg0, %c0_i32 : i32, i32
  }
  func.func @transform_5(%arg0: i32) -> (i32, i32) {
    %c0_i32 = arith.constant 0 : i32
    %c0_i32_0 = arith.constant 0 : i32
    return %arg0, %c0_i32 : i32, i32
  }
}

</mosaic_0001>

<sc_bundles>
// kernel: kernel.10.cloned.1.call-start
scs
__scs_entry_jumppad:
0x0: {  	(pc) =	sbr.rel $0x88, $3  }
0x1: {  	(tag) =	ssettag $0x0;
	lr =	simm.s32 $0x1  }
0x2: {  	[smem:$0x3F99] =	sst lr;
	_ =	strace $0xD0000000  }
0x3: {  	_ = 	snop  }
0x4: {  	_ = 	snop  }
0x5: {  	_ = 	snop  }
0x6: {  	_ = 	snop  }
0x7: {  	_ = 	snop  }
__scs_overlays_trampoline_lowered:
0x8: {  	[smem:$0x3FA8] =	sst s0  }
0x9: {  	[smem:$0x3FA9] =	sst s1  }
0xa: {  	[smem:$0x3FAA] =	sst s2  }
0xb: {  	[smem:$0x3FAB] =	sst s3  }
0xc: {  	[smem:$0x3FAC] =	sst s4  }
0xd: {  	[smem:$0x3FAD] =	sst s5  }
0xe: {  	[smem:$0x3FAE] =	sst s6  }
0xf: {  	[smem:$0x3FAF] =	sst s7  }
0x10: {  	[smem:$0x3FB0] =	sst s8  }
0x11: {  	[smem:$0x3FB1] =	sst s9;
	s0 =	simm.s32 @!p0 $0x0  }
0x12: {  	s1 =	sld [smem:$0x3F97];
	s0 =	simm.s32 @p0 $0x1  }
0x13: {  	[smem:$0x3FB2] =	sst s0;
	s0 =	simm.s32 @!p1 $0x0  }
0x14: {  	s2 =	sld [smem:$0x3F96];
	s0 =	simm.s32 @p1 $0x1  }
0x15: {  	[smem:$0x3FB3] =	sst s0;
	s0 =	simm.s32 @!p2 $0x0  }
0x16: {  	s3 =	sld [smem:$0x3FDB];
	s0 =	simm.s32 @p2 $0x1  }
0x17: {  	s4 =	simm.s32 $0x1BF5;
	[smem:$0x3FB5] =	sst s0  }
0x18: {  	s0 =	sld [smem:$0x3F98];
	_ =	swait.ge [sflag:s4], $0x0  }
0x19: {  	s7 =	sld [smem:$0x3F99]  }
0x1a: {  	s8 =	sadd.s32 $0xFFFFE003, lr  }
0x1b: {  	s9 =	sadd.s32 $0xFFFFFEF7, lr;
	s5 =	simm.s32 $0xFFFFFFFF;
	p2 =	slt.u32 s8, $0xFFFFF086  }
0x1c: {  	p1 =	slt.u32 s9, $0xF7A;
	s5 =	simm.s32 @!p2 $0x0  }
0x1d: {  	s5 =	simm.s32 @p1 $0x1;
	p0 =	seq.s32 s7, s2  }
0x1e: {  	s7 =	smul.u32 @!p0 $0xF7A, s2;
	p2 =	seq.s32 @!p0 s5, $0x0  }
0x1f: {  	s9 =	smul.u32 $0xF7A, s1;
	s8 =	simm.s32 @!p0 $0x1BF5;
	p2 =	por !p2, p0  }
0x20: {  	[sflag:s8] =	ssyncset.s32 @!p0 $0xFFFFF086;
	s6 =	sadd.s32 @!p0 s3, s7;
	s7 =	simm.s32 @!p0 $0x108  }
0x21: {  	s3 =	sadd.s32 s3, s9;
	s6 =	sadd.s32 @!p0 $0x88, s6;
	s7 =	simm.s32 @p2 $0x1082  }
0x22: {  	[simem:s7], [sflag:s8] =	dma.local @!p0 [hbm:s6], $0xF7A  }
0x23: {  	s9 =	sor.u32 $0xD0000000, s2;
	s6 =	simm.s32 $0x108;
	_ =	swait.ge @!p0 [sflag:s8], $0x0  }
0x24: {  	s3 =	sadd.s32 $0x88, s3;
	s6 =	simm.s32 @!p1 $0x1082;
	[sflag:s4] =	ssyncset.s32 $0xFFFFF086  }
0x25: {  	[simem:s6], [sflag:s4] =	dma.local [hbm:s3], $0xF7A  }
0x26: {  	[smem:$0x3F99] =	sst s1;
	(tag) =	ssettag s2;
	_ =	strace s9  }
0x27: {  	s1 =	sld [smem:$0x3FA9]  }
0x28: {  	s2 =	sld [smem:$0x3FAA]  }
0x29: {  	s4 =	sld [smem:$0x3FAC]  }
0x2a: {  	p0 =	seq.s32 s5, $0x0;
	s5 =	sld [smem:$0x3FAD]  }
0x2b: {  	s6 =	sld [smem:$0x3FAE]  }
0x2c: {  	s7 =	sld [smem:$0x3FAF]  }
0x2d: {  	s3 =	simm.s32 $0x108;
	s8 =	sld [smem:$0x3FB0]  }
0x2e: {  	s3 =	simm.s32 @!p0 $0x1082;
	s9 =	sld [smem:$0x3FB1]  }
0x2f: {  	lr =	sadd.s32 s0, s3;
	s0 =	sld [smem:$0x3FA8]  }
0x30: {  	s3 =	sld [smem:$0x3FAB]  }
0x31: {  	[smem:$0x3FB4] =	sst s10  }
0x32: {  	s10 =	sld [smem:$0x3FB2];
	_ =	sdelay $0x3  }
0x33: {  	p0 =	seq.s32 s10, $0x1;
	s10 =	sld [smem:$0x3FB4];
	_ =	sdelay $0x3  }
0x34: {  	[smem:$0x3FB4] =	sst s10  }
0x35: {  	s10 =	sld [smem:$0x3FB3];
	_ =	sdelay $0x3  }
0x36: {  	p1 =	seq.s32 s10, $0x1;
	s10 =	sld [smem:$0x3FB4];
	_ =	sdelay $0x3  }
0x37: {  	[smem:$0x3FB4] =	sst s10  }
0x38: {  	s10 =	sld [smem:$0x3FB5]  }
0x39: {  	_ = 	snop;
	(pc) =	sbr.ind lr, $3  }
0x3a: {  	_ = 	snop  }
0x3b: {  	_ = 	snop  }
0x3c: {  	p2 =	seq.s32 s10, $0x1;
	s10 =	sld [smem:$0x3FB4]  }
0x3d: {  	_ =	shalt  }
0x3e: {  	_ =	shalt  }
0x3f: {  	_ =	shalt  }
0x40: {  	_ =	shalt  }
0x41: {  	_ =	shalt  }
0x42: {  	_ =	shalt  }
0x43: {  	_ =	shalt  }
0x44: {  	_ =	shalt  }
0x45: {  	_ =	shalt  }
0x46: {  	_ =	shalt  }
0x47: {  	_ =	shalt  }
0x48: {  	_ =	shalt  }
0x49: {  	_ =	shalt  }
0x4a: {  	_ =	shalt  }
0x4b: {  	_ =	shalt  }
0x4c: {  	_ =	shalt  }
0x4d: {  	_ =	shalt  }
0x4e: {  	_ =	shalt  }
0x4f: {  	_ =	shalt  }
0x50: {  	_ =	shalt  }
0x51: {  	_ =	shalt  }
0x52: {  	_ =	shalt  }
0x53: {  	_ =	shalt  }
0x54: {  	_ =	shalt  }
0x55: {  	_ =	shalt  }
0x56: {  	_ =	shalt  }
0x57: {  	_ =	shalt  }
0x58: {  	_ =	shalt  }
0x59: {  	_ =	shalt  }
0x5a: {  	_ =	shalt  }
0x5b: {  	_ =	shalt  }
0x5c: {  	_ =	shalt  }
0x5d: {  	_ =	shalt  }
0x5e: {  	_ =	shalt  }
0x5f: {  	_ =	shalt  }
0x60: {  	_ =	shalt  }
0x61: {  	_ =	shalt  }
0x62: {  	_ =	shalt  }
0x63: {  	_ =	shalt  }
0x64: {  	_ =	shalt  }
0x65: {  	_ =	shalt  }
0x66: {  	_ =	shalt  }
0x67: {  	_ =	shalt  }
0x68: {  	_ =	shalt  }
0x69: {  	_ =	shalt  }
0x6a: {  	_ =	shalt  }
0x6b: {  	_ =	shalt  }
0x6c: {  	_ =	shalt  }
0x6d: {  	_ =	shalt  }
0x6e: {  	_ =	shalt  }
0x6f: {  	_ =	shalt  }
0x70: {  	_ =	shalt  }
0x71: {  	_ =	shalt  }
0x72: {  	_ =	shalt  }
0x73: {  	_ =	shalt  }
0x74: {  	_ =	shalt  }
0x75: {  	_ =	shalt  }
0x76: {  	_ =	shalt  }
0x77: {  	_ =	shalt  }
0x78: {  	_ =	shalt  }
0x79: {  	_ =	shalt  }
0x7a: {  	_ =	shalt  }
0x7b: {  	_ =	shalt  }
0x7c: {  	_ =	shalt  }
0x7d: {  	_ =	shalt  }
0x7e: {  	_ =	shalt  }
0x7f: {  	_ =	shalt  }
0x80: {  	_ =	shalt  }
0x81: {  	_ =	shalt  }
0x82: {  	_ =	shalt  }
0x83: {  	_ =	shalt  }
0x84: {  	_ =	shalt  }
0x85: {  	_ =	shalt  }
0x86: {  	_ =	shalt  }
0x87: {  	_ =	shalt  }
.Lfunc_end0:
.L_simem_size_0:
called_computation_lowered:
.L_overlay_start_0:
0x88: {  	s2 =	sld [smem:$0x3FD9]  }
0x89: {  	s3 =	sld [smem:$0x3FFE];
	_ =	sdelay $0x1  }
0x8a: {  	s1 =	srdreg.scid  }
0x8b: {  	s0 =	sand.u32 $0x1, s1  }
0x8c: {  	s17 =	sshll.u32 s0, $0xA;
	s2 =	sadd.s32 s3, s2  }
0x8d: {  	s2 =	sadd.s32 s2, s17  }
0x8e: {  	[smem:$0x3FC0] =	sst s2  }
0x8f: {  	_ = 	snop  }
0x90: {  	s2 =	sld [smem:$0x3FD0];
	(tm) =	ssettm $0x1  }
0x91: {  	s18 =	sld [smem:$0x3FFB];
	_ =	sdelay $0x3  }
0x92: {  	_ =	strace s18  }
0x93: {  	s3 =	sld [smem:$0x3FFC];
	_ =	sdelay $0x3  }
0x94: {  	_ =	strace s3  }
0x95: {  	s3 =	sld [smem:$0x3FFD];
	_ =	sdelay $0x3  }
0x96: {  	_ =	strace s3  }
0x97: {  	_ =	strace $0x8FFFFFFF  }
0x98: {  	s19 =	sld [smem:$0x3FDB];
	_ =	sdelay $0x1  }
0x99: {  	s4 =	simm.s32 $_scs_section_size  }
0x9a: {  	s5 =	simm.s32 $_size__tile_overlayer_lowered;
	s6 =	simm.s32 $_tile_overlayer_lowered  }
0x9b: {  	s22 =	simm.s32 $0x1BFF;
	s21 =	sshll.u32 s6, $0x1;
	s3 =	sadd.s32 s4, s19  }
0x9c: {  	s7 =	simm.s32 $0x0;
	s20 =	sshll.u32 s5, $0x1;
	s5 =	sadd.s32 s21, s3  }
0x9d: {  	[timem:s7], [sflag:s22] =	dma.local [hbm:s5], s20  }
0x9e: {  	_ =	swait.ge [sflag:s22], s20  }
0x9f: {  	s4 =	ssub.s32 $0x0, s20;
	[sflag:s22] =	ssyncset.done $0x0  }
0xa0: {  	[sflag:s22] =	ssyncadd.s32 s4;
	_ =	sdelay $0x1  }
0xa1: {  	s23 =	simm.s32 $0x1B8B  }
0xa2: {  	_ =	swait.ge [sflag:s23], $0x1  }
0xa3: {  	[sflag:s23] =	ssyncset.done $0x0  }
0xa4: {  	s25 =	simm.s32 $0x1B8E;
	s24 =	sld [smem:$0x3FFE];
	[sflag:s23] =	ssyncadd.s32 $0xFFFFFFFF  }
0xa5: {  	s26 =	simm.s32 $execute0_lowered;
	[smem:$0x3FD2] =	sst s25  }
0xa6: {  	s5 =	sshll.u32 s26, $0x1;
	_ =	strace $0x80000046;
	[dreg:$0x1] =	wrdreg $0xFFFFFFFF  }
0xa7: {  	s28 =	simm.s32 $_size_execute0_lowered;
	s3 =	sadd.s32 s3, s5;
	[dreg:$0x0] =	wrdreg $0x0  }
0xa8: {  	s5 =	sshll.u32 s28, $0x1;
	[dreg:$0x2] =	wrdreg s3  }
0xa9: {  	[dreg:$0x3] =	wrdreg s5  }
0xaa: {  	[dreg:$0x4] =	wrdreg $0xC0  }
0xab: {  	_ =	task [dreg:s7], $0x5FFFF  }
0xac: {  	[dreg:$0x1] =	wrdreg $0xFFFFFFFF  }
0xad: {  	[dreg:$0x0] =	wrdreg $0x60  }
0xae: {  	[dreg:$0x2] =	wrdreg s2  }
0xaf: {  	[dreg:$0x3] =	wrdreg s24  }
0xb0: {  	[dreg:$0x4] =	wrdreg $0x9  }
0xb1: {  	_ =	task.clear_ibuf [dreg:s7], $0x5FFFF;
	_ =	strace $0x90000046  }
0xb2: {  	s29 =	simm.s32 $0x9;
	_ =	strace $0x80000048  }
0xb3: {  	_ =	swait.ge [sflag:s29], $0x1  }
0xb4: {  	[sflag:s29] =	ssyncadd.s32 $0xFFFFFFFF  }
0xb5: {  	_ =	strace $0x90000048  }
0xb6: {  	_ =	sfence  }
0xb7: {  	s30 =	sld [smem:$0x0];
	_ =	sdelay $0x2  }
0xb8: {  	s31 =	sshll.u32 s1, $0xD;
	s1 =	sshrl.u32 s1, $0x2  }
0xb9: {  	s3 =	sand.u32 $0x4000, s31;
	s1 =	sadd.s32 s1, s30  }
0xba: {  	s0 =	sor.u32 s3, s0;
	s1 =	sshll.u32 s1, $0x11  }
0xbb: {  	s0 =	sor.u32 s1, s0  }
0xbc: {  	s0 =	sadd.s32 $0x8F2B, s0  }
0xbd: {  	[sflag:s0] =	ssyncadd.remote.s32 $0x1  }
0xbe: {  	_ =	sfence.sel $0xFFFF  }
0xbf: {  	[dreg:$0x0] =	wrdreg $0xFFFFFFFF;
	(pc) =	sbr.abs _section_cstart, $3  }
0xc0: {  	[dreg:$0x1] =	wrdreg $0xFFFFFFFF  }
0xc1: {  	_ =	task.clear_ibuf [dreg:s7], $0x2FFFF;
	_ =	strace $0x9FFFFFFF  }
0xc2: {  	(tm) =	ssettm $0x7FFFFFFF  }
0xc3: {  	_ =	shalt  }
tec
execute0_lowered:
.L_overlay_start_1:
0x0: {  	(tag) =	ssettag $0x1  }
0x1: {  	s0 =	srdreg.scid;
	s1 =	rddreg [dreg:$0x0]  }
0x2: {  	s2 =	stileid.u32;
	s5 =	rddreg [dreg:$0x1]  }
0x3: {  	s26 =	simm.s32 $0x80;
	s7 =	simm.s32 $0x100;
	s8 =	simm.s32 $0x2  }
0x4: {  	s11 =	simm.s32 $0x1900;
	s12 =	simm.s32 $0x2100;
	s13 =	simm.s32 $0x2900  }
0x5: {  	s14 =	simm.s32 $0x3100;
	s15 =	simm.s32 $0x3900;
	s16 =	simm.s32 $0x4100  }
0x6: {  	s17 =	simm.s32 $0x4900;
	s18 =	simm.s32 $0x5100;
	s19 =	simm.s32 $0x5900  }
0x7: {  	s20 =	simm.s32 $0x6100;
	s21 =	simm.s32 $0x6900;
	s22 =	simm.s32 $0x7100  }
0x8: {  	s28 =	simm.s32 $0x9900;
	s29 =	simm.s32 $0xA100;
	s30 =	simm.s32 $0xA900  }
0x9: {  	s0 =	sand.u32 $0x1, s0;
	s3 =	sshll.u32 s2, $0x4;
	s2 =	simm.s32 $0x0  }
0xa: {  	s31 =	simm.s32 $0xB100;
	s4 =	sshll.u32 s0, $0x3;
	[smem:$0x7FF] =	sst s2  }
0xb: {  	s0 =	ssub.s32 $0x2, s0;
	s3 =	sor.u32 s4, s3;
	_ =	strace $0x80000047  }
0xc: {  	s24 =	sshrl.u32 s0, $0x1;
	[dreg:$0x6] =	wrdreg s26;
	s26 =	simm.s32 $0x9100  }
0xd: {  	s4 =	smul.u32 $0x300, s3;
	s6 =	sadd.s32 s3, s5;
	s3 =	sadd.s32 $0x1C00, s5  }
0xe: {  	s0 =	ssub.s32 s0, s24;
	s24 =	simm.s32 $0x8100;
	s23 =	sadd.s32 $0x1800, s6  }
0xf: {  	s25 =	sadd.s32 $0x1A00, s6;
	s6 =	smax.u32 s0, $0x1;
	[dreg:$0x4] =	wrdreg s23  }
0x10: {  	v2 =	vlaneseq.u32;
	s0 =	simm.s32 $0x1;
	s1 =	sadd.s32 s1, s4;
	[dreg:$0x5] =	wrdreg s25  }
0x11: {  	vm0 =	vmmov $0xffff;
	v1 =	vshrl.u32 v2, $0x3;
	s4 =	sadd.s32 $0x1D00, s5;
	s5 =	sadd.s32 $0x1E00, s5;
	s23 =	simm.s32 $0x7900  }
0x12: {  	v0 =	vand.u32 $0x7, v2;
	v2 =	vor.u32 $0x8, v2;
	v1 =	vmul.u32 $0x8, v1;
	s25 =	simm.s32 $0x8900;
	[dreg:$0x3] =	wrdreg s1;
	s1 =	simm.s32 $0xB900  }
.LBB2_1:
0x13: {  	s9 =	rddreg [dreg:$0x3]  }
0x14: {  	[tilespmem:s7], [sflag:$0x2] =	stream.linear.gather [hbm4b:s9+s2], $0xC000, $0x38;
	[tilespmem:$0xC100] =	vst v63  }
0x15: {  	_ =	swait.ge [sflag:s8], $0xC000  }
0x16: {  	[sflag:s8] =	ssyncset.done $0x0  }
0x17: {  	s10 =	rddreg [dreg:$0x4];
	[sflag:s8] =	ssyncadd.s32 $0xFFFF4000  }
0x18: {  	[tilespmem:s2], [sflag:$0x2] =	stream.linear.gather [hbm4b:s10+s2], $0x40, $0x38;
	[tilespmem:$0xC100] =	vst v63  }
0x19: {  	_ =	swait.ge [sflag:s8], $0x40  }
0x1a: {  	s9 =	rddreg [dreg:$0x5];
	[sflag:s8] =	ssyncset.done $0x0  }
0x1b: {  	s10 =	rddreg [dreg:$0x6];
	[sflag:s8] =	ssyncadd.s32 $0xFFFFFFC0  }
0x1c: {  	[tilespmem:s10], [sflag:$0x2] =	stream.linear.gather [hbm4b:s9+s2], $0x40, $0x38;
	[tilespmem:$0xC100] =	vst v63  }
0x1d: {  	_ =	swait.ge [sflag:s8], $0x40  }
0x1e: {  	[sflag:s8] =	ssyncset.done $0x0  }
0x1f: {  	[sflag:s8] =	ssyncadd.s32 $0xFFFFFFC0  }
0x20: {  	v3 =	vld [tilespmem:$0x0];
	_ =	sdelay $0x4  }
0x21: {  	v4 =	vshrl.u32 v3, $0x3  }
0x22: {  	v4 =	vmul.u32 $0x30, v4  }
0x23: {  	v3 =	vand.u32 $0x7, v3  }
0x24: {  	v3 =	vor.u32 v3, v4  }
0x25: {  	v4 =	vperm.xlane v3, v0;
	_ =	sdelay $0x1  }
0x26: {  	v4 =	vadd.s32 v1, v4;
	_ =	sdelay $0x3  }
0x27: {  	v3 =	vperm.xlane v3, v2  }
0x28: {  	[hbm4b:s3+s2] =	stream.indirect_vreg.scatter [tilespmem:s7], [sflag:$0x1], $0x80, v4, vm0, $0xb8;
	[tilespmem:$0xC100] =	vst v63  }
0x29: {  	s9 =	simm.s32 $0x900;
	v3 =	vadd.s32 v1, v3  }
0x2a: {  	[hbm4b:s4+s2] =	stream.indirect_vreg.scatter [tilespmem:s9], [sflag:$0x1], $0x80, v4, vm0, $0xb8;
	[tilespmem:$0xC100] =	vst v63  }
0x2b: {  	s10 =	simm.s32 $0x1100  }
0x2c: {  	[hbm4b:s5+s2] =	stream.indirect_vreg.scatter [tilespmem:s10], [sflag:$0x1], $0x80, v4, vm0, $0xb8;
	[tilespmem:$0xC100] =	vst v63  }
0x2d: {  	_ = 	snop  }
0x2e: {  	[hbm4b:s3+s2] =	stream.indirect_vreg.scatter [tilespmem:s11], [sflag:$0x1], $0x80, v3, vm0, $0xb8;
	[tilespmem:$0xC100] =	vst v63  }
0x2f: {  	_ = 	snop  }
0x30: {  	[hbm4b:s4+s2] =	stream.indirect_vreg.scatter [tilespmem:s12], [sflag:$0x1], $0x80, v3, vm0, $0xb8;
	[tilespmem:$0xC100] =	vst v63  }
0x31: {  	_ = 	snop  }
0x32: {  	[hbm4b:s5+s2] =	stream.indirect_vreg.scatter [tilespmem:s13], [sflag:$0x1], $0x80, v3, vm0, $0xb8;
	[tilespmem:$0xC100] =	vst v63  }
0x33: {  	v3 =	vld [tilespmem:$0x10];
	_ =	sdelay $0x4  }
0x34: {  	v57 =	vshrl.u32 v3, $0x3  }
0x35: {  	v4 =	vmul.u32 $0x30, v57  }
0x36: {  	v3 =	vand.u32 $0x7, v3  }
0x37: {  	v3 =	vor.u32 v3, v4  }
0x38: {  	v4 =	vperm.xlane v3, v0;
	_ =	sdelay $0x1  }
0x39: {  	v4 =	vadd.s32 v1, v4;
	_ =	sdelay $0x3  }
0x3a: {  	v3 =	vperm.xlane v3, v2  }
0x3b: {  	[hbm4b:s3+s2] =	stream.indirect_vreg.scatter [tilespmem:s14], [sflag:$0x1], $0x80, v4, vm0, $0xb8;
	[tilespmem:$0xC100] =	vst v63  }
0x3c: {  	v3 =	vadd.s32 v1, v3  }
0x3d: {  	[hbm4b:s4+s2] =	stream.indirect_vreg.scatter [tilespmem:s15], [sflag:$0x1], $0x80, v4, vm0, $0xb8;
	[tilespmem:$0xC100] =	vst v63  }
0x3e: {  	_ = 	snop  }
0x3f: {  	[hbm4b:s5+s2] =	stream.indirect_vreg.scatter [tilespmem:s16], [sflag:$0x1], $0x80, v4, vm0, $0xb8;
	[tilespmem:$0xC100] =	vst v63  }
0x40: {  	_ = 	snop  }
0x41: {  	[hbm4b:s3+s2] =	stream.indirect_vreg.scatter [tilespmem:s17], [sflag:$0x1], $0x80, v3, vm0, $0xb8;
	[tilespmem:$0xC100] =	vst v63  }
0x42: {  	_ = 	snop  }
0x43: {  	[hbm4b:s4+s2] =	stream.indirect_vreg.scatter [tilespmem:s18], [sflag:$0x1], $0x80, v3, vm0, $0xb8;
	[tilespmem:$0xC100] =	vst v63  }
0x44: {  	_ = 	snop  }
0x45: {  	[hbm4b:s5+s2] =	stream.indirect_vreg.scatter [tilespmem:s19], [sflag:$0x1], $0x80, v3, vm0, $0xb8;
	[tilespmem:$0xC100] =	vst v63  }
0x46: {  	v3 =	vld [tilespmem:$0x20];
	_ =	sdelay $0x4  }
0x47: {  	v58 =	vshrl.u32 v3, $0x3  }
0x48: {  	v4 =	vmul.u32 $0x30, v58  }
0x49: {  	v3 =	vand.u32 $0x7, v3  }
0x4a: {  	v3 =	vor.u32 v3, v4  }
0x4b: {  	v4 =	vperm.xlane v3, v0;
	_ =	sdelay $0x1  }
0x4c: {  	v4 =	vadd.s32 v1, v4;
	_ =	sdelay $0x3  }
0x4d: {  	v3 =	vperm.xlane v3, v2  }
0x4e: {  	[hbm4b:s3+s2] =	stream.indirect_vreg.scatter [tilespmem:s20], [sflag:$0x1], $0x80, v4, vm0, $0xb8;
	[tilespmem:$0xC100] =	vst v63  }
0x4f: {  	v3 =	vadd.s32 v1, v3  }
0x50: {  	[hbm4b:s4+s2] =	stream.indirect_vreg.scatter [tilespmem:s21], [sflag:$0x1], $0x80, v4, vm0, $0xb8;
	[tilespmem:$0xC100] =	vst v63  }
0x51: {  	_ = 	snop  }
0x52: {  	[hbm4b:s5+s2] =	stream.indirect_vreg.scatter [tilespmem:s22], [sflag:$0x1], $0x80, v4, vm0, $0xb8;
	[tilespmem:$0xC100] =	vst v63  }
0x53: {  	_ = 	snop  }
0x54: {  	[hbm4b:s3+s2] =	stream.indirect_vreg.scatter [tilespmem:s23], [sflag:$0x1], $0x80, v3, vm0, $0xb8;
	[tilespmem:$0xC100] =	vst v63  }
0x55: {  	_ = 	snop  }
0x56: {  	[hbm4b:s4+s2] =	stream.indirect_vreg.scatter [tilespmem:s24], [sflag:$0x1], $0x80, v3, vm0, $0xb8;
	[tilespmem:$0xC100] =	vst v63  }
0x57: {  	_ = 	snop  }
0x58: {  	[hbm4b:s5+s2] =	stream.indirect_vreg.scatter [tilespmem:s25], [sflag:$0x1], $0x80, v3, vm0, $0xb8;
	[tilespmem:$0xC100] =	vst v63  }
0x59: {  	v3 =	vld [tilespmem:$0x30];
	_ =	sdelay $0x4  }
0x5a: {  	v59 =	vshrl.u32 v3, $0x3  }
0x5b: {  	v4 =	vmul.u32 $0x30, v59  }
0x5c: {  	v3 =	vand.u32 $0x7, v3  }
0x5d: {  	v3 =	vor.u32 v3, v4  }
0x5e: {  	v4 =	vperm.xlane v3, v0;
	_ =	sdelay $0x1  }
0x5f: {  	v4 =	vadd.s32 v1, v4;
	_ =	sdelay $0x3  }
0x60: {  	v3 =	vperm.xlane v3, v2  }
0x61: {  	[hbm4b:s3+s2] =	stream.indirect_vreg.scatter [tilespmem:s26], [sflag:$0x1], $0x80, v4, vm0, $0xb8;
	[tilespmem:$0xC100] =	vst v63  }
0x62: {  	v3 =	vadd.s32 v1, v3  }
0x63: {  	[hbm4b:s4+s2] =	stream.indirect_vreg.scatter [tilespmem:s28], [sflag:$0x1], $0x80, v4, vm0, $0xb8;
	[tilespmem:$0xC100] =	vst v63  }
0x64: {  	_ = 	snop  }
0x65: {  	[hbm4b:s5+s2] =	stream.indirect_vreg.scatter [tilespmem:s29], [sflag:$0x1], $0x80, v4, vm0, $0xb8;
	[tilespmem:$0xC100] =	vst v63  }
0x66: {  	_ = 	snop  }
0x67: {  	[hbm4b:s3+s2] =	stream.indirect_vreg.scatter [tilespmem:s30], [sflag:$0x1], $0x80, v3, vm0, $0xb8;
	[tilespmem:$0xC100] =	vst v63  }
0x68: {  	_ = 	snop  }
0x69: {  	[hbm4b:s4+s2] =	stream.indirect_vreg.scatter [tilespmem:s31], [sflag:$0x1], $0x80, v3, vm0, $0xb8;
	[tilespmem:$0xC100] =	vst v63  }
0x6a: {  	_ = 	snop  }
0x6b: {  	[hbm4b:s5+s2] =	stream.indirect_vreg.scatter [tilespmem:s1], [sflag:$0x1], $0x80, v3, vm0, $0xb8;
	[tilespmem:$0xC100] =	vst v63  }
0x6c: {  	v3 =	vld [tilespmem:$0x80];
	_ =	sdelay $0x4  }
0x6d: {  	v60 =	vshrl.u32 v3, $0x3  }
0x6e: {  	v4 =	vmul.u32 $0x30, v60  }
0x6f: {  	v3 =	vand.u32 $0x7, v3  }
0x70: {  	v3 =	vor.u32 v3, v4  }
0x71: {  	v4 =	vperm.xlane v3, v0;
	_ =	sdelay $0x1  }
0x72: {  	v4 =	vadd.s32 v1, v4;
	_ =	sdelay $0x3  }
0x73: {  	v3 =	vperm.xlane v3, v2  }
0x74: {  	[hbm4b:s3+s2] =	stream.indirect_vreg.scatter [tilespmem:s7], [sflag:$0x1], $0x80, v4, vm0, $0xb8;
	[tilespmem:$0xC100] =	vst v63  }
0x75: {  	v3 =	vadd.s32 v1, v3  }
0x76: {  	[hbm4b:s4+s2] =	stream.indirect_vreg.scatter [tilespmem:s9], [sflag:$0x1], $0x80, v4, vm0, $0xb8;
	[tilespmem:$0xC100] =	vst v63  }
0x77: {  	_ = 	snop  }
0x78: {  	[hbm4b:s5+s2] =	stream.indirect_vreg.scatter [tilespmem:s10], [sflag:$0x1], $0x80, v4, vm0, $0xb8;
	[tilespmem:$0xC100] =	vst v63  }
0x79: {  	_ = 	snop  }
0x7a: {  	[hbm4b:s3+s2] =	stream.indirect_vreg.scatter [tilespmem:s11], [sflag:$0x1], $0x80, v3, vm0, $0xb8;
	[tilespmem:$0xC100] =	vst v63  }
0x7b: {  	_ = 	snop  }
0x7c: {  	[hbm4b:s4+s2] =	stream.indirect_vreg.scatter [tilespmem:s12], [sflag:$0x1], $0x80, v3, vm0, $0xb8;
	[tilespmem:$0xC100] =	vst v63  }
0x7d: {  	_ = 	snop  }
0x7e: {  	[hbm4b:s5+s2] =	stream.indirect_vreg.scatter [tilespmem:s13], [sflag:$0x1], $0x80, v3, vm0, $0xb8;
	[tilespmem:$0xC100] =	vst v63  }
0x7f: {  	v3 =	vld [tilespmem:$0x90];
	_ =	sdelay $0x4  }
0x80: {  	v61 =	vshrl.u32 v3, $0x3  }
0x81: {  	v4 =	vmul.u32 $0x30, v61  }
0x82: {  	v3 =	vand.u32 $0x7, v3  }
0x83: {  	v3 =	vor.u32 v3, v4  }
0x84: {  	v4 =	vperm.xlane v3, v0;
	_ =	sdelay $0x1  }
0x85: {  	v4 =	vadd.s32 v1, v4;
	_ =	sdelay $0x3  }
0x86: {  	v3 =	vperm.xlane v3, v2  }
0x87: {  	[hbm4b:s3+s2] =	stream.indirect_vreg.scatter [tilespmem:s14], [sflag:$0x1], $0x80, v4, vm0, $0xb8;
	[tilespmem:$0xC100] =	vst v63  }
0x88: {  	v3 =	vadd.s32 v1, v3  }
0x89: {  	[hbm4b:s4+s2] =	stream.indirect_vreg.scatter [tilespmem:s15], [sflag:$0x1], $0x80, v4, vm0, $0xb8;
	[tilespmem:$0xC100] =	vst v63  }
0x8a: {  	_ = 	snop  }
0x8b: {  	[hbm4b:s5+s2] =	stream.indirect_vreg.scatter [tilespmem:s16], [sflag:$0x1], $0x80, v4, vm0, $0xb8;
	[tilespmem:$0xC100] =	vst v63  }
0x8c: {  	_ = 	snop  }
0x8d: {  	[hbm4b:s3+s2] =	stream.indirect_vreg.scatter [tilespmem:s17], [sflag:$0x1], $0x80, v3, vm0, $0xb8;
	[tilespmem:$0xC100] =	vst v63  }
0x8e: {  	_ = 	snop  }
0x8f: {  	[hbm4b:s4+s2] =	stream.indirect_vreg.scatter [tilespmem:s18], [sflag:$0x1], $0x80, v3, vm0, $0xb8;
	[tilespmem:$0xC100] =	vst v63  }
0x90: {  	_ = 	snop  }
0x91: {  	[hbm4b:s5+s2] =	stream.indirect_vreg.scatter [tilespmem:s19], [sflag:$0x1], $0x80, v3, vm0, $0xb8;
	[tilespmem:$0xC100] =	vst v63  }
0x92: {  	v3 =	vld [tilespmem:$0xA0];
	_ =	sdelay $0x4  }
0x93: {  	v62 =	vshrl.u32 v3, $0x3  }
0x94: {  	v4 =	vmul.u32 $0x30, v62  }
0x95: {  	v3 =	vand.u32 $0x7, v3  }
0x96: {  	v3 =	vor.u32 v3, v4  }
0x97: {  	v4 =	vperm.xlane v3, v0;
	_ =	sdelay $0x1  }
0x98: {  	v4 =	vadd.s32 v1, v4;
	_ =	sdelay $0x3  }
0x99: {  	v3 =	vperm.xlane v3, v2  }
0x9a: {  	[hbm4b:s3+s2] =	stream.indirect_vreg.scatter [tilespmem:s20], [sflag:$0x1], $0x80, v4, vm0, $0xb8;
	[tilespmem:$0xC100] =	vst v63  }
0x9b: {  	v3 =	vadd.s32 v1, v3  }
0x9c: {  	[hbm4b:s4+s2] =	stream.indirect_vreg.scatter [tilespmem:s21], [sflag:$0x1], $0x80, v4, vm0, $0xb8;
	[tilespmem:$0xC100] =	vst v63  }
0x9d: {  	_ = 	snop  }
0x9e: {  	[hbm4b:s5+s2] =	stream.indirect_vreg.scatter [tilespmem:s22], [sflag:$0x1], $0x80, v4, vm0, $0xb8;
	[tilespmem:$0xC100] =	vst v63  }
0x9f: {  	_ = 	snop  }
0xa0: {  	[hbm4b:s3+s2] =	stream.indirect_vreg.scatter [tilespmem:s23], [sflag:$0x1], $0x80, v3, vm0, $0xb8;
	[tilespmem:$0xC100] =	vst v63  }
0xa1: {  	_ = 	snop  }
0xa2: {  	[hbm4b:s4+s2] =	stream.indirect_vreg.scatter [tilespmem:s24], [sflag:$0x1], $0x80, v3, vm0, $0xb8;
	[tilespmem:$0xC100] =	vst v63  }
0xa3: {  	_ = 	snop  }
0xa4: {  	[hbm4b:s5+s2] =	stream.indirect_vreg.scatter [tilespmem:s25], [sflag:$0x1], $0x80, v3, vm0, $0xb8;
	[tilespmem:$0xC100] =	vst v63  }
0xa5: {  	v3 =	vld [tilespmem:$0xB0];
	_ =	sdelay $0x4  }
0xa6: {  	v63 =	vshrl.u32 v3, $0x3  }
0xa7: {  	v4 =	vmul.u32 $0x30, v63  }
0xa8: {  	v3 =	vand.u32 $0x7, v3  }
0xa9: {  	v3 =	vor.u32 v3, v4  }
0xaa: {  	v4 =	vperm.xlane v3, v0;
	_ =	sdelay $0x1  }
0xab: {  	v4 =	vadd.s32 v1, v4;
	_ =	sdelay $0x3  }
0xac: {  	v3 =	vperm.xlane v3, v2  }
0xad: {  	[hbm4b:s3+s2] =	stream.indirect_vreg.scatter [tilespmem:s26], [sflag:$0x1], $0x80, v4, vm0, $0xb8;
	[tilespmem:$0xC100] =	vst v63  }
0xae: {  	v3 =	vadd.s32 v1, v3  }
0xaf: {  	[hbm4b:s4+s2] =	stream.indirect_vreg.scatter [tilespmem:s28], [sflag:$0x1], $0x80, v4, vm0, $0xb8;
	[tilespmem:$0xC100] =	vst v63  }
0xb0: {  	_ = 	snop  }
0xb1: {  	[hbm4b:s5+s2] =	stream.indirect_vreg.scatter [tilespmem:s29], [sflag:$0x1], $0x80, v4, vm0, $0xb8;
	[tilespmem:$0xC100] =	vst v63  }
0xb2: {  	_ = 	snop  }
0xb3: {  	[hbm4b:s3+s2] =	stream.indirect_vreg.scatter [tilespmem:s30], [sflag:$0x1], $0x80, v3, vm0, $0xb8;
	[tilespmem:$0xC100] =	vst v63  }
0xb4: {  	_ = 	snop  }
0xb5: {  	[hbm4b:s4+s2] =	stream.indirect_vreg.scatter [tilespmem:s31], [sflag:$0x1], $0x80, v3, vm0, $0xb8;
	[tilespmem:$0xC100] =	vst v63  }
0xb6: {  	_ = 	snop  }
0xb7: {  	[hbm4b:s5+s2] =	stream.indirect_vreg.scatter [tilespmem:s1], [sflag:$0x1], $0x80, v3, vm0, $0xb8;
	[tilespmem:$0xC100] =	vst v63  }
0xb8: {  	p0 =	sne.s32 s6, $0x1;
	_ =	swait.ge [sflag:s0], $0xC000  }
.Ltmp0:
0xb9: {  	[sflag:s0] =	ssyncset.done $0x0;
	(pc) =	sbr.rel @p0 .LBB2_1-.Ltmp0, $4  }
0xba: {  	[sflag:s0] =	ssyncadd.s32 $0xFFFF4000  }
0xbb: {  	_ =	swait.ge [sflag:s0], $0xC000  }
0xbc: {  	[sflag:s0] =	ssyncset.done $0x0  }
0xbd: {  	s6 =	sadd.s32 $0xFFFFFFFF, s6;
	[sflag:s0] =	ssyncadd.s32 $0xFFFF4000  }
0xbe: {  	_ =	sfence.sel $0x180000  }
0xbf: {  	[bflag:$0x0] =	sbarrier.arrive $0xFFFF  }
0xc0: {  	_ =	strace $0x90000047  }
0xc1: {  	s0 =	stileid.u32;
	[bflag:$0x2] =	sbarrier.arrive $0xFFFF  }
0xc2: {  	p0 =	sne.s32 s0, $0x0;
	s0 =	rddreg [dreg:$0x2]  }
0xc3: {  	s0 =	sadd.s32 @!p0 $0x100000, s0  }
0xc4: {  	[sflag:s0] =	ssyncadd.tile.s32 @!p0 $0x1;
	_ =	shalt  }
.Lfunc_end2:
_tile_overlayer_lowered:
.L_overlay_start_2:
0xc5: {  	(tag) =	ssettag $0x2  }
0xc6: {  	s0 =	rddreg [dreg:$0x0];
	s2 =	stileid.u32  }
0xc7: {  	s1 =	rddreg [dreg:$0x1];
	p0 =	sne.s32 s2, $0x0  }
0xc8: {  	s3 =	rddreg [dreg:$0x2];
	[bflag:$0x3] =	sbarrier.arrive $0xFFFF;
	s2 =	simm.s32 @!p0 $0x1C02  }
0xc9: {  	[timem:s3], [sflag:s2] =	dma.local @!p0 [hbm:s0], s1  }
0xca: {  	s0 =	simm.s32 @!p0 $0x2  }
0xcb: {  	_ =	swait.ge @!p0 [sflag:s0], s1  }
0xcc: {  	s1 =	ssub.s32 @!p0 $0x0, s1;
	[sflag:s0] =	ssyncset.done @!p0 $0x0  }
0xcd: {  	[sflag:s0] =	ssyncadd.s32 @!p0 s1  }
0xce: {  	[bflag:$0x3] =	sbarrier.arrive $0xFFFF  }
0xcf: {  	_ =	shalt  }

// kernel: kernel.13.cloned.1.call-start
scs
__scs_entry_jumppad:
0x0: {  	(pc) =	sbr.rel $0x88, $3  }
0x1: {  	(tag) =	ssettag $0x0;
	lr =	simm.s32 $0x1  }
0x2: {  	[smem:$0x3F99] =	sst lr;
	_ =	strace $0xD0000000  }
0x3: {  	_ = 	snop  }
0x4: {  	_ = 	snop  }
0x5: {  	_ = 	snop  }
0x6: {  	_ = 	snop  }
0x7: {  	_ = 	snop  }
__scs_overlays_trampoline_lowered:
0x8: {  	[smem:$0x3FA8] =	sst s0  }
0x9: {  	[smem:$0x3FA9] =	sst s1  }
0xa: {  	[smem:$0x3FAA] =	sst s2  }
0xb: {  	[smem:$0x3FAB] =	sst s3  }
0xc: {  	[smem:$0x3FAC] =	sst s4  }
0xd: {  	[smem:$0x3FAD] =	sst s5  }
0xe: {  	[smem:$0x3FAE] =	sst s6  }
0xf: {  	[smem:$0x3FAF] =	sst s7  }
0x10: {  	[smem:$0x3FB0] =	sst s8  }
0x11: {  	[smem:$0x3FB1] =	sst s9;
	s0 =	simm.s32 @!p0 $0x0  }
0x12: {  	s1 =	sld [smem:$0x3F97];
	s0 =	simm.s32 @p0 $0x1  }
0x13: {  	[smem:$0x3FB2] =	sst s0;
	s0 =	simm.s32 @!p1 $0x0  }
0x14: {  	s2 =	sld [smem:$0x3F96];
	s0 =	simm.s32 @p1 $0x1  }
0x15: {  	[smem:$0x3FB3] =	sst s0;
	s0 =	simm.s32 @!p2 $0x0  }
0x16: {  	s3 =	sld [smem:$0x3FDB];
	s0 =	simm.s32 @p2 $0x1  }
0x17: {  	s4 =	simm.s32 $0x1BF5;
	[smem:$0x3FB5] =	sst s0  }
0x18: {  	s0 =	sld [smem:$0x3F98];
	_ =	swait.ge [sflag:s4], $0x0  }
0x19: {  	s7 =	sld [smem:$0x3F99]  }
0x1a: {  	s8 =	sadd.s32 $0xFFFFE003, lr  }
0x1b: {  	s9 =	sadd.s32 $0xFFFFFEF7, lr;
	s5 =	simm.s32 $0xFFFFFFFF;
	p2 =	slt.u32 s8, $0xFFFFF086  }
0x1c: {  	p1 =	slt.u32 s9, $0xF7A;
	s5 =	simm.s32 @!p2 $0x0  }
0x1d: {  	s5 =	simm.s32 @p1 $0x1;
	p0 =	seq.s32 s7, s2  }
0x1e: {  	s7 =	smul.u32 @!p0 $0xF7A, s2;
	p2 =	seq.s32 @!p0 s5, $0x0  }
0x1f: {  	s9 =	smul.u32 $0xF7A, s1;
	s8 =	simm.s32 @!p0 $0x1BF5;
	p2 =	por !p2, p0  }
0x20: {  	[sflag:s8] =	ssyncset.s32 @!p0 $0xFFFFF086;
	s6 =	sadd.s32 @!p0 s3, s7;
	s7 =	simm.s32 @!p0 $0x108  }
0x21: {  	s3 =	sadd.s32 s3, s9;
	s6 =	sadd.s32 @!p0 $0x88, s6;
	s7 =	simm.s32 @p2 $0x1082  }
0x22: {  	[simem:s7], [sflag:s8] =	dma.local @!p0 [hbm:s6], $0xF7A  }
0x23: {  	s9 =	sor.u32 $0xD0000000, s2;
	s6 =	simm.s32 $0x108;
	_ =	swait.ge @!p0 [sflag:s8], $0x0  }
0x24: {  	s3 =	sadd.s32 $0x88, s3;
	s6 =	simm.s32 @!p1 $0x1082;
	[sflag:s4] =	ssyncset.s32 $0xFFFFF086  }
0x25: {  	[simem:s6], [sflag:s4] =	dma.local [hbm:s3], $0xF7A  }
0x26: {  	[smem:$0x3F99] =	sst s1;
	(tag) =	ssettag s2;
	_ =	strace s9  }
0x27: {  	s1 =	sld [smem:$0x3FA9]  }
0x28: {  	s2 =	sld [smem:$0x3FAA]  }
0x29: {  	s4 =	sld [smem:$0x3FAC]  }
0x2a: {  	p0 =	seq.s32 s5, $0x0;
	s5 =	sld [smem:$0x3FAD]  }
0x2b: {  	s6 =	sld [smem:$0x3FAE]  }
0x2c: {  	s7 =	sld [smem:$0x3FAF]  }
0x2d: {  	s3 =	simm.s32 $0x108;
	s8 =	sld [smem:$0x3FB0]  }
0x2e: {  	s3 =	simm.s32 @!p0 $0x1082;
	s9 =	sld [smem:$0x3FB1]  }
0x2f: {  	lr =	sadd.s32 s0, s3;
	s0 =	sld [smem:$0x3FA8]  }
0x30: {  	s3 =	sld [smem:$0x3FAB]  }
0x31: {  	[smem:$0x3FB4] =	sst s10  }
0x32: {  	s10 =	sld [smem:$0x3FB2];
	_ =	sdelay $0x3  }
0x33: {  	p0 =	seq.s32 s10, $0x1;
	s10 =	sld [smem:$0x3FB4];
	_ =	sdelay $0x3  }
0x34: {  	[smem:$0x3FB4] =	sst s10  }
0x35: {  	s10 =	sld [smem:$0x3FB3];
	_ =	sdelay $0x3  }
0x36: {  	p1 =	seq.s32 s10, $0x1;
	s10 =	sld [smem:$0x3FB4];
	_ =	sdelay $0x3  }
0x37: {  	[smem:$0x3FB4] =	sst s10  }
0x38: {  	s10 =	sld [smem:$0x3FB5]  }
0x39: {  	_ = 	snop;
	(pc) =	sbr.ind lr, $3  }
0x3a: {  	_ = 	snop  }
0x3b: {  	_ = 	snop  }
0x3c: {  	p2 =	seq.s32 s10, $0x1;
	s10 =	sld [smem:$0x3FB4]  }
0x3d: {  	_ =	shalt  }
0x3e: {  	_ =	shalt  }
0x3f: {  	_ =	shalt  }
0x40: {  	_ =	shalt  }
0x41: {  	_ =	shalt  }
0x42: {  	_ =	shalt  }
0x43: {  	_ =	shalt  }
0x44: {  	_ =	shalt  }
0x45: {  	_ =	shalt  }
0x46: {  	_ =	shalt  }
0x47: {  	_ =	shalt  }
0x48: {  	_ =	shalt  }
0x49: {  	_ =	shalt  }
0x4a: {  	_ =	shalt  }
0x4b: {  	_ =	shalt  }
0x4c: {  	_ =	shalt  }
0x4d: {  	_ =	shalt  }
0x4e: {  	_ =	shalt  }
0x4f: {  	_ =	shalt  }
0x50: {  	_ =	shalt  }
0x51: {  	_ =	shalt  }
0x52: {  	_ =	shalt  }
0x53: {  	_ =	shalt  }
0x54: {  	_ =	shalt  }
0x55: {  	_ =	shalt  }
0x56: {  	_ =	shalt  }
0x57: {  	_ =	shalt  }
0x58: {  	_ =	shalt  }
0x59: {  	_ =	shalt  }
0x5a: {  	_ =	shalt  }
0x5b: {  	_ =	shalt  }
0x5c: {  	_ =	shalt  }
0x5d: {  	_ =	shalt  }
0x5e: {  	_ =	shalt  }
0x5f: {  	_ =	shalt  }
0x60: {  	_ =	shalt  }
0x61: {  	_ =	shalt  }
0x62: {  	_ =	shalt  }
0x63: {  	_ =	shalt  }
0x64: {  	_ =	shalt  }
0x65: {  	_ =	shalt  }
0x66: {  	_ =	shalt  }
0x67: {  	_ =	shalt  }
0x68: {  	_ =	shalt  }
0x69: {  	_ =	shalt  }
0x6a: {  	_ =	shalt  }
0x6b: {  	_ =	shalt  }
0x6c: {  	_ =	shalt  }
0x6d: {  	_ =	shalt  }
0x6e: {  	_ =	shalt  }
0x6f: {  	_ =	shalt  }
0x70: {  	_ =	shalt  }
0x71: {  	_ =	shalt  }
0x72: {  	_ =	shalt  }
0x73: {  	_ =	shalt  }
0x74: {  	_ =	shalt  }
0x75: {  	_ =	shalt  }
0x76: {  	_ =	shalt  }
0x77: {  	_ =	shalt  }
0x78: {  	_ =	shalt  }
0x79: {  	_ =	shalt  }
0x7a: {  	_ =	shalt  }
0x7b: {  	_ =	shalt  }
0x7c: {  	_ =	shalt  }
0x7d: {  	_ =	shalt  }
0x7e: {  	_ =	shalt  }
0x7f: {  	_ =	shalt  }
0x80: {  	_ =	shalt  }
0x81: {  	_ =	shalt  }
0x82: {  	_ =	shalt  }
0x83: {  	_ =	shalt  }
0x84: {  	_ =	shalt  }
0x85: {  	_ =	shalt  }
0x86: {  	_ =	shalt  }
0x87: {  	_ =	shalt  }
.Lfunc_end0:
.L_simem_size_0:
called_computation.1_lowered:
.L_overlay_start_0:
0x88: {  	s2 =	sld [smem:$0x3FD9]  }
0x89: {  	s3 =	sld [smem:$0x3FFE];
	_ =	sdelay $0x1  }
0x8a: {  	s1 =	srdreg.scid  }
0x8b: {  	s0 =	sand.u32 $0x1, s1  }
0x8c: {  	s17 =	sshll.u32 s0, $0xA;
	s2 =	sadd.s32 s3, s2  }
0x8d: {  	s2 =	sadd.s32 s2, s17  }
0x8e: {  	[smem:$0x3FC0] =	sst s2  }
0x8f: {  	_ = 	snop  }
0x90: {  	s2 =	sld [smem:$0x3FD0];
	(tm) =	ssettm $0x1  }
0x91: {  	s18 =	sld [smem:$0x3FFB];
	_ =	sdelay $0x3  }
0x92: {  	_ =	strace s18  }
0x93: {  	s3 =	sld [smem:$0x3FFC];
	_ =	sdelay $0x3  }
0x94: {  	_ =	strace s3  }
0x95: {  	s3 =	sld [smem:$0x3FFD];
	_ =	sdelay $0x3  }
0x96: {  	_ =	strace s3  }
0x97: {  	_ =	strace $0x8FFFFFFF  }
0x98: {  	s19 =	sld [smem:$0x3FDB];
	_ =	sdelay $0x1  }
0x99: {  	s4 =	simm.s32 $_scs_section_size  }
0x9a: {  	s5 =	simm.s32 $_size__tile_overlayer_lowered;
	s6 =	simm.s32 $_tile_overlayer_lowered  }
0x9b: {  	s22 =	simm.s32 $0x1BFF;
	s21 =	sshll.u32 s6, $0x1;
	s3 =	sadd.s32 s4, s19  }
0x9c: {  	s7 =	simm.s32 $0x0;
	s20 =	sshll.u32 s5, $0x1;
	s5 =	sadd.s32 s21, s3  }
0x9d: {  	[timem:s7], [sflag:s22] =	dma.local [hbm:s5], s20  }
0x9e: {  	_ =	swait.ge [sflag:s22], s20  }
0x9f: {  	s4 =	ssub.s32 $0x0, s20;
	[sflag:s22] =	ssyncset.done $0x0  }
0xa0: {  	[sflag:s22] =	ssyncadd.s32 s4;
	_ =	sdelay $0x1  }
0xa1: {  	s23 =	simm.s32 $0x1B8B  }
0xa2: {  	_ =	swait.ge [sflag:s23], $0x1  }
0xa3: {  	[sflag:s23] =	ssyncset.done $0x0  }
0xa4: {  	s25 =	simm.s32 $0x1B8E;
	s24 =	sld [smem:$0x3FFE];
	[sflag:s23] =	ssyncadd.s32 $0xFFFFFFFF  }
0xa5: {  	s26 =	simm.s32 $execute0_lowered;
	[smem:$0x3FD2] =	sst s25  }
0xa6: {  	s5 =	sshll.u32 s26, $0x1;
	_ =	strace $0x80000049;
	[dreg:$0x1] =	wrdreg $0xFFFFFFFF  }
0xa7: {  	s28 =	simm.s32 $_size_execute0_lowered;
	s3 =	sadd.s32 s3, s5;
	[dreg:$0x0] =	wrdreg $0x0  }
0xa8: {  	s5 =	sshll.u32 s28, $0x1;
	[dreg:$0x2] =	wrdreg s3  }
0xa9: {  	[dreg:$0x3] =	wrdreg s5  }
0xaa: {  	[dreg:$0x4] =	wrdreg $0xC0  }
0xab: {  	_ =	task [dreg:s7], $0x5FFFF  }
0xac: {  	[dreg:$0x1] =	wrdreg $0xFFFFFFFF  }
0xad: {  	[dreg:$0x0] =	wrdreg $0x60  }
0xae: {  	[dreg:$0x2] =	wrdreg s24  }
0xaf: {  	[dreg:$0x3] =	wrdreg s2  }
0xb0: {  	[dreg:$0x4] =	wrdreg $0x9  }
0xb1: {  	_ =	task.clear_ibuf [dreg:s7], $0x5FFFF;
	_ =	strace $0x90000049  }
0xb2: {  	s29 =	simm.s32 $0x9;
	_ =	strace $0x8000004B  }
0xb3: {  	_ =	swait.ge [sflag:s29], $0x1  }
0xb4: {  	[sflag:s29] =	ssyncadd.s32 $0xFFFFFFFF  }
0xb5: {  	_ =	strace $0x9000004B  }
0xb6: {  	_ =	sfence  }
0xb7: {  	s30 =	sld [smem:$0x0];
	_ =	sdelay $0x2  }
0xb8: {  	s31 =	sshll.u32 s1, $0xD;
	s1 =	sshrl.u32 s1, $0x2  }
0xb9: {  	s3 =	sand.u32 $0x4000, s31;
	s1 =	sadd.s32 s1, s30  }
0xba: {  	s0 =	sor.u32 s3, s0;
	s1 =	sshll.u32 s1, $0x11  }
0xbb: {  	s0 =	sor.u32 s1, s0  }
0xbc: {  	s0 =	sadd.s32 $0x8F2B, s0  }
0xbd: {  	[sflag:s0] =	ssyncadd.remote.s32 $0x1  }
0xbe: {  	_ =	sfence.sel $0xFFFF  }
0xbf: {  	[dreg:$0x0] =	wrdreg $0xFFFFFFFF;
	(pc) =	sbr.abs _section_cstart, $3  }
0xc0: {  	[dreg:$0x1] =	wrdreg $0xFFFFFFFF  }
0xc1: {  	_ =	task.clear_ibuf [dreg:s7], $0x2FFFF;
	_ =	strace $0x9FFFFFFF  }
0xc2: {  	(tm) =	ssettm $0x7FFFFFFF  }
0xc3: {  	_ =	shalt  }
tec
execute0_lowered:
.L_overlay_start_1:
0x0: {  	(tag) =	ssettag $0x1  }
0x1: {  	s2 =	srdreg.scid;
	s1 =	rddreg [dreg:$0x0]  }
0x2: {  	s3 =	rddreg [dreg:$0x1];
	s4 =	sand.u32 $0x1, s2;
	s2 =	simm.s32 $0x0  }
0x3: {  	s23 =	simm.s32 $0x80;
	[smem:$0x7FF] =	sst s2  }
0x4: {  	s24 =	simm.s32 $0x900;
	_ =	strace $0x8000004A;
	[dreg:$0x7] =	wrdreg s23  }
0x5: {  	s25 =	simm.s32 $0x1100;
	[dreg:$0x8] =	wrdreg s24  }
0x6: {  	s0 =	stileid.u32;
	s26 =	simm.s32 $0x1900;
	[dreg:$0x9] =	wrdreg s25  }
0x7: {  	s5 =	sshll.u32 s0, $0x4;
	s0 =	simm.s32 $0x2100;
	[dreg:$0xa] =	wrdreg s26  }
0x8: {  	s8 =	simm.s32 $0x4100;
	[dreg:$0xb] =	wrdreg s0  }
0x9: {  	s9 =	simm.s32 $0x4900;
	[dreg:$0xf] =	wrdreg s8  }
0xa: {  	s10 =	simm.s32 $0x5100;
	[dreg:$0x10] =	wrdreg s9  }
0xb: {  	s11 =	simm.s32 $0x5900;
	[dreg:$0x11] =	wrdreg s10  }
0xc: {  	s12 =	simm.s32 $0x6100;
	[dreg:$0x12] =	wrdreg s11  }
0xd: {  	s13 =	simm.s32 $0x6900;
	[dreg:$0x13] =	wrdreg s12  }
0xe: {  	s14 =	simm.s32 $0x7100;
	s15 =	simm.s32 $0x7900;
	[dreg:$0x14] =	wrdreg s13  }
0xf: {  	s16 =	simm.s32 $0x8100;
	s17 =	simm.s32 $0x8900;
	[dreg:$0x15] =	wrdreg s14  }
0x10: {  	s18 =	simm.s32 $0x9100;
	s20 =	simm.s32 $0x9900;
	[dreg:$0x16] =	wrdreg s15  }
0x11: {  	s28 =	simm.s32 $0x16100;
	s29 =	simm.s32 $0x16900;
	[dreg:$0x17] =	wrdreg s16  }
0x12: {  	s30 =	simm.s32 $0x17100;
	s31 =	simm.s32 $0x17900;
	[dreg:$0x18] =	wrdreg s17  }
0x13: {  	s6 =	sshll.u32 s4, $0x3;
	s4 =	ssub.s32 $0x2, s4;
	[dreg:$0x19] =	wrdreg s18  }
0x14: {  	s5 =	sor.u32 s6, s5;
	s19 =	sshrl.u32 s4, $0x1;
	[dreg:$0x1a] =	wrdreg s20  }
0x15: {  	s23 =	simm.s32 $0xB100;
	s24 =	simm.s32 $0xB900;
	s25 =	simm.s32 $0xC900  }
0x16: {  	s8 =	simm.s32 $0x100;
	s26 =	simm.s32 $0xD100;
	s9 =	simm.s32 $0xC100  }
0x17: {  	s11 =	simm.s32 $0xE100;
	s12 =	simm.s32 $0xE900;
	s13 =	simm.s32 $0xF100  }
0x18: {  	s14 =	simm.s32 $0xF900;
	s15 =	simm.s32 $0x10100;
	[dreg:$0x1d] =	wrdreg s23  }
0x19: {  	s16 =	simm.s32 $0x10900;
	s17 =	simm.s32 $0x11100;
	[dreg:$0x1e] =	wrdreg s24  }
0x1a: {  	s18 =	simm.s32 $0x11900;
	s6 =	sadd.s32 s5, s1;
	[dreg:$0x1f] =	wrdreg s25  }
0x1b: {  	s5 =	smul.u32 $0x300, s5;
	[smem:$0x7FD] =	sst s26;
	s7 =	sadd.s32 $0x1800, s6  }
0x1c: {  	s20 =	simm.s32 $0x12900;
	s6 =	sadd.s32 $0x1A00, s6;
	[dreg:$0x3] =	wrdreg s7  }
0x1d: {  	s23 =	simm.s32 $0x14100;
	[dreg:$0x4] =	wrdreg s6;
	s3 =	sadd.s32 s3, s5  }
0x1e: {  	s21 =	sadd.s32 s5, s1;
	s5 =	simm.s32 $0x2900;
	[dreg:$0x5] =	wrdreg s3  }
0x1f: {  	s24 =	simm.s32 $0x14900;
	s6 =	simm.s32 $0x3100;
	[dreg:$0xc] =	wrdreg s5  }
0x20: {  	s25 =	simm.s32 $0x15100;
	s7 =	simm.s32 $0x3900;
	[dreg:$0xd] =	wrdreg s6  }
0x21: {  	s26 =	simm.s32 $0x15900;
	s22 =	sadd.s32 $0x91C00, s21;
	[dreg:$0xe] =	wrdreg s7  }
0x22: {  	s3 =	sadd.s32 $0x1C00, s1;
	s6 =	ssub.s32 s4, s19;
	s21 =	simm.s32 $0xA100  }
0x23: {  	s4 =	sadd.s32 $0x1D00, s1;
	s5 =	sadd.s32 $0x1E00, s1;
	s7 =	simm.s32 $0x2  }
0x24: {  	v2 =	vlaneseq.u32;
	s19 =	simm.s32 $0x12100;
	s1 =	simm.s32 $0x1;
	[dreg:$0x6] =	wrdreg s22  }
0x25: {  	vm0 =	vmmov $0xffff;
	v1 =	vshrl.u32 v2, $0x3;
	[dreg:$0x1b] =	wrdreg s21;
	s22 =	simm.s32 $0xA900;
	s6 =	smax.u32 s6, $0x1  }
0x26: {  	v0 =	vand.u32 $0x7, v2;
	v2 =	vor.u32 $0x8, v2;
	v1 =	vmul.u32 $0x8, v1;
	s21 =	simm.s32 $0x13100;
	[dreg:$0x1c] =	wrdreg s22;
	s22 =	simm.s32 $0x13900  }
.LBB2_1:
0x27: {  	s0 =	rddreg [dreg:$0x3]  }
0x28: {  	[tilespmem:s2], [sflag:$0x2] =	stream.linear.gather [hbm4b:s0+s2], $0x40, $0x38;
	[tilespmem:$0x18100] =	vst v63  }
0x29: {  	_ =	swait.ge [sflag:s7], $0x40  }
0x2a: {  	s0 =	rddreg [dreg:$0x4];
	[sflag:s7] =	ssyncset.done $0x0  }
0x2b: {  	s10 =	rddreg [dreg:$0x7];
	[sflag:s7] =	ssyncadd.s32 $0xFFFFFFC0  }
0x2c: {  	[tilespmem:s10], [sflag:$0x2] =	stream.linear.gather [hbm4b:s0+s2], $0x40, $0x38;
	[tilespmem:$0x18100] =	vst v63  }
0x2d: {  	_ =	swait.ge [sflag:s7], $0x40  }
0x2e: {  	[sflag:s7] =	ssyncset.done $0x0  }
0x2f: {  	[sflag:s7] =	ssyncadd.s32 $0xFFFFFFC0  }
0x30: {  	v3 =	vld [tilespmem:$0x0];
	_ =	sdelay $0x4  }
0x31: {  	v4 =	vshrl.u32 v3, $0x3  }
0x32: {  	v4 =	vmul.u32 $0x30, v4  }
0x33: {  	v3 =	vand.u32 $0x7, v3  }
0x34: {  	v3 =	vor.u32 v3, v4  }
0x35: {  	v4 =	vperm.xlane v3, v0;
	_ =	sdelay $0x1  }
0x36: {  	v4 =	vadd.s32 v1, v4;
	_ =	sdelay $0x3  }
0x37: {  	v3 =	vperm.xlane v3, v2  }
0x38: {  	[tilespmem:s8], [sflag:$0x1] =	stream.indirect_vreg.gather [hbm4b:s3+s2], $0x80, v4, vm0, $0xb8;
	[tilespmem:$0x18100] =	vst v63  }
0x39: {  	s0 =	rddreg [dreg:$0x8];
	v3 =	vadd.s32 v1, v3  }
0x3a: {  	[tilespmem:s0], [sflag:$0x1] =	stream.indirect_vreg.gather [hbm4b:s4+s2], $0x80, v4, vm0, $0xb8;
	[tilespmem:$0x18100] =	vst v63  }
0x3b: {  	s10 =	rddreg [dreg:$0x9]  }
0x3c: {  	[tilespmem:s10], [sflag:$0x1] =	stream.indirect_vreg.gather [hbm4b:s5+s2], $0x80, v4, vm0, $0xb8;
	[tilespmem:$0x18100] =	vst v63  }
0x3d: {  	s0 =	rddreg [dreg:$0xa]  }
0x3e: {  	[tilespmem:s0], [sflag:$0x1] =	stream.indirect_vreg.gather [hbm4b:s3+s2], $0x80, v3, vm0, $0xb8;
	[tilespmem:$0x18100] =	vst v63  }
0x3f: {  	s10 =	rddreg [dreg:$0xb]  }
0x40: {  	[tilespmem:s10], [sflag:$0x1] =	stream.indirect_vreg.gather [hbm4b:s4+s2], $0x80, v3, vm0, $0xb8;
	[tilespmem:$0x18100] =	vst v63  }
0x41: {  	s0 =	rddreg [dreg:$0xc]  }
0x42: {  	[tilespmem:s0], [sflag:$0x1] =	stream.indirect_vreg.gather [hbm4b:s5+s2], $0x80, v3, vm0, $0xb8;
	[tilespmem:$0x18100] =	vst v63  }
0x43: {  	v3 =	vld [tilespmem:$0x10];
	_ =	sdelay $0x4  }
0x44: {  	v57 =	vshrl.u32 v3, $0x3  }
0x45: {  	v4 =	vmul.u32 $0x30, v57  }
0x46: {  	v3 =	vand.u32 $0x7, v3  }
0x47: {  	v3 =	vor.u32 v3, v4  }
0x48: {  	v4 =	vperm.xlane v3, v0;
	_ =	sdelay $0x1  }
0x49: {  	v4 =	vadd.s32 v1, v4;
	_ =	sdelay $0x3  }
0x4a: {  	s0 =	rddreg [dreg:$0xd];
	v3 =	vperm.xlane v3, v2  }
0x4b: {  	[tilespmem:s0], [sflag:$0x1] =	stream.indirect_vreg.gather [hbm4b:s3+s2], $0x80, v4, vm0, $0xb8;
	[tilespmem:$0x18100] =	vst v63  }
0x4c: {  	s10 =	rddreg [dreg:$0xe];
	v3 =	vadd.s32 v1, v3  }
0x4d: {  	[tilespmem:s10], [sflag:$0x1] =	stream.indirect_vreg.gather [hbm4b:s4+s2], $0x80, v4, vm0, $0xb8;
	[tilespmem:$0x18100] =	vst v63  }
0x4e: {  	s0 =	rddreg [dreg:$0xf]  }
0x4f: {  	[tilespmem:s0], [sflag:$0x1] =	stream.indirect_vreg.gather [hbm4b:s5+s2], $0x80, v4, vm0, $0xb8;
	[tilespmem:$0x18100] =	vst v63  }
0x50: {  	s10 =	rddreg [dreg:$0x10]  }
0x51: {  	[tilespmem:s10], [sflag:$0x1] =	stream.indirect_vreg.gather [hbm4b:s3+s2], $0x80, v3, vm0, $0xb8;
	[tilespmem:$0x18100] =	vst v63  }
0x52: {  	s0 =	rddreg [dreg:$0x11]  }
0x53: {  	[tilespmem:s0], [sflag:$0x1] =	stream.indirect_vreg.gather [hbm4b:s4+s2], $0x80, v3, vm0, $0xb8;
	[tilespmem:$0x18100] =	vst v63  }
0x54: {  	s10 =	rddreg [dreg:$0x12]  }
0x55: {  	[tilespmem:s10], [sflag:$0x1] =	stream.indirect_vreg.gather [hbm4b:s5+s2], $0x80, v3, vm0, $0xb8;
	[tilespmem:$0x18100] =	vst v63  }
0x56: {  	v3 =	vld [tilespmem:$0x20];
	_ =	sdelay $0x4  }
0x57: {  	v58 =	vshrl.u32 v3, $0x3  }
0x58: {  	v4 =	vmul.u32 $0x30, v58  }
0x59: {  	v3 =	vand.u32 $0x7, v3  }
0x5a: {  	v3 =	vor.u32 v3, v4  }
0x5b: {  	v4 =	vperm.xlane v3, v0;
	_ =	sdelay $0x1  }
0x5c: {  	v4 =	vadd.s32 v1, v4;
	_ =	sdelay $0x3  }
0x5d: {  	s0 =	rddreg [dreg:$0x13];
	v3 =	vperm.xlane v3, v2  }
0x5e: {  	[tilespmem:s0], [sflag:$0x1] =	stream.indirect_vreg.gather [hbm4b:s3+s2], $0x80, v4, vm0, $0xb8;
	[tilespmem:$0x18100] =	vst v63  }
0x5f: {  	s10 =	rddreg [dreg:$0x14];
	v3 =	vadd.s32 v1, v3  }
0x60: {  	[tilespmem:s10], [sflag:$0x1] =	stream.indirect_vreg.gather [hbm4b:s4+s2], $0x80, v4, vm0, $0xb8;
	[tilespmem:$0x18100] =	vst v63  }
0x61: {  	s0 =	rddreg [dreg:$0x15]  }
0x62: {  	[tilespmem:s0], [sflag:$0x1] =	stream.indirect_vreg.gather [hbm4b:s5+s2], $0x80, v4, vm0, $0xb8;
	[tilespmem:$0x18100] =	vst v63  }
0x63: {  	s10 =	rddreg [dreg:$0x16]  }
0x64: {  	[tilespmem:s10], [sflag:$0x1] =	stream.indirect_vreg.gather [hbm4b:s3+s2], $0x80, v3, vm0, $0xb8;
	[tilespmem:$0x18100] =	vst v63  }
0x65: {  	s0 =	rddreg [dreg:$0x17]  }
0x66: {  	[tilespmem:s0], [sflag:$0x1] =	stream.indirect_vreg.gather [hbm4b:s4+s2], $0x80, v3, vm0, $0xb8;
	[tilespmem:$0x18100] =	vst v63  }
0x67: {  	s10 =	rddreg [dreg:$0x18]  }
0x68: {  	[tilespmem:s10], [sflag:$0x1] =	stream.indirect_vreg.gather [hbm4b:s5+s2], $0x80, v3, vm0, $0xb8;
	[tilespmem:$0x18100] =	vst v63  }
0x69: {  	v3 =	vld [tilespmem:$0x30];
	_ =	sdelay $0x4  }
0x6a: {  	v59 =	vshrl.u32 v3, $0x3  }
0x6b: {  	v4 =	vmul.u32 $0x30, v59  }
0x6c: {  	v3 =	vand.u32 $0x7, v3  }
0x6d: {  	v3 =	vor.u32 v3, v4  }
0x6e: {  	v4 =	vperm.xlane v3, v0;
	_ =	sdelay $0x1  }
0x6f: {  	v4 =	vadd.s32 v1, v4;
	_ =	sdelay $0x3  }
0x70: {  	s0 =	rddreg [dreg:$0x19];
	v3 =	vperm.xlane v3, v2  }
0x71: {  	[tilespmem:s0], [sflag:$0x1] =	stream.indirect_vreg.gather [hbm4b:s3+s2], $0x80, v4, vm0, $0xb8;
	[tilespmem:$0x18100] =	vst v63  }
0x72: {  	s10 =	rddreg [dreg:$0x1a];
	v3 =	vadd.s32 v1, v3  }
0x73: {  	[tilespmem:s10], [sflag:$0x1] =	stream.indirect_vreg.gather [hbm4b:s4+s2], $0x80, v4, vm0, $0xb8;
	[tilespmem:$0x18100] =	vst v63  }
0x74: {  	s0 =	rddreg [dreg:$0x1b]  }
0x75: {  	[tilespmem:s0], [sflag:$0x1] =	stream.indirect_vreg.gather [hbm4b:s5+s2], $0x80, v4, vm0, $0xb8;
	[tilespmem:$0x18100] =	vst v63  }
0x76: {  	s10 =	rddreg [dreg:$0x1c]  }
0x77: {  	[tilespmem:s10], [sflag:$0x1] =	stream.indirect_vreg.gather [hbm4b:s3+s2], $0x80, v3, vm0, $0xb8;
	[tilespmem:$0x18100] =	vst v63  }
0x78: {  	s0 =	rddreg [dreg:$0x1d]  }
0x79: {  	[tilespmem:s0], [sflag:$0x1] =	stream.indirect_vreg.gather [hbm4b:s4+s2], $0x80, v3, vm0, $0xb8;
	[tilespmem:$0x18100] =	vst v63  }
0x7a: {  	s10 =	rddreg [dreg:$0x1e]  }
0x7b: {  	[tilespmem:s10], [sflag:$0x1] =	stream.indirect_vreg.gather [hbm4b:s5+s2], $0x80, v3, vm0, $0xb8;
	[tilespmem:$0x18100] =	vst v63  }
0x7c: {  	v3 =	vld [tilespmem:$0x80];
	_ =	sdelay $0x4  }
0x7d: {  	v60 =	vshrl.u32 v3, $0x3  }
0x7e: {  	v4 =	vmul.u32 $0x30, v60  }
0x7f: {  	v3 =	vand.u32 $0x7, v3  }
0x80: {  	v3 =	vor.u32 v3, v4  }
0x81: {  	v4 =	vperm.xlane v3, v0;
	_ =	sdelay $0x1  }
0x82: {  	v4 =	vadd.s32 v1, v4;
	_ =	sdelay $0x3  }
0x83: {  	s0 =	rddreg [dreg:$0x1f];
	v3 =	vperm.xlane v3, v2  }
0x84: {  	[tilespmem:s9], [sflag:$0x1] =	stream.indirect_vreg.gather [hbm4b:s3+s2], $0x80, v4, vm0, $0xb8;
	[tilespmem:$0x18100] =	vst v63  }
0x85: {  	s10 =	sld [smem:$0x7FD];
	v3 =	vadd.s32 v1, v3  }
0x86: {  	[tilespmem:s0], [sflag:$0x1] =	stream.indirect_vreg.gather [hbm4b:s4+s2], $0x80, v4, vm0, $0xb8;
	[tilespmem:$0x18100] =	vst v63  }
0x87: {  	_ = 	snop  }
0x88: {  	[tilespmem:s10], [sflag:$0x1] =	stream.indirect_vreg.gather [hbm4b:s5+s2], $0x80, v4, vm0, $0xb8;
	[tilespmem:$0x18100] =	vst v63  }
0x89: {  	s10 =	simm.s32 $0xD900  }
0x8a: {  	[tilespmem:s10], [sflag:$0x1] =	stream.indirect_vreg.gather [hbm4b:s3+s2], $0x80, v3, vm0, $0xb8;
	[tilespmem:$0x18100] =	vst v63  }
0x8b: {  	_ = 	snop  }
0x8c: {  	[tilespmem:s11], [sflag:$0x1] =	stream.indirect_vreg.gather [hbm4b:s4+s2], $0x80, v3, vm0, $0xb8;
	[tilespmem:$0x18100] =	vst v63  }
0x8d: {  	_ = 	snop  }
0x8e: {  	[tilespmem:s12], [sflag:$0x1] =	stream.indirect_vreg.gather [hbm4b:s5+s2], $0x80, v3, vm0, $0xb8;
	[tilespmem:$0x18100] =	vst v63  }
0x8f: {  	v3 =	vld [tilespmem:$0x90];
	_ =	sdelay $0x4  }
0x90: {  	v61 =	vshrl.u32 v3, $0x3  }
0x91: {  	v4 =	vmul.u32 $0x30, v61  }
0x92: {  	v3 =	vand.u32 $0x7, v3  }
0x93: {  	v3 =	vor.u32 v3, v4  }
0x94: {  	v4 =	vperm.xlane v3, v0;
	_ =	sdelay $0x1  }
0x95: {  	v4 =	vadd.s32 v1, v4;
	_ =	sdelay $0x3  }
0x96: {  	v3 =	vperm.xlane v3, v2  }
0x97: {  	[tilespmem:s13], [sflag:$0x1] =	stream.indirect_vreg.gather [hbm4b:s3+s2], $0x80, v4, vm0, $0xb8;
	[tilespmem:$0x18100] =	vst v63  }
0x98: {  	v3 =	vadd.s32 v1, v3  }
0x99: {  	[tilespmem:s14], [sflag:$0x1] =	stream.indirect_vreg.gather [hbm4b:s4+s2], $0x80, v4, vm0, $0xb8;
	[tilespmem:$0x18100] =	vst v63  }
0x9a: {  	_ = 	snop  }
0x9b: {  	[tilespmem:s15], [sflag:$0x1] =	stream.indirect_vreg.gather [hbm4b:s5+s2], $0x80, v4, vm0, $0xb8;
	[tilespmem:$0x18100] =	vst v63  }
0x9c: {  	_ = 	snop  }
0x9d: {  	[tilespmem:s16], [sflag:$0x1] =	stream.indirect_vreg.gather [hbm4b:s3+s2], $0x80, v3, vm0, $0xb8;
	[tilespmem:$0x18100] =	vst v63  }
0x9e: {  	_ = 	snop  }
0x9f: {  	[tilespmem:s17], [sflag:$0x1] =	stream.indirect_vreg.gather [hbm4b:s4+s2], $0x80, v3, vm0, $0xb8;
	[tilespmem:$0x18100] =	vst v63  }
0xa0: {  	_ = 	snop  }
0xa1: {  	[tilespmem:s18], [sflag:$0x1] =	stream.indirect_vreg.gather [hbm4b:s5+s2], $0x80, v3, vm0, $0xb8;
	[tilespmem:$0x18100] =	vst v63  }
0xa2: {  	v3 =	vld [tilespmem:$0xA0];
	_ =	sdelay $0x4  }
0xa3: {  	v62 =	vshrl.u32 v3, $0x3  }
0xa4: {  	v4 =	vmul.u32 $0x30, v62  }
0xa5: {  	v3 =	vand.u32 $0x7, v3  }
0xa6: {  	v3 =	vor.u32 v3, v4  }
0xa7: {  	v4 =	vperm.xlane v3, v0;
	_ =	sdelay $0x1  }
0xa8: {  	v4 =	vadd.s32 v1, v4;
	_ =	sdelay $0x3  }
0xa9: {  	v3 =	vperm.xlane v3, v2  }
0xaa: {  	[tilespmem:s19], [sflag:$0x1] =	stream.indirect_vreg.gather [hbm4b:s3+s2], $0x80, v4, vm0, $0xb8;
	[tilespmem:$0x18100] =	vst v63  }
0xab: {  	v3 =	vadd.s32 v1, v3  }
0xac: {  	[tilespmem:s20], [sflag:$0x1] =	stream.indirect_vreg.gather [hbm4b:s4+s2], $0x80, v4, vm0, $0xb8;
	[tilespmem:$0x18100] =	vst v63  }
0xad: {  	_ = 	snop  }
0xae: {  	[tilespmem:s21], [sflag:$0x1] =	stream.indirect_vreg.gather [hbm4b:s5+s2], $0x80, v4, vm0, $0xb8;
	[tilespmem:$0x18100] =	vst v63  }
0xaf: {  	_ = 	snop  }
0xb0: {  	[tilespmem:s22], [sflag:$0x1] =	stream.indirect_vreg.gather [hbm4b:s3+s2], $0x80, v3, vm0, $0xb8;
	[tilespmem:$0x18100] =	vst v63  }
0xb1: {  	_ = 	snop  }
0xb2: {  	[tilespmem:s23], [sflag:$0x1] =	stream.indirect_vreg.gather [hbm4b:s4+s2], $0x80, v3, vm0, $0xb8;
	[tilespmem:$0x18100] =	vst v63  }
0xb3: {  	_ = 	snop  }
0xb4: {  	[tilespmem:s24], [sflag:$0x1] =	stream.indirect_vreg.gather [hbm4b:s5+s2], $0x80, v3, vm0, $0xb8;
	[tilespmem:$0x18100] =	vst v63  }
0xb5: {  	v3 =	vld [tilespmem:$0xB0];
	_ =	sdelay $0x4  }
0xb6: {  	v63 =	vshrl.u32 v3, $0x3  }
0xb7: {  	v4 =	vmul.u32 $0x30, v63  }
0xb8: {  	v3 =	vand.u32 $0x7, v3  }
0xb9: {  	v3 =	vor.u32 v3, v4  }
0xba: {  	v4 =	vperm.xlane v3, v0;
	_ =	sdelay $0x1  }
0xbb: {  	v4 =	vadd.s32 v1, v4;
	_ =	sdelay $0x3  }
0xbc: {  	v3 =	vperm.xlane v3, v2  }
0xbd: {  	[tilespmem:s25], [sflag:$0x1] =	stream.indirect_vreg.gather [hbm4b:s3+s2], $0x80, v4, vm0, $0xb8;
	[tilespmem:$0x18100] =	vst v63  }
0xbe: {  	v3 =	vadd.s32 v1, v3  }
0xbf: {  	[tilespmem:s26], [sflag:$0x1] =	stream.indirect_vreg.gather [hbm4b:s4+s2], $0x80, v4, vm0, $0xb8;
	[tilespmem:$0x18100] =	vst v63  }
0xc0: {  	_ = 	snop  }
0xc1: {  	[tilespmem:s28], [sflag:$0x1] =	stream.indirect_vreg.gather [hbm4b:s5+s2], $0x80, v4, vm0, $0xb8;
	[tilespmem:$0x18100] =	vst v63  }
0xc2: {  	_ = 	snop  }
0xc3: {  	[tilespmem:s29], [sflag:$0x1] =	stream.indirect_vreg.gather [hbm4b:s3+s2], $0x80, v3, vm0, $0xb8;
	[tilespmem:$0x18100] =	vst v63  }
0xc4: {  	_ = 	snop  }
0xc5: {  	[tilespmem:s30], [sflag:$0x1] =	stream.indirect_vreg.gather [hbm4b:s4+s2], $0x80, v3, vm0, $0xb8;
	[tilespmem:$0x18100] =	vst v63  }
0xc6: {  	_ = 	snop  }
0xc7: {  	[tilespmem:s31], [sflag:$0x1] =	stream.indirect_vreg.gather [hbm4b:s5+s2], $0x80, v3, vm0, $0xb8;
	[tilespmem:$0x18100] =	vst v63  }
0xc8: {  	_ =	swait.ge [sflag:s1], $0xC000  }
0xc9: {  	[sflag:s1] =	ssyncset.done $0x0  }
0xca: {  	[sflag:s1] =	ssyncadd.s32 $0xFFFF4000  }
0xcb: {  	_ =	swait.ge [sflag:s1], $0xC000  }
0xcc: {  	[sflag:s1] =	ssyncset.done $0x0  }
0xcd: {  	s10 =	rddreg [dreg:$0x5];
	[sflag:s1] =	ssyncadd.s32 $0xFFFF4000  }
0xce: {  	[hbm4b:s10+s2] =	stream.linear.scatter [tilespmem:s8], [sflag:$0x2], $0xC000, $0x38;
	[tilespmem:$0x18100] =	vst v63  }
0xcf: {  	_ =	swait.ge [sflag:s7], $0xC000  }
0xd0: {  	p0 =	sne.s32 s6, $0x1;
	[sflag:s7] =	ssyncset.done $0x0  }
.Ltmp0:
0xd1: {  	s10 =	rddreg [dreg:$0x6];
	[sflag:s7] =	ssyncadd.s32 $0xFFFF4000;
	(pc) =	sbr.rel @p0 .LBB2_1-.Ltmp0, $4  }
0xd2: {  	[hbm4b:s10+s2] =	stream.linear.scatter [tilespmem:s9], [sflag:$0x2], $0xC000, $0x38;
	[tilespmem:$0x18100] =	vst v63  }
0xd3: {  	_ =	swait.ge [sflag:s7], $0xC000  }
0xd4: {  	[sflag:s7] =	ssyncset.done $0x0  }
0xd5: {  	s6 =	sadd.s32 $0xFFFFFFFF, s6;
	[sflag:s7] =	ssyncadd.s32 $0xFFFF4000  }
0xd6: {  	_ =	sfence.sel $0x180000  }
0xd7: {  	[bflag:$0x0] =	sbarrier.arrive $0xFFFF  }
0xd8: {  	_ =	strace $0x9000004A  }
0xd9: {  	s0 =	stileid.u32;
	[bflag:$0x2] =	sbarrier.arrive $0xFFFF  }
0xda: {  	p0 =	sne.s32 s0, $0x0;
	s0 =	rddreg [dreg:$0x2]  }
0xdb: {  	s0 =	sadd.s32 @!p0 $0x100000, s0  }
0xdc: {  	[sflag:s0] =	ssyncadd.tile.s32 @!p0 $0x1;
	_ =	shalt  }
.Lfunc_end2:
_tile_overlayer_lowered:
.L_overlay_start_2:
0xdd: {  	(tag) =	ssettag $0x2  }
0xde: {  	s0 =	rddreg [dreg:$0x0];
	s2 =	stileid.u32  }
0xdf: {  	s1 =	rddreg [dreg:$0x1];
	p0 =	sne.s32 s2, $0x0  }
0xe0: {  	s3 =	rddreg [dreg:$0x2];
	[bflag:$0x3] =	sbarrier.arrive $0xFFFF;
	s2 =	simm.s32 @!p0 $0x1C02  }
0xe1: {  	[timem:s3], [sflag:s2] =	dma.local @!p0 [hbm:s0], s1  }
0xe2: {  	s0 =	simm.s32 @!p0 $0x2  }
0xe3: {  	_ =	swait.ge @!p0 [sflag:s0], s1  }
0xe4: {  	s1 =	ssub.s32 @!p0 $0x0, s1;
	[sflag:s0] =	ssyncset.done @!p0 $0x0  }
0xe5: {  	[sflag:s0] =	ssyncadd.s32 @!p0 s1  }
0xe6: {  	[bflag:$0x3] =	sbarrier.arrive $0xFFFF  }
0xe7: {  	_ =	shalt  }

</sc_bundles>
